<compile_context>
chip_gen: v7x
topology: tpu7x:2x2x1
jax: 0.10.2.dev20260603
libtpu: 0.0.44.dev20260713+nightly
codegen_flags: <defaults>
</compile_context>

<pallas_src>
import jax
import jax.numpy as jnp
from jax import lax
from jax.experimental import pallas as pl
from jax.experimental.pallas import tpu as pltpu
from jax.experimental.pallas import tpu_sc as plsc

D_MODEL = 128
MAX_REL = 128
SEQ = 1024
RPAD = 2 * SEQ
NC, NS, L = 2, 16, 16
NW = NC * NS
FILL = RPAD // NS
ROWS_PER_W = SEQ // NW
HALF = SEQ // 2
CUT = 600
WIN = CUT + ROWS_PER_W - 1
NBUF = 8
EMBV = FILL + 8
EPAD = 264


def _rel_pos_body(emb_hbm, out_hbm, emb_v, rows_v, win_v, r_sh, dsem, ssem):
    c = lax.axis_index("c")
    s = lax.axis_index("s")

    base = s * FILL
    src_min = jnp.clip((SEQ - 1) - (base + FILL - 1), -MAX_REL, MAX_REL) + MAX_REL
    start = jnp.minimum((src_min // 8) * 8, MAX_REL)
    pltpu.sync_copy(emb_hbm.at[pl.ds(start, EMBV)], emb_v)

    def fill_row(t, _):
        src = jnp.clip((SEQ - 1) - (base + t), -MAX_REL, MAX_REL) + MAX_REL
        for k in range(D_MODEL // L):
            rows_v[t, pl.ds(k * L, L)] = emb_v[src - start, pl.ds(k * L, L)]
        return 0

    lax.fori_loop(0, FILL, fill_row, 0)
    pltpu.sync_copy(rows_v, r_sh.at[pl.ds(base, FILL)])
    plsc.subcore_barrier()

    w = s * NC + c
    i0 = w * ROWS_PER_W

    pending = []

    def fire_second_half(i):
        pending.append(
            pltpu.async_copy(
                r_sh.at[pl.ds((SEQ - 1) - i + CUT, SEQ - CUT)],
                out_hbm.at[i, pl.ds(CUT, SEQ - CUT)],
                dsem,
            )
        )
        if len(pending) >= NBUF:
            pending.pop(0).wait()

    for r in range(NBUF):
        fire_second_half(i0 + r)

    wbase = (SEQ - ROWS_PER_W) - i0
    pltpu.sync_copy(r_sh.at[pl.ds(wbase, WIN)], win_v)
    streams = [
        pltpu.async_copy(
            win_v.at[pl.ds((ROWS_PER_W - 1) - r, CUT)],
            out_hbm.at[i0 + r, pl.ds(0, CUT)],
            ssem,
        )
        for r in range(ROWS_PER_W)
    ]

    for r in range(NBUF, ROWS_PER_W):
        fire_second_half(i0 + r)
    for d in pending:
        d.wait()
    for d in streams:
        d.wait()


@jax.jit
def _rel_pos_sc(embeddings):
    mesh = plsc.VectorSubcoreMesh(
        core_axis_name="c", subcore_axis_name="s",
        num_cores=NC, num_subcores=NS,
    )
    return pl.kernel(
        _rel_pos_body,
        out_type=jax.ShapeDtypeStruct((SEQ, SEQ, D_MODEL), jnp.float32),
        mesh=mesh,
        scratch_types=[
            pltpu.VMEM((EMBV, D_MODEL), jnp.float32),
            pltpu.VMEM((FILL, D_MODEL), jnp.float32),
            pltpu.VMEM((WIN, D_MODEL), jnp.float32),
            pltpu.VMEM_SHARED((RPAD, D_MODEL), jnp.float32),
            pltpu.SemaphoreType.DMA,
            pltpu.SemaphoreType.DMA,
        ],
    )(embeddings)


def kernel(embeddings, seq_len):
    del seq_len
    emb_pad = jnp.pad(embeddings, ((0, EPAD - embeddings.shape[0]), (0, 0)))
    return _rel_pos_sc(emb_pad)

# --- scband reference (transcript-rebuilt; emitter-appended) ---
"""Pipeline reference for scband-relative-positional-encoding-90013924590127 (READ-ONLY COPY).

The authoritative reference and input builder live on the scoring server;
editing this copy changes nothing except your own understanding.
"""

import jax, jax.numpy as jnp
import numpy as np

D_MODEL = 128
MAX_REL = 128
SEQ_LEN = 1024

def setup_inputs(seed: int = 0) -> dict:
    key = jax.random.key(seed)
    k1, _ = jax.random.split(key)
    embeddings = jax.random.normal(k1, (2 * MAX_REL + 1, D_MODEL), dtype=jnp.float32)
    return {"embeddings": embeddings, "seq_len": SEQ_LEN}

def reference(embeddings, seq_len):
    # positions[i, j] = i - j, clamped to [-MAX_REL, MAX_REL], shifted to [0, 2*MAX_REL]
    idx = jnp.arange(SEQ_LEN)
    positions = idx[:, None] - idx[None, :]
    positions = jnp.clip(positions, -MAX_REL, MAX_REL) + MAX_REL
    positions = positions + (seq_len - seq_len)
    # embedding lookup: gather rows of the table -> [seq_len, seq_len, d_model]
    return jnp.take(embeddings, positions, axis=0)

if __name__ == "__main__":
    import jax
    _d = setup_inputs()
    print(jax.jit(kernel)(*tuple(_d.values())))

</pallas_src>

<mosaic_0001>
#map = affine_map<(d0, d1) -> (0, 0)>
#map1 = affine_map<(d0, d1) -> (0, 0, 0)>
module attributes {stable_mosaic.version = 14 : i64} {
  func.func @_rel_pos_body(%arg0: i32, %arg1: i32, %arg2: memref<264x128xf32, #tpu.memory_space<hbm>>, %arg3: memref<1024x1024x128xf32, #tpu.memory_space<hbm>>, %arg4: memref<136x128xf32, #tpu.memory_space<vmem>>, %arg5: memref<128x128xf32, #tpu.memory_space<vmem>>, %arg6: memref<631x128xf32, #tpu.memory_space<vmem>>, %arg7: memref<2048x128xf32, #tpu.memory_space<vmem_shared>>, %arg8: memref<!tpu.dma_semaphore, #tpu.memory_space<semaphore_mem>>, %arg9: memref<!tpu.dma_semaphore, #tpu.memory_space<semaphore_mem>>) attributes {dimension_semantics = [#tpu.dimension_semantics<core_parallel>, #tpu.dimension_semantics<subcore_parallel>], iteration_bounds = array<i64: 2, 16>, scalar_prefetch = 0 : i64, scratch_operands = 6 : i64, tpu.core_type = #tpu.core_type<sc_vector_subcore>, window_params = [{transform_indices = #map}, {transform_indices = #map1}]} {
    %mul3A = arith.constant 128 : i32
    %mul3A_0 = arith.muli %arg1, %mul3A : i32
    %add3A = arith.constant 128 : i32
    %add3A_1 = arith.addi %mul3A_0, %add3A : i32
    %sub3A = arith.constant 1 : i32
    %sub3A_2 = arith.subi %add3A_1, %sub3A : i32
    %sub3A_3 = arith.constant 1023 : i32
    %sub3A_4 = arith.subi %sub3A_3, %sub3A_2 : i32
    %jit3A = arith.constant -128 : i32
    %jit3A_5 = arith.constant 128 : i32
    %max3A = arith.maxsi %jit3A, %sub3A_4 : i32
    %min3A = arith.minsi %jit3A_5, %max3A : i32
    %add3A_6 = arith.constant 128 : i32
    %add3A_7 = arith.addi %min3A, %add3A_6 : i32
    %jit3A_8 = arith.constant 8 : i32
    %div3A = arith.divsi %add3A_7, %jit3A_8 : i32
    %sign3A = arith.constant 0 : i32
    %sign3A_9 = arith.cmpi sgt, %add3A_7, %sign3A : i32
    %sign3A_10 = arith.extui %sign3A_9 : i1 to i32
    %sign3A_11 = arith.constant 0 : i32
    %sign3A_12 = arith.cmpi slt, %add3A_7, %sign3A_11 : i32
    %sign3A_13 = arith.extui %sign3A_12 : i1 to i32
    %sign3A_14 = arith.subi %sign3A_10, %sign3A_13 : i32
    %sign3A_15 = arith.constant 0 : i32
    %sign3A_16 = arith.cmpi sgt, %jit3A_8, %sign3A_15 : i32
    %sign3A_17 = arith.extui %sign3A_16 : i1 to i32
    %sign3A_18 = arith.constant 0 : i32
    %sign3A_19 = arith.cmpi slt, %jit3A_8, %sign3A_18 : i32
    %sign3A_20 = arith.extui %sign3A_19 : i1 to i32
    %sign3A_21 = arith.subi %sign3A_17, %sign3A_20 : i32
    %ne3A = arith.cmpi ne, %sign3A_14, %sign3A_21 : i32
    %rem3A = arith.remsi %add3A_7, %jit3A_8 : i32
    %ne3A_22 = arith.constant 0 : i32
    %ne3A_23 = arith.cmpi ne, %rem3A, %ne3A_22 : i32
    %and3A = arith.andi %ne3A, %ne3A_23 : i1
    %sub3A_24 = arith.constant 1 : i32
    %sub3A_25 = arith.subi %div3A, %sub3A_24 : i32
    %select_n3A = arith.select %and3A, %sub3A_25, %div3A : i32
    %mul3A_26 = arith.constant 8 : i32
    %mul3A_27 = arith.muli %select_n3A, %mul3A_26 : i32
    %min3A_28 = arith.constant 128 : i32
    %min3A_29 = arith.minsi %mul3A_27, %min3A_28 : i32
    "tpu.region"() ({
      %run_scoped3A = tpu.sem_alloc : memref<!tpu.dma_semaphore, #tpu.memory_space<semaphore_mem>>
      %dma_start3A_1577 = arith.constant 0 : i32
      %dma_start3A_1578 = tpu.memref_slice %arg2[%min3A_29, %dma_start3A_1577] : memref<264x128xf32, #tpu.memory_space<hbm>> -> memref<136x128xf32, #tpu.memory_space<hbm>>
      %dma_start3A_1579 = arith.constant 0 : i32
      %dma_start3A_1580 = tpu.memref_slice %arg2[%min3A_29, %dma_start3A_1579] : memref<264x128xf32, #tpu.memory_space<hbm>> -> memref<136x128xf32, #tpu.memory_space<hbm>>
      tpu.enqueue_dma source(%dma_start3A_1580 : memref<136x128xf32, #tpu.memory_space<hbm>>) target(%arg4 : memref<136x128xf32, #tpu.memory_space<vmem>>) target_semaphore(%run_scoped3A : memref<!tpu.dma_semaphore, #tpu.memory_space<semaphore_mem>>)
      %dma_wait3A_1581 = arith.constant 0 : i32
      %dma_wait3A_1582 = tpu.memref_slice %arg2[%min3A_29, %dma_wait3A_1581] : memref<264x128xf32, #tpu.memory_space<hbm>> -> memref<136x128xf32, #tpu.memory_space<hbm>>
      %dma_wait3A_1583 = arith.constant 0 : i32
      %dma_wait3A_1584 = tpu.memref_slice %arg2[%min3A_29, %dma_wait3A_1583] : memref<264x128xf32, #tpu.memory_space<hbm>> -> memref<136x128xf32, #tpu.memory_space<hbm>>
      tpu.wait_dma2 semaphore(%run_scoped3A : memref<!tpu.dma_semaphore, #tpu.memory_space<semaphore_mem>>) src(%dma_wait3A_1584 : memref<136x128xf32, #tpu.memory_space<hbm>>) dst(%arg4 : memref<136x128xf32, #tpu.memory_space<vmem>>)
      tpu.yield
    }) : () -> ()
    %scan3A = arith.constant 0 : i32
    %scan3A_30 = arith.constant 0 : i32
    %scan3A_31 = arith.constant 128 : i32
    %scan3A_32 = arith.addi %scan3A_30, %scan3A_31 : i32
    %scan3A_33 = arith.constant 1 : i32
    %scan3A_34 = scf.for %scan3A_1577 = %scan3A_30 to %scan3A_32 step %scan3A_33 iter_args(%scan3A_1578 = %scan3A) -> (i32)  : i32 {
      %add3A_1579 = arith.addi %mul3A_0, %scan3A_1577 : i32
      %sub3A_1580 = arith.constant 1023 : i32
      %sub3A_1581 = arith.subi %sub3A_1580, %add3A_1579 : i32
      %jit3A_1582 = arith.constant -128 : i32
      %jit3A_1583 = arith.constant 128 : i32
      %max3A_1584 = arith.maxsi %jit3A_1582, %sub3A_1581 : i32
      %min3A_1585 = arith.minsi %jit3A_1583, %max3A_1584 : i32
      %add3A_1586 = arith.constant 128 : i32
      %add3A_1587 = arith.addi %min3A_1585, %add3A_1586 : i32
      %sub3A_1588 = arith.subi %add3A_1587, %min3A_29 : i32
      %get3A = arith.index_cast %sub3A_1588 : i32 to index
      %get3A_1589 = arith.constant 0 : index
      %get3A_1590 = tpu.vector_load %arg4[%get3A, %get3A_1589] {strides = array<i32>} : memref<136x128xf32, #tpu.memory_space<vmem>>, vector<1x16xf32>,
      %get3A_1591 = vector.shape_cast %get3A_1590 : vector<1x16xf32> to vector<16xf32>
      %swap3A = arith.index_cast %scan3A_1577 : i32 to index
      %swap3A_1592 = arith.constant 0 : index
      %swap3A_1593 = tpu.vector_load %arg5[%swap3A, %swap3A_1592] {strides = array<i32>} : memref<128x128xf32, #tpu.memory_space<vmem>>, vector<1x16xf32>,
      %swap3A_1594 = vector.shape_cast %swap3A_1593 : vector<1x16xf32> to vector<16xf32>
      %swap3A_1595 = vector.shape_cast %get3A_1591 : vector<16xf32> to vector<1x16xf32>
      tpu.vector_store %arg5[%swap3A, %swap3A_1592], %swap3A_1595 {strides = array<i32>} : memref<128x128xf32, #tpu.memory_space<vmem>>, vector<1x16xf32>,
      %sub3A_1596 = arith.subi %add3A_1587, %min3A_29 : i32
      %get3A_1597 = arith.index_cast %sub3A_1596 : i32 to index
      %get3A_1598 = arith.constant 16 : index
      %get3A_1599 = tpu.vector_load %arg4[%get3A_1597, %get3A_1598] {strides = array<i32>} : memref<136x128xf32, #tpu.memory_space<vmem>>, vector<1x16xf32>,
      %get3A_1600 = vector.shape_cast %get3A_1599 : vector<1x16xf32> to vector<16xf32>
      %swap3A_1601 = arith.index_cast %scan3A_1577 : i32 to index
      %swap3A_1602 = arith.constant 16 : index
      %swap3A_1603 = tpu.vector_load %arg5[%swap3A_1601, %swap3A_1602] {strides = array<i32>} : memref<128x128xf32, #tpu.memory_space<vmem>>, vector<1x16xf32>,
      %swap3A_1604 = vector.shape_cast %swap3A_1603 : vector<1x16xf32> to vector<16xf32>
      %swap3A_1605 = vector.shape_cast %get3A_1600 : vector<16xf32> to vector<1x16xf32>
      tpu.vector_store %arg5[%swap3A_1601, %swap3A_1602], %swap3A_1605 {strides = array<i32>} : memref<128x128xf32, #tpu.memory_space<vmem>>, vector<1x16xf32>,
      %sub3A_1606 = arith.subi %add3A_1587, %min3A_29 : i32
      %get3A_1607 = arith.index_cast %sub3A_1606 : i32 to index
      %get3A_1608 = arith.constant 32 : index
      %get3A_1609 = tpu.vector_load %arg4[%get3A_1607, %get3A_1608] {strides = array<i32>} : memref<136x128xf32, #tpu.memory_space<vmem>>, vector<1x16xf32>,
      %get3A_1610 = vector.shape_cast %get3A_1609 : vector<1x16xf32> to vector<16xf32>
      %swap3A_1611 = arith.index_cast %scan3A_1577 : i32 to index
      %swap3A_1612 = arith.constant 32 : index
      %swap3A_1613 = tpu.vector_load %arg5[%swap3A_1611, %swap3A_1612] {strides = array<i32>} : memref<128x128xf32, #tpu.memory_space<vmem>>, vector<1x16xf32>,
      %swap3A_1614 = vector.shape_cast %swap3A_1613 : vector<1x16xf32> to vector<16xf32>
      %swap3A_1615 = vector.shape_cast %get3A_1610 : vector<16xf32> to vector<1x16xf32>
      tpu.vector_store %arg5[%swap3A_1611, %swap3A_1612], %swap3A_1615 {strides = array<i32>} : memref<128x128xf32, #tpu.memory_space<vmem>>, vector<1x16xf32>,
      %sub3A_1616 = arith.subi %add3A_1587, %min3A_29 : i32
      %get3A_1617 = arith.index_cast %sub3A_1616 : i32 to index
      %get3A_1618 = arith.constant 48 : index
      %get3A_1619 = tpu.vector_load %arg4[%get3A_1617, %get3A_1618] {strides = array<i32>} : memref<136x128xf32, #tpu.memory_space<vmem>>, vector<1x16xf32>,
      %get3A_1620 = vector.shape_cast %get3A_1619 : vector<1x16xf32> to vector<16xf32>
      %swap3A_1621 = arith.index_cast %scan3A_1577 : i32 to index
      %swap3A_1622 = arith.constant 48 : index
      %swap3A_1623 = tpu.vector_load %arg5[%swap3A_1621, %swap3A_1622] {strides = array<i32>} : memref<128x128xf32, #tpu.memory_space<vmem>>, vector<1x16xf32>,
      %swap3A_1624 = vector.shape_cast %swap3A_1623 : vector<1x16xf32> to vector<16xf32>
      %swap3A_1625 = vector.shape_cast %get3A_1620 : vector<16xf32> to vector<1x16xf32>
      tpu.vector_store %arg5[%swap3A_1621, %swap3A_1622], %swap3A_1625 {strides = array<i32>} : memref<128x128xf32, #tpu.memory_space<vmem>>, vector<1x16xf32>,
      %sub3A_1626 = arith.subi %add3A_1587, %min3A_29 : i32
      %get3A_1627 = arith.index_cast %sub3A_1626 : i32 to index
      %get3A_1628 = arith.constant 64 : index
      %get3A_1629 = tpu.vector_load %arg4[%get3A_1627, %get3A_1628] {strides = array<i32>} : memref<136x128xf32, #tpu.memory_space<vmem>>, vector<1x16xf32>,
      %get3A_1630 = vector.shape_cast %get3A_1629 : vector<1x16xf32> to vector<16xf32>
      %swap3A_1631 = arith.index_cast %scan3A_1577 : i32 to index
      %swap3A_1632 = arith.constant 64 : index
      %swap3A_1633 = tpu.vector_load %arg5[%swap3A_1631, %swap3A_1632] {strides = array<i32>} : memref<128x128xf32, #tpu.memory_space<vmem>>, vector<1x16xf32>,
      %swap3A_1634 = vector.shape_cast %swap3A_1633 : vector<1x16xf32> to vector<16xf32>
      %swap3A_1635 = vector.shape_cast %get3A_1630 : vector<16xf32> to vector<1x16xf32>
      tpu.vector_store %arg5[%swap3A_1631, %swap3A_1632], %swap3A_1635 {strides = array<i32>} : memref<128x128xf32, #tpu.memory_space<vmem>>, vector<1x16xf32>,
      %sub3A_1636 = arith.subi %add3A_1587, %min3A_29 : i32
      %get3A_1637 = arith.index_cast %sub3A_1636 : i32 to index
      %get3A_1638 = arith.constant 80 : index
      %get3A_1639 = tpu.vector_load %arg4[%get3A_1637, %get3A_1638] {strides = array<i32>} : memref<136x128xf32, #tpu.memory_space<vmem>>, vector<1x16xf32>,
      %get3A_1640 = vector.shape_cast %get3A_1639 : vector<1x16xf32> to vector<16xf32>
      %swap3A_1641 = arith.index_cast %scan3A_1577 : i32 to index
      %swap3A_1642 = arith.constant 80 : index
      %swap3A_1643 = tpu.vector_load %arg5[%swap3A_1641, %swap3A_1642] {strides = array<i32>} : memref<128x128xf32, #tpu.memory_space<vmem>>, vector<1x16xf32>,
      %swap3A_1644 = vector.shape_cast %swap3A_1643 : vector<1x16xf32> to vector<16xf32>
      %swap3A_1645 = vector.shape_cast %get3A_1640 : vector<16xf32> to vector<1x16xf32>
      tpu.vector_store %arg5[%swap3A_1641, %swap3A_1642], %swap3A_1645 {strides = array<i32>} : memref<128x128xf32, #tpu.memory_space<vmem>>, vector<1x16xf32>,
      %sub3A_1646 = arith.subi %add3A_1587, %min3A_29 : i32
      %get3A_1647 = arith.index_cast %sub3A_1646 : i32 to index
      %get3A_1648 = arith.constant 96 : index
      %get3A_1649 = tpu.vector_load %arg4[%get3A_1647, %get3A_1648] {strides = array<i32>} : memref<136x128xf32, #tpu.memory_space<vmem>>, vector<1x16xf32>,
      %get3A_1650 = vector.shape_cast %get3A_1649 : vector<1x16xf32> to vector<16xf32>
      %swap3A_1651 = arith.index_cast %scan3A_1577 : i32 to index
      %swap3A_1652 = arith.constant 96 : index
      %swap3A_1653 = tpu.vector_load %arg5[%swap3A_1651, %swap3A_1652] {strides = array<i32>} : memref<128x128xf32, #tpu.memory_space<vmem>>, vector<1x16xf32>,
      %swap3A_1654 = vector.shape_cast %swap3A_1653 : vector<1x16xf32> to vector<16xf32>
      %swap3A_1655 = vector.shape_cast %get3A_1650 : vector<16xf32> to vector<1x16xf32>
      tpu.vector_store %arg5[%swap3A_1651, %swap3A_1652], %swap3A_1655 {strides = array<i32>} : memref<128x128xf32, #tpu.memory_space<vmem>>, vector<1x16xf32>,
      %sub3A_1656 = arith.subi %add3A_1587, %min3A_29 : i32
      %get3A_1657 = arith.index_cast %sub3A_1656 : i32 to index
      %get3A_1658 = arith.constant 112 : index
      %get3A_1659 = tpu.vector_load %arg4[%get3A_1657, %get3A_1658] {strides = array<i32>} : memref<136x128xf32, #tpu.memory_space<vmem>>, vector<1x16xf32>,
      %get3A_1660 = vector.shape_cast %get3A_1659 : vector<1x16xf32> to vector<16xf32>
      %swap3A_1661 = arith.index_cast %scan3A_1577 : i32 to index
      %swap3A_1662 = arith.constant 112 : index
      %swap3A_1663 = tpu.vector_load %arg5[%swap3A_1661, %swap3A_1662] {strides = array<i32>} : memref<128x128xf32, #tpu.memory_space<vmem>>, vector<1x16xf32>,
      %swap3A_1664 = vector.shape_cast %swap3A_1663 : vector<1x16xf32> to vector<16xf32>
      %swap3A_1665 = vector.shape_cast %get3A_1660 : vector<16xf32> to vector<1x16xf32>
      tpu.vector_store %arg5[%swap3A_1661, %swap3A_1662], %swap3A_1665 {strides = array<i32>} : memref<128x128xf32, #tpu.memory_space<vmem>>, vector<1x16xf32>,
      %scan3A_1666 = arith.constant 0 : i32
      scf.yield %scan3A_1666 : i32
    }
    %scan3A_35 = arith.constant 128 : i32
    "tpu.region"() ({
      %run_scoped3A = tpu.sem_alloc : memref<!tpu.dma_semaphore, #tpu.memory_space<semaphore_mem>>
      %dma_start3A_1577 = arith.constant 0 : i32
      %dma_start3A_1578 = tpu.memref_slice %arg7[%mul3A_0, %dma_start3A_1577] : memref<2048x128xf32, #tpu.memory_space<vmem_shared>> -> memref<128x128xf32, #tpu.memory_space<vmem_shared>>
      %dma_start3A_1579 = arith.constant 0 : i32
      %dma_start3A_1580 = tpu.memref_slice %arg7[%mul3A_0, %dma_start3A_1579] : memref<2048x128xf32, #tpu.memory_space<vmem_shared>> -> memref<128x128xf32, #tpu.memory_space<vmem_shared>>
      tpu.enqueue_dma source(%arg5 : memref<128x128xf32, #tpu.memory_space<vmem>>) target(%dma_start3A_1580 : memref<128x128xf32, #tpu.memory_space<vmem_shared>>) target_semaphore(%run_scoped3A : memref<!tpu.dma_semaphore, #tpu.memory_space<semaphore_mem>>)
      %dma_wait3A_1581 = arith.constant 0 : i32
      %dma_wait3A_1582 = tpu.memref_slice %arg7[%mul3A_0, %dma_wait3A_1581] : memref<2048x128xf32, #tpu.memory_space<vmem_shared>> -> memref<128x128xf32, #tpu.memory_space<vmem_shared>>
      %dma_wait3A_1583 = arith.constant 0 : i32
      %dma_wait3A_1584 = tpu.memref_slice %arg7[%mul3A_0, %dma_wait3A_1583] : memref<2048x128xf32, #tpu.memory_space<vmem_shared>> -> memref<128x128xf32, #tpu.memory_space<vmem_shared>>
      tpu.wait_dma2 semaphore(%run_scoped3A : memref<!tpu.dma_semaphore, #tpu.memory_space<semaphore_mem>>) src(%arg5 : memref<128x128xf32, #tpu.memory_space<vmem>>) dst(%dma_wait3A_1584 : memref<128x128xf32, #tpu.memory_space<vmem_shared>>)
      tpu.yield
    }) : () -> ()
    %barrier3A = arith.constant 0 : index
    tpu.barrier barrier_id(%barrier3A)
    %mul3A_36 = arith.constant 2 : i32
    %mul3A_37 = arith.muli %arg1, %mul3A_36 : i32
    %add3A_38 = arith.addi %mul3A_37, %arg0 : i32
    %mul3A_39 = arith.constant 32 : i32
    %mul3A_40 = arith.muli %add3A_38, %mul3A_39 : i32
    %add3A_41 = arith.constant 0 : i32
    %add3A_42 = arith.addi %mul3A_40, %add3A_41 : i32
    %sub3A_43 = arith.constant 1023 : i32
    %sub3A_44 = arith.subi %sub3A_43, %add3A_42 : i32
    %add3A_45 = arith.constant 600 : i32
    %add3A_46 = arith.addi %sub3A_44, %add3A_45 : i32
    %dma_start3A = arith.constant 600 : i32
    %dma_start3A_47 = arith.constant 0 : i32
    %dma_start3A_48 = tpu.memref_slice %arg3[%add3A_42, %dma_start3A, %dma_start3A_47] : memref<1024x1024x128xf32, #tpu.memory_space<hbm>> -> memref<1x424x128xf32, #tpu.memory_space<hbm>>
    %dma_start3A_49 = tpu.memref_squeeze %dma_start3A_48 : memref<1x424x128xf32, #tpu.memory_space<hbm>> -> memref<424x128xf32, #tpu.memory_space<hbm>>
    %dma_start3A_50 = arith.constant 0 : i32
    %dma_start3A_51 = tpu.memref_slice %arg7[%add3A_46, %dma_start3A_50] : memref<2048x128xf32, #tpu.memory_space<vmem_shared>> -> memref<424x128xf32, #tpu.memory_space<vmem_shared>>
    tpu.enqueue_dma source(%dma_start3A_51 : memref<424x128xf32, #tpu.memory_space<vmem_shared>>) target(%dma_start3A_49 : memref<424x128xf32, #tpu.memory_space<hbm>>) target_semaphore(%arg8 : memref<!tpu.dma_semaphore, #tpu.memory_space<semaphore_mem>>)
    %add3A_52 = arith.constant 1 : i32
    %add3A_53 = arith.addi %mul3A_40, %add3A_52 : i32
    %sub3A_54 = arith.constant 1023 : i32
    %sub3A_55 = arith.subi %sub3A_54, %add3A_53 : i32
    %add3A_56 = arith.constant 600 : i32
    %add3A_57 = arith.addi %sub3A_55, %add3A_56 : i32
    %dma_start3A_58 = arith.constant 600 : i32
    %dma_start3A_59 = arith.constant 0 : i32
    %dma_start3A_60 = tpu.memref_slice %arg3[%add3A_53, %dma_start3A_58, %dma_start3A_59] : memref<1024x1024x128xf32, #tpu.memory_space<hbm>> -> memref<1x424x128xf32, #tpu.memory_space<hbm>>
    %dma_start3A_61 = tpu.memref_squeeze %dma_start3A_60 : memref<1x424x128xf32, #tpu.memory_space<hbm>> -> memref<424x128xf32, #tpu.memory_space<hbm>>
    %dma_start3A_62 = arith.constant 0 : i32
    %dma_start3A_63 = tpu.memref_slice %arg7[%add3A_57, %dma_start3A_62] : memref<2048x128xf32, #tpu.memory_space<vmem_shared>> -> memref<424x128xf32, #tpu.memory_space<vmem_shared>>
    tpu.enqueue_dma source(%dma_start3A_63 : memref<424x128xf32, #tpu.memory_space<vmem_shared>>) target(%dma_start3A_61 : memref<424x128xf32, #tpu.memory_space<hbm>>) target_semaphore(%arg8 : memref<!tpu.dma_semaphore, #tpu.memory_space<semaphore_mem>>)
    %add3A_64 = arith.constant 2 : i32
    %add3A_65 = arith.addi %mul3A_40, %add3A_64 : i32
    %sub3A_66 = arith.constant 1023 : i32
    %sub3A_67 = arith.subi %sub3A_66, %add3A_65 : i32
    %add3A_68 = arith.constant 600 : i32
    %add3A_69 = arith.addi %sub3A_67, %add3A_68 : i32
    %dma_start3A_70 = arith.constant 600 : i32
    %dma_start3A_71 = arith.constant 0 : i32
    %dma_start3A_72 = tpu.memref_slice %arg3[%add3A_65, %dma_start3A_70, %dma_start3A_71] : memref<1024x1024x128xf32, #tpu.memory_space<hbm>> -> memref<1x424x128xf32, #tpu.memory_space<hbm>>
    %dma_start3A_73 = tpu.memref_squeeze %dma_start3A_72 : memref<1x424x128xf32, #tpu.memory_space<hbm>> -> memref<424x128xf32, #tpu.memory_space<hbm>>
    %dma_start3A_74 = arith.constant 0 : i32
    %dma_start3A_75 = tpu.memref_slice %arg7[%add3A_69, %dma_start3A_74] : memref<2048x128xf32, #tpu.memory_space<vmem_shared>> -> memref<424x128xf32, #tpu.memory_space<vmem_shared>>
    tpu.enqueue_dma source(%dma_start3A_75 : memref<424x128xf32, #tpu.memory_space<vmem_shared>>) target(%dma_start3A_73 : memref<424x128xf32, #tpu.memory_space<hbm>>) target_semaphore(%arg8 : memref<!tpu.dma_semaphore, #tpu.memory_space<semaphore_mem>>)
    %add3A_76 = arith.constant 3 : i32
    %add3A_77 = arith.addi %mul3A_40, %add3A_76 : i32
    %sub3A_78 = arith.constant 1023 : i32
    %sub3A_79 = arith.subi %sub3A_78, %add3A_77 : i32
    %add3A_80 = arith.constant 600 : i32
    %add3A_81 = arith.addi %sub3A_79, %add3A_80 : i32
    %dma_start3A_82 = arith.constant 600 : i32
    %dma_start3A_83 = arith.constant 0 : i32
    %dma_start3A_84 = tpu.memref_slice %arg3[%add3A_77, %dma_start3A_82, %dma_start3A_83] : memref<1024x1024x128xf32, #tpu.memory_space<hbm>> -> memref<1x424x128xf32, #tpu.memory_space<hbm>>
    %dma_start3A_85 = tpu.memref_squeeze %dma_start3A_84 : memref<1x424x128xf32, #tpu.memory_space<hbm>> -> memref<424x128xf32, #tpu.memory_space<hbm>>
    %dma_start3A_86 = arith.constant 0 : i32
    %dma_start3A_87 = tpu.memref_slice %arg7[%add3A_81, %dma_start3A_86] : memref<2048x128xf32, #tpu.memory_space<vmem_shared>> -> memref<424x128xf32, #tpu.memory_space<vmem_shared>>
    tpu.enqueue_dma source(%dma_start3A_87 : memref<424x128xf32, #tpu.memory_space<vmem_shared>>) target(%dma_start3A_85 : memref<424x128xf32, #tpu.memory_space<hbm>>) target_semaphore(%arg8 : memref<!tpu.dma_semaphore, #tpu.memory_space<semaphore_mem>>)
    %add3A_88 = arith.constant 4 : i32
    %add3A_89 = arith.addi %mul3A_40, %add3A_88 : i32
    %sub3A_90 = arith.constant 1023 : i32
    %sub3A_91 = arith.subi %sub3A_90, %add3A_89 : i32
    %add3A_92 = arith.constant 600 : i32
    %add3A_93 = arith.addi %sub3A_91, %add3A_92 : i32
    %dma_start3A_94 = arith.constant 600 : i32
    %dma_start3A_95 = arith.constant 0 : i32
    %dma_start3A_96 = tpu.memref_slice %arg3[%add3A_89, %dma_start3A_94, %dma_start3A_95] : memref<1024x1024x128xf32, #tpu.memory_space<hbm>> -> memref<1x424x128xf32, #tpu.memory_space<hbm>>
    %dma_start3A_97 = tpu.memref_squeeze %dma_start3A_96 : memref<1x424x128xf32, #tpu.memory_space<hbm>> -> memref<424x128xf32, #tpu.memory_space<hbm>>
    %dma_start3A_98 = arith.constant 0 : i32
    %dma_start3A_99 = tpu.memref_slice %arg7[%add3A_93, %dma_start3A_98] : memref<2048x128xf32, #tpu.memory_space<vmem_shared>> -> memref<424x128xf32, #tpu.memory_space<vmem_shared>>
    tpu.enqueue_dma source(%dma_start3A_99 : memref<424x128xf32, #tpu.memory_space<vmem_shared>>) target(%dma_start3A_97 : memref<424x128xf32, #tpu.memory_space<hbm>>) target_semaphore(%arg8 : memref<!tpu.dma_semaphore, #tpu.memory_space<semaphore_mem>>)
    %add3A_100 = arith.constant 5 : i32
    %add3A_101 = arith.addi %mul3A_40, %add3A_100 : i32
    %sub3A_102 = arith.constant 1023 : i32
    %sub3A_103 = arith.subi %sub3A_102, %add3A_101 : i32
    %add3A_104 = arith.constant 600 : i32
    %add3A_105 = arith.addi %sub3A_103, %add3A_104 : i32
    %dma_start3A_106 = arith.constant 600 : i32
    %dma_start3A_107 = arith.constant 0 : i32
    %dma_start3A_108 = tpu.memref_slice %arg3[%add3A_101, %dma_start3A_106, %dma_start3A_107] : memref<1024x1024x128xf32, #tpu.memory_space<hbm>> -> memref<1x424x128xf32, #tpu.memory_space<hbm>>
    %dma_start3A_109 = tpu.memref_squeeze %dma_start3A_108 : memref<1x424x128xf32, #tpu.memory_space<hbm>> -> memref<424x128xf32, #tpu.memory_space<hbm>>
    %dma_start3A_110 = arith.constant 0 : i32
    %dma_start3A_111 = tpu.memref_slice %arg7[%add3A_105, %dma_start3A_110] : memref<2048x128xf32, #tpu.memory_space<vmem_shared>> -> memref<424x128xf32, #tpu.memory_space<vmem_shared>>
    tpu.enqueue_dma source(%dma_start3A_111 : memref<424x128xf32, #tpu.memory_space<vmem_shared>>) target(%dma_start3A_109 : memref<424x128xf32, #tpu.memory_space<hbm>>) target_semaphore(%arg8 : memref<!tpu.dma_semaphore, #tpu.memory_space<semaphore_mem>>)
    %add3A_112 = arith.constant 6 : i32
    %add3A_113 = arith.addi %mul3A_40, %add3A_112 : i32
    %sub3A_114 = arith.constant 1023 : i32
    %sub3A_115 = arith.subi %sub3A_114, %add3A_113 : i32
    %add3A_116 = arith.constant 600 : i32
    %add3A_117 = arith.addi %sub3A_115, %add3A_116 : i32
    %dma_start3A_118 = arith.constant 600 : i32
    %dma_start3A_119 = arith.constant 0 : i32
    %dma_start3A_120 = tpu.memref_slice %arg3[%add3A_113, %dma_start3A_118, %dma_start3A_119] : memref<1024x1024x128xf32, #tpu.memory_space<hbm>> -> memref<1x424x128xf32, #tpu.memory_space<hbm>>
    %dma_start3A_121 = tpu.memref_squeeze %dma_start3A_120 : memref<1x424x128xf32, #tpu.memory_space<hbm>> -> memref<424x128xf32, #tpu.memory_space<hbm>>
    %dma_start3A_122 = arith.constant 0 : i32
    %dma_start3A_123 = tpu.memref_slice %arg7[%add3A_117, %dma_start3A_122] : memref<2048x128xf32, #tpu.memory_space<vmem_shared>> -> memref<424x128xf32, #tpu.memory_space<vmem_shared>>
    tpu.enqueue_dma source(%dma_start3A_123 : memref<424x128xf32, #tpu.memory_space<vmem_shared>>) target(%dma_start3A_121 : memref<424x128xf32, #tpu.memory_space<hbm>>) target_semaphore(%arg8 : memref<!tpu.dma_semaphore, #tpu.memory_space<semaphore_mem>>)
    %add3A_124 = arith.constant 7 : i32
    %add3A_125 = arith.addi %mul3A_40, %add3A_124 : i32
    %sub3A_126 = arith.constant 1023 : i32
    %sub3A_127 = arith.subi %sub3A_126, %add3A_125 : i32
    %add3A_128 = arith.constant 600 : i32
    %add3A_129 = arith.addi %sub3A_127, %add3A_128 : i32
    %dma_start3A_130 = arith.constant 600 : i32
    %dma_start3A_131 = arith.constant 0 : i32
    %dma_start3A_132 = tpu.memref_slice %arg3[%add3A_125, %dma_start3A_130, %dma_start3A_131] : memref<1024x1024x128xf32, #tpu.memory_space<hbm>> -> memref<1x424x128xf32, #tpu.memory_space<hbm>>
    %dma_start3A_133 = tpu.memref_squeeze %dma_start3A_132 : memref<1x424x128xf32, #tpu.memory_space<hbm>> -> memref<424x128xf32, #tpu.memory_space<hbm>>
    %dma_start3A_134 = arith.constant 0 : i32
    %dma_start3A_135 = tpu.memref_slice %arg7[%add3A_129, %dma_start3A_134] : memref<2048x128xf32, #tpu.memory_space<vmem_shared>> -> memref<424x128xf32, #tpu.memory_space<vmem_shared>>
    tpu.enqueue_dma source(%dma_start3A_135 : memref<424x128xf32, #tpu.memory_space<vmem_shared>>) target(%dma_start3A_133 : memref<424x128xf32, #tpu.memory_space<hbm>>) target_semaphore(%arg8 : memref<!tpu.dma_semaphore, #tpu.memory_space<semaphore_mem>>)
    %dma_wait3A = arith.constant 600 : i32
    %dma_wait3A_136 = arith.constant 0 : i32
    %dma_wait3A_137 = tpu.memref_slice %arg3[%add3A_42, %dma_wait3A, %dma_wait3A_136] : memref<1024x1024x128xf32, #tpu.memory_space<hbm>> -> memref<1x424x128xf32, #tpu.memory_space<hbm>>
    %dma_wait3A_138 = tpu.memref_squeeze %dma_wait3A_137 : memref<1x424x128xf32, #tpu.memory_space<hbm>> -> memref<424x128xf32, #tpu.memory_space<hbm>>
    %dma_wait3A_139 = arith.constant 0 : i32
    %dma_wait3A_140 = tpu.memref_slice %arg7[%add3A_46, %dma_wait3A_139] : memref<2048x128xf32, #tpu.memory_space<vmem_shared>> -> memref<424x128xf32, #tpu.memory_space<vmem_shared>>
    tpu.wait_dma2 semaphore(%arg8 : memref<!tpu.dma_semaphore, #tpu.memory_space<semaphore_mem>>) src(%dma_wait3A_140 : memref<424x128xf32, #tpu.memory_space<vmem_shared>>) dst(%dma_wait3A_138 : memref<424x128xf32, #tpu.memory_space<hbm>>)
    %sub3A_141 = arith.constant 992 : i32
    %sub3A_142 = arith.subi %sub3A_141, %mul3A_40 : i32
    "tpu.region"() ({
      %run_scoped3A = tpu.sem_alloc : memref<!tpu.dma_semaphore, #tpu.memory_space<semaphore_mem>>
      %dma_start3A_1577 = arith.constant 0 : i32
      %dma_start3A_1578 = tpu.memref_slice %arg7[%sub3A_142, %dma_start3A_1577] : memref<2048x128xf32, #tpu.memory_space<vmem_shared>> -> memref<631x128xf32, #tpu.memory_space<vmem_shared>>
      %dma_start3A_1579 = arith.constant 0 : i32
      %dma_start3A_1580 = tpu.memref_slice %arg7[%sub3A_142, %dma_start3A_1579] : memref<2048x128xf32, #tpu.memory_space<vmem_shared>> -> memref<631x128xf32, #tpu.memory_space<vmem_shared>>
      tpu.enqueue_dma source(%dma_start3A_1580 : memref<631x128xf32, #tpu.memory_space<vmem_shared>>) target(%arg6 : memref<631x128xf32, #tpu.memory_space<vmem>>) target_semaphore(%run_scoped3A : memref<!tpu.dma_semaphore, #tpu.memory_space<semaphore_mem>>)
      %dma_wait3A_1581 = arith.constant 0 : i32
      %dma_wait3A_1582 = tpu.memref_slice %arg7[%sub3A_142, %dma_wait3A_1581] : memref<2048x128xf32, #tpu.memory_space<vmem_shared>> -> memref<631x128xf32, #tpu.memory_space<vmem_shared>>
      %dma_wait3A_1583 = arith.constant 0 : i32
      %dma_wait3A_1584 = tpu.memref_slice %arg7[%sub3A_142, %dma_wait3A_1583] : memref<2048x128xf32, #tpu.memory_space<vmem_shared>> -> memref<631x128xf32, #tpu.memory_space<vmem_shared>>
      tpu.wait_dma2 semaphore(%run_scoped3A : memref<!tpu.dma_semaphore, #tpu.memory_space<semaphore_mem>>) src(%dma_wait3A_1584 : memref<631x128xf32, #tpu.memory_space<vmem_shared>>) dst(%arg6 : memref<631x128xf32, #tpu.memory_space<vmem>>)
      tpu.yield
    }) : () -> ()
    %add3A_143 = arith.constant 0 : i32
    %add3A_144 = arith.addi %mul3A_40, %add3A_143 : i32
    %dma_start3A_145 = arith.constant 31 : i32
    %dma_start3A_146 = arith.constant 0 : i32
    %dma_start3A_147 = tpu.memref_slice %arg6[%dma_start3A_145, %dma_start3A_146] : memref<631x128xf32, #tpu.memory_space<vmem>> -> memref<600x128xf32, #tpu.memory_space<vmem>>
    %dma_start3A_148 = arith.constant 0 : i32
    %dma_start3A_149 = arith.constant 0 : i32
    %dma_start3A_150 = tpu.memref_slice %arg3[%add3A_144, %dma_start3A_148, %dma_start3A_149] : memref<1024x1024x128xf32, #tpu.memory_space<hbm>> -> memref<1x600x128xf32, #tpu.memory_space<hbm>>
    %dma_start3A_151 = tpu.memref_squeeze %dma_start3A_150 : memref<1x600x128xf32, #tpu.memory_space<hbm>> -> memref<600x128xf32, #tpu.memory_space<hbm>>
    %dma_start3A_152 = arith.constant 0 : i32
    %dma_start3A_153 = arith.constant 0 : i32
    %dma_start3A_154 = tpu.memref_slice %arg3[%add3A_144, %dma_start3A_152, %dma_start3A_153] : memref<1024x1024x128xf32, #tpu.memory_space<hbm>> -> memref<1x600x128xf32, #tpu.memory_space<hbm>>
    %dma_start3A_155 = tpu.memref_squeeze %dma_start3A_154 : memref<1x600x128xf32, #tpu.memory_space<hbm>> -> memref<600x128xf32, #tpu.memory_space<hbm>>
    %dma_start3A_156 = arith.constant 31 : i32
    %dma_start3A_157 = arith.constant 0 : i32
    %dma_start3A_158 = tpu.memref_slice %arg6[%dma_start3A_156, %dma_start3A_157] : memref<631x128xf32, #tpu.memory_space<vmem>> -> memref<600x128xf32, #tpu.memory_space<vmem>>
    tpu.enqueue_dma source(%dma_start3A_158 : memref<600x128xf32, #tpu.memory_space<vmem>>) target(%dma_start3A_155 : memref<600x128xf32, #tpu.memory_space<hbm>>) target_semaphore(%arg9 : memref<!tpu.dma_semaphore, #tpu.memory_space<semaphore_mem>>)
    %add3A_159 = arith.constant 1 : i32
    %add3A_160 = arith.addi %mul3A_40, %add3A_159 : i32
    %dma_start3A_161 = arith.constant 30 : i32
    %dma_start3A_162 = arith.constant 0 : i32
    %dma_start3A_163 = tpu.memref_slice %arg6[%dma_start3A_161, %dma_start3A_162] : memref<631x128xf32, #tpu.memory_space<vmem>> -> memref<600x128xf32, #tpu.memory_space<vmem>>
    %dma_start3A_164 = arith.constant 0 : i32
    %dma_start3A_165 = arith.constant 0 : i32
    %dma_start3A_166 = tpu.memref_slice %arg3[%add3A_160, %dma_start3A_164, %dma_start3A_165] : memref<1024x1024x128xf32, #tpu.memory_space<hbm>> -> memref<1x600x128xf32, #tpu.memory_space<hbm>>
    %dma_start3A_167 = tpu.memref_squeeze %dma_start3A_166 : memref<1x600x128xf32, #tpu.memory_space<hbm>> -> memref<600x128xf32, #tpu.memory_space<hbm>>
    %dma_start3A_168 = arith.constant 0 : i32
    %dma_start3A_169 = arith.constant 0 : i32
    %dma_start3A_170 = tpu.memref_slice %arg3[%add3A_160, %dma_start3A_168, %dma_start3A_169] : memref<1024x1024x128xf32, #tpu.memory_space<hbm>> -> memref<1x600x128xf32, #tpu.memory_space<hbm>>
    %dma_start3A_171 = tpu.memref_squeeze %dma_start3A_170 : memref<1x600x128xf32, #tpu.memory_space<hbm>> -> memref<600x128xf32, #tpu.memory_space<hbm>>
    %dma_start3A_172 = arith.constant 30 : i32
    %dma_start3A_173 = arith.constant 0 : i32
    %dma_start3A_174 = tpu.memref_slice %arg6[%dma_start3A_172, %dma_start3A_173] : memref<631x128xf32, #tpu.memory_space<vmem>> -> memref<600x128xf32, #tpu.memory_space<vmem>>
    tpu.enqueue_dma source(%dma_start3A_174 : memref<600x128xf32, #tpu.memory_space<vmem>>) target(%dma_start3A_171 : memref<600x128xf32, #tpu.memory_space<hbm>>) target_semaphore(%arg9 : memref<!tpu.dma_semaphore, #tpu.memory_space<semaphore_mem>>)
    %add3A_175 = arith.constant 2 : i32
    %add3A_176 = arith.addi %mul3A_40, %add3A_175 : i32
    %dma_start3A_177 = arith.constant 29 : i32
    %dma_start3A_178 = arith.constant 0 : i32
    %dma_start3A_179 = tpu.memref_slice %arg6[%dma_start3A_177, %dma_start3A_178] : memref<631x128xf32, #tpu.memory_space<vmem>> -> memref<600x128xf32, #tpu.memory_space<vmem>>
    %dma_start3A_180 = arith.constant 0 : i32
    %dma_start3A_181 = arith.constant 0 : i32
    %dma_start3A_182 = tpu.memref_slice %arg3[%add3A_176, %dma_start3A_180, %dma_start3A_181] : memref<1024x1024x128xf32, #tpu.memory_space<hbm>> -> memref<1x600x128xf32, #tpu.memory_space<hbm>>
    %dma_start3A_183 = tpu.memref_squeeze %dma_start3A_182 : memref<1x600x128xf32, #tpu.memory_space<hbm>> -> memref<600x128xf32, #tpu.memory_space<hbm>>
    %dma_start3A_184 = arith.constant 0 : i32
    %dma_start3A_185 = arith.constant 0 : i32
    %dma_start3A_186 = tpu.memref_slice %arg3[%add3A_176, %dma_start3A_184, %dma_start3A_185] : memref<1024x1024x128xf32, #tpu.memory_space<hbm>> -> memref<1x600x128xf32, #tpu.memory_space<hbm>>
    %dma_start3A_187 = tpu.memref_squeeze %dma_start3A_186 : memref<1x600x128xf32, #tpu.memory_space<hbm>> -> memref<600x128xf32, #tpu.memory_space<hbm>>
    %dma_start3A_188 = arith.constant 29 : i32
    %dma_start3A_189 = arith.constant 0 : i32
    %dma_start3A_190 = tpu.memref_slice %arg6[%dma_start3A_188, %dma_start3A_189] : memref<631x128xf32, #tpu.memory_space<vmem>> -> memref<600x128xf32, #tpu.memory_space<vmem>>
    tpu.enqueue_dma source(%dma_start3A_190 : memref<600x128xf32, #tpu.memory_space<vmem>>) target(%dma_start3A_187 : memref<600x128xf32, #tpu.memory_space<hbm>>) target_semaphore(%arg9 : memref<!tpu.dma_semaphore, #tpu.memory_space<semaphore_mem>>)
    %add3A_191 = arith.constant 3 : i32
    %add3A_192 = arith.addi %mul3A_40, %add3A_191 : i32
    %dma_start3A_193 = arith.constant 28 : i32
    %dma_start3A_194 = arith.constant 0 : i32
    %dma_start3A_195 = tpu.memref_slice %arg6[%dma_start3A_193, %dma_start3A_194] : memref<631x128xf32, #tpu.memory_space<vmem>> -> memref<600x128xf32, #tpu.memory_space<vmem>>
    %dma_start3A_196 = arith.constant 0 : i32
    %dma_start3A_197 = arith.constant 0 : i32
    %dma_start3A_198 = tpu.memref_slice %arg3[%add3A_192, %dma_start3A_196, %dma_start3A_197] : memref<1024x1024x128xf32, #tpu.memory_space<hbm>> -> memref<1x600x128xf32, #tpu.memory_space<hbm>>
    %dma_start3A_199 = tpu.memref_squeeze %dma_start3A_198 : memref<1x600x128xf32, #tpu.memory_space<hbm>> -> memref<600x128xf32, #tpu.memory_space<hbm>>
    %dma_start3A_200 = arith.constant 0 : i32
    %dma_start3A_201 = arith.constant 0 : i32
    %dma_start3A_202 = tpu.memref_slice %arg3[%add3A_192, %dma_start3A_200, %dma_start3A_201] : memref<1024x1024x128xf32, #tpu.memory_space<hbm>> -> memref<1x600x128xf32, #tpu.memory_space<hbm>>
    %dma_start3A_203 = tpu.memref_squeeze %dma_start3A_202 : memref<1x600x128xf32, #tpu.memory_space<hbm>> -> memref<600x128xf32, #tpu.memory_space<hbm>>
    %dma_start3A_204 = arith.constant 28 : i32
    %dma_start3A_205 = arith.constant 0 : i32
    %dma_start3A_206 = tpu.memref_slice %arg6[%dma_start3A_204, %dma_start3A_205] : memref<631x128xf32, #tpu.memory_space<vmem>> -> memref<600x128xf32, #tpu.memory_space<vmem>>
    tpu.enqueue_dma source(%dma_start3A_206 : memref<600x128xf32, #tpu.memory_space<vmem>>) target(%dma_start3A_203 : memref<600x128xf32, #tpu.memory_space<hbm>>) target_semaphore(%arg9 : memref<!tpu.dma_semaphore, #tpu.memory_space<semaphore_mem>>)
    %add3A_207 = arith.constant 4 : i32
    %add3A_208 = arith.addi %mul3A_40, %add3A_207 : i32
    %dma_start3A_209 = arith.constant 27 : i32
    %dma_start3A_210 = arith.constant 0 : i32
    %dma_start3A_211 = tpu.memref_slice %arg6[%dma_start3A_209, %dma_start3A_210] : memref<631x128xf32, #tpu.memory_space<vmem>> -> memref<600x128xf32, #tpu.memory_space<vmem>>
    %dma_start3A_212 = arith.constant 0 : i32
    %dma_start3A_213 = arith.constant 0 : i32
    %dma_start3A_214 = tpu.memref_slice %arg3[%add3A_208, %dma_start3A_212, %dma_start3A_213] : memref<1024x1024x128xf32, #tpu.memory_space<hbm>> -> memref<1x600x128xf32, #tpu.memory_space<hbm>>
    %dma_start3A_215 = tpu.memref_squeeze %dma_start3A_214 : memref<1x600x128xf32, #tpu.memory_space<hbm>> -> memref<600x128xf32, #tpu.memory_space<hbm>>
    %dma_start3A_216 = arith.constant 0 : i32
    %dma_start3A_217 = arith.constant 0 : i32
    %dma_start3A_218 = tpu.memref_slice %arg3[%add3A_208, %dma_start3A_216, %dma_start3A_217] : memref<1024x1024x128xf32, #tpu.memory_space<hbm>> -> memref<1x600x128xf32, #tpu.memory_space<hbm>>
    %dma_start3A_219 = tpu.memref_squeeze %dma_start3A_218 : memref<1x600x128xf32, #tpu.memory_space<hbm>> -> memref<600x128xf32, #tpu.memory_space<hbm>>
    %dma_start3A_220 = arith.constant 27 : i32
    %dma_start3A_221 = arith.constant 0 : i32
    %dma_start3A_222 = tpu.memref_slice %arg6[%dma_start3A_220, %dma_start3A_221] : memref<631x128xf32, #tpu.memory_space<vmem>> -> memref<600x128xf32, #tpu.memory_space<vmem>>
    tpu.enqueue_dma source(%dma_start3A_222 : memref<600x128xf32, #tpu.memory_space<vmem>>) target(%dma_start3A_219 : memref<600x128xf32, #tpu.memory_space<hbm>>) target_semaphore(%arg9 : memref<!tpu.dma_semaphore, #tpu.memory_space<semaphore_mem>>)
    %add3A_223 = arith.constant 5 : i32
    %add3A_224 = arith.addi %mul3A_40, %add3A_223 : i32
    %dma_start3A_225 = arith.constant 26 : i32
    %dma_start3A_226 = arith.constant 0 : i32
    %dma_start3A_227 = tpu.memref_slice %arg6[%dma_start3A_225, %dma_start3A_226] : memref<631x128xf32, #tpu.memory_space<vmem>> -> memref<600x128xf32, #tpu.memory_space<vmem>>
    %dma_start3A_228 = arith.constant 0 : i32
    %dma_start3A_229 = arith.constant 0 : i32
    %dma_start3A_230 = tpu.memref_slice %arg3[%add3A_224, %dma_start3A_228, %dma_start3A_229] : memref<1024x1024x128xf32, #tpu.memory_space<hbm>> -> memref<1x600x128xf32, #tpu.memory_space<hbm>>
    %dma_start3A_231 = tpu.memref_squeeze %dma_start3A_230 : memref<1x600x128xf32, #tpu.memory_space<hbm>> -> memref<600x128xf32, #tpu.memory_space<hbm>>
    %dma_start3A_232 = arith.constant 0 : i32
    %dma_start3A_233 = arith.constant 0 : i32
    %dma_start3A_234 = tpu.memref_slice %arg3[%add3A_224, %dma_start3A_232, %dma_start3A_233] : memref<1024x1024x128xf32, #tpu.memory_space<hbm>> -> memref<1x600x128xf32, #tpu.memory_space<hbm>>
    %dma_start3A_235 = tpu.memref_squeeze %dma_start3A_234 : memref<1x600x128xf32, #tpu.memory_space<hbm>> -> memref<600x128xf32, #tpu.memory_space<hbm>>
    %dma_start3A_236 = arith.constant 26 : i32
    %dma_start3A_237 = arith.constant 0 : i32
    %dma_start3A_238 = tpu.memref_slice %arg6[%dma_start3A_236, %dma_start3A_237] : memref<631x128xf32, #tpu.memory_space<vmem>> -> memref<600x128xf32, #tpu.memory_space<vmem>>
    tpu.enqueue_dma source(%dma_start3A_238 : memref<600x128xf32, #tpu.memory_space<vmem>>) target(%dma_start3A_235 : memref<600x128xf32, #tpu.memory_space<hbm>>) target_semaphore(%arg9 : memref<!tpu.dma_semaphore, #tpu.memory_space<semaphore_mem>>)
    %add3A_239 = arith.constant 6 : i32
    %add3A_240 = arith.addi %mul3A_40, %add3A_239 : i32
    %dma_start3A_241 = arith.constant 25 : i32
    %dma_start3A_242 = arith.constant 0 : i32
    %dma_start3A_243 = tpu.memref_slice %arg6[%dma_start3A_241, %dma_start3A_242] : memref<631x128xf32, #tpu.memory_space<vmem>> -> memref<600x128xf32, #tpu.memory_space<vmem>>
    %dma_start3A_244 = arith.constant 0 : i32
    %dma_start3A_245 = arith.constant 0 : i32
    %dma_start3A_246 = tpu.memref_slice %arg3[%add3A_240, %dma_start3A_244, %dma_start3A_245] : memref<1024x1024x128xf32, #tpu.memory_space<hbm>> -> memref<1x600x128xf32, #tpu.memory_space<hbm>>
    %dma_start3A_247 = tpu.memref_squeeze %dma_start3A_246 : memref<1x600x128xf32, #tpu.memory_space<hbm>> -> memref<600x128xf32, #tpu.memory_space<hbm>>
    %dma_start3A_248 = arith.constant 0 : i32
    %dma_start3A_249 = arith.constant 0 : i32
    %dma_start3A_250 = tpu.memref_slice %arg3[%add3A_240, %dma_start3A_248, %dma_start3A_249] : memref<1024x1024x128xf32, #tpu.memory_space<hbm>> -> memref<1x600x128xf32, #tpu.memory_space<hbm>>
    %dma_start3A_251 = tpu.memref_squeeze %dma_start3A_250 : memref<1x600x128xf32, #tpu.memory_space<hbm>> -> memref<600x128xf32, #tpu.memory_space<hbm>>
    %dma_start3A_252 = arith.constant 25 : i32
    %dma_start3A_253 = arith.constant 0 : i32
    %dma_start3A_254 = tpu.memref_slice %arg6[%dma_start3A_252, %dma_start3A_253] : memref<631x128xf32, #tpu.memory_space<vmem>> -> memref<600x128xf32, #tpu.memory_space<vmem>>
    tpu.enqueue_dma source(%dma_start3A_254 : memref<600x128xf32, #tpu.memory_space<vmem>>) target(%dma_start3A_251 : memref<600x128xf32, #tpu.memory_space<hbm>>) target_semaphore(%arg9 : memref<!tpu.dma_semaphore, #tpu.memory_space<semaphore_mem>>)
    %add3A_255 = arith.constant 7 : i32
    %add3A_256 = arith.addi %mul3A_40, %add3A_255 : i32
    %dma_start3A_257 = arith.constant 24 : i32
    %dma_start3A_258 = arith.constant 0 : i32
    %dma_start3A_259 = tpu.memref_slice %arg6[%dma_start3A_257, %dma_start3A_258] : memref<631x128xf32, #tpu.memory_space<vmem>> -> memref<600x128xf32, #tpu.memory_space<vmem>>
    %dma_start3A_260 = arith.constant 0 : i32
    %dma_start3A_261 = arith.constant 0 : i32
    %dma_start3A_262 = tpu.memref_slice %arg3[%add3A_256, %dma_start3A_260, %dma_start3A_261] : memref<1024x1024x128xf32, #tpu.memory_space<hbm>> -> memref<1x600x128xf32, #tpu.memory_space<hbm>>
    %dma_start3A_263 = tpu.memref_squeeze %dma_start3A_262 : memref<1x600x128xf32, #tpu.memory_space<hbm>> -> memref<600x128xf32, #tpu.memory_space<hbm>>
    %dma_start3A_264 = arith.constant 0 : i32
    %dma_start3A_265 = arith.constant 0 : i32
    %dma_start3A_266 = tpu.memref_slice %arg3[%add3A_256, %dma_start3A_264, %dma_start3A_265] : memref<1024x1024x128xf32, #tpu.memory_space<hbm>> -> memref<1x600x128xf32, #tpu.memory_space<hbm>>
    %dma_start3A_267 = tpu.memref_squeeze %dma_start3A_266 : memref<1x600x128xf32, #tpu.memory_space<hbm>> -> memref<600x128xf32, #tpu.memory_space<hbm>>
    %dma_start3A_268 = arith.constant 24 : i32
    %dma_start3A_269 = arith.constant 0 : i32
    %dma_start3A_270 = tpu.memref_slice %arg6[%dma_start3A_268, %dma_start3A_269] : memref<631x128xf32, #tpu.memory_space<vmem>> -> memref<600x128xf32, #tpu.memory_space<vmem>>
    tpu.enqueue_dma source(%dma_start3A_270 : memref<600x128xf32, #tpu.memory_space<vmem>>) target(%dma_start3A_267 : memref<600x128xf32, #tpu.memory_space<hbm>>) target_semaphore(%arg9 : memref<!tpu.dma_semaphore, #tpu.memory_space<semaphore_mem>>)
    %add3A_271 = arith.constant 8 : i32
    %add3A_272 = arith.addi %mul3A_40, %add3A_271 : i32
    %dma_start3A_273 = arith.constant 23 : i32
    %dma_start3A_274 = arith.constant 0 : i32
    %dma_start3A_275 = tpu.memref_slice %arg6[%dma_start3A_273, %dma_start3A_274] : memref<631x128xf32, #tpu.memory_space<vmem>> -> memref<600x128xf32, #tpu.memory_space<vmem>>
    %dma_start3A_276 = arith.constant 0 : i32
    %dma_start3A_277 = arith.constant 0 : i32
    %dma_start3A_278 = tpu.memref_slice %arg3[%add3A_272, %dma_start3A_276, %dma_start3A_277] : memref<1024x1024x128xf32, #tpu.memory_space<hbm>> -> memref<1x600x128xf32, #tpu.memory_space<hbm>>
    %dma_start3A_279 = tpu.memref_squeeze %dma_start3A_278 : memref<1x600x128xf32, #tpu.memory_space<hbm>> -> memref<600x128xf32, #tpu.memory_space<hbm>>
    %dma_start3A_280 = arith.constant 0 : i32
    %dma_start3A_281 = arith.constant 0 : i32
    %dma_start3A_282 = tpu.memref_slice %arg3[%add3A_272, %dma_start3A_280, %dma_start3A_281] : memref<1024x1024x128xf32, #tpu.memory_space<hbm>> -> memref<1x600x128xf32, #tpu.memory_space<hbm>>
    %dma_start3A_283 = tpu.memref_squeeze %dma_start3A_282 : memref<1x600x128xf32, #tpu.memory_space<hbm>> -> memref<600x128xf32, #tpu.memory_space<hbm>>
    %dma_start3A_284 = arith.constant 23 : i32
    %dma_start3A_285 = arith.constant 0 : i32
    %dma_start3A_286 = tpu.memref_slice %arg6[%dma_start3A_284, %dma_start3A_285] : memref<631x128xf32, #tpu.memory_space<vmem>> -> memref<600x128xf32, #tpu.memory_space<vmem>>
    tpu.enqueue_dma source(%dma_start3A_286 : memref<600x128xf32, #tpu.memory_space<vmem>>) target(%dma_start3A_283 : memref<600x128xf32, #tpu.memory_space<hbm>>) target_semaphore(%arg9 : memref<!tpu.dma_semaphore, #tpu.memory_space<semaphore_mem>>)
    %add3A_287 = arith.constant 9 : i32
    %add3A_288 = arith.addi %mul3A_40, %add3A_287 : i32
    %dma_start3A_289 = arith.constant 22 : i32
    %dma_start3A_290 = arith.constant 0 : i32
    %dma_start3A_291 = tpu.memref_slice %arg6[%dma_start3A_289, %dma_start3A_290] : memref<631x128xf32, #tpu.memory_space<vmem>> -> memref<600x128xf32, #tpu.memory_space<vmem>>
    %dma_start3A_292 = arith.constant 0 : i32
    %dma_start3A_293 = arith.constant 0 : i32
    %dma_start3A_294 = tpu.memref_slice %arg3[%add3A_288, %dma_start3A_292, %dma_start3A_293] : memref<1024x1024x128xf32, #tpu.memory_space<hbm>> -> memref<1x600x128xf32, #tpu.memory_space<hbm>>
    %dma_start3A_295 = tpu.memref_squeeze %dma_start3A_294 : memref<1x600x128xf32, #tpu.memory_space<hbm>> -> memref<600x128xf32, #tpu.memory_space<hbm>>
    %dma_start3A_296 = arith.constant 0 : i32
    %dma_start3A_297 = arith.constant 0 : i32
    %dma_start3A_298 = tpu.memref_slice %arg3[%add3A_288, %dma_start3A_296, %dma_start3A_297] : memref<1024x1024x128xf32, #tpu.memory_space<hbm>> -> memref<1x600x128xf32, #tpu.memory_space<hbm>>
    %dma_start3A_299 = tpu.memref_squeeze %dma_start3A_298 : memref<1x600x128xf32, #tpu.memory_space<hbm>> -> memref<600x128xf32, #tpu.memory_space<hbm>>
    %dma_start3A_300 = arith.constant 22 : i32
    %dma_start3A_301 = arith.constant 0 : i32
    %dma_start3A_302 = tpu.memref_slice %arg6[%dma_start3A_300, %dma_start3A_301] : memref<631x128xf32, #tpu.memory_space<vmem>> -> memref<600x128xf32, #tpu.memory_space<vmem>>
    tpu.enqueue_dma source(%dma_start3A_302 : memref<600x128xf32, #tpu.memory_space<vmem>>) target(%dma_start3A_299 : memref<600x128xf32, #tpu.memory_space<hbm>>) target_semaphore(%arg9 : memref<!tpu.dma_semaphore, #tpu.memory_space<semaphore_mem>>)
    %add3A_303 = arith.constant 10 : i32
    %add3A_304 = arith.addi %mul3A_40, %add3A_303 : i32
    %dma_start3A_305 = arith.constant 21 : i32
    %dma_start3A_306 = arith.constant 0 : i32
    %dma_start3A_307 = tpu.memref_slice %arg6[%dma_start3A_305, %dma_start3A_306] : memref<631x128xf32, #tpu.memory_space<vmem>> -> memref<600x128xf32, #tpu.memory_space<vmem>>
    %dma_start3A_308 = arith.constant 0 : i32
    %dma_start3A_309 = arith.constant 0 : i32
    %dma_start3A_310 = tpu.memref_slice %arg3[%add3A_304, %dma_start3A_308, %dma_start3A_309] : memref<1024x1024x128xf32, #tpu.memory_space<hbm>> -> memref<1x600x128xf32, #tpu.memory_space<hbm>>
    %dma_start3A_311 = tpu.memref_squeeze %dma_start3A_310 : memref<1x600x128xf32, #tpu.memory_space<hbm>> -> memref<600x128xf32, #tpu.memory_space<hbm>>
    %dma_start3A_312 = arith.constant 0 : i32
    %dma_start3A_313 = arith.constant 0 : i32
    %dma_start3A_314 = tpu.memref_slice %arg3[%add3A_304, %dma_start3A_312, %dma_start3A_313] : memref<1024x1024x128xf32, #tpu.memory_space<hbm>> -> memref<1x600x128xf32, #tpu.memory_space<hbm>>
    %dma_start3A_315 = tpu.memref_squeeze %dma_start3A_314 : memref<1x600x128xf32, #tpu.memory_space<hbm>> -> memref<600x128xf32, #tpu.memory_space<hbm>>
    %dma_start3A_316 = arith.constant 21 : i32
    %dma_start3A_317 = arith.constant 0 : i32
    %dma_start3A_318 = tpu.memref_slice %arg6[%dma_start3A_316, %dma_start3A_317] : memref<631x128xf32, #tpu.memory_space<vmem>> -> memref<600x128xf32, #tpu.memory_space<vmem>>
    tpu.enqueue_dma source(%dma_start3A_318 : memref<600x128xf32, #tpu.memory_space<vmem>>) target(%dma_start3A_315 : memref<600x128xf32, #tpu.memory_space<hbm>>) target_semaphore(%arg9 : memref<!tpu.dma_semaphore, #tpu.memory_space<semaphore_mem>>)
    %add3A_319 = arith.constant 11 : i32
    %add3A_320 = arith.addi %mul3A_40, %add3A_319 : i32
    %dma_start3A_321 = arith.constant 20 : i32
    %dma_start3A_322 = arith.constant 0 : i32
    %dma_start3A_323 = tpu.memref_slice %arg6[%dma_start3A_321, %dma_start3A_322] : memref<631x128xf32, #tpu.memory_space<vmem>> -> memref<600x128xf32, #tpu.memory_space<vmem>>
    %dma_start3A_324 = arith.constant 0 : i32
    %dma_start3A_325 = arith.constant 0 : i32
    %dma_start3A_326 = tpu.memref_slice %arg3[%add3A_320, %dma_start3A_324, %dma_start3A_325] : memref<1024x1024x128xf32, #tpu.memory_space<hbm>> -> memref<1x600x128xf32, #tpu.memory_space<hbm>>
    %dma_start3A_327 = tpu.memref_squeeze %dma_start3A_326 : memref<1x600x128xf32, #tpu.memory_space<hbm>> -> memref<600x128xf32, #tpu.memory_space<hbm>>
    %dma_start3A_328 = arith.constant 0 : i32
    %dma_start3A_329 = arith.constant 0 : i32
    %dma_start3A_330 = tpu.memref_slice %arg3[%add3A_320, %dma_start3A_328, %dma_start3A_329] : memref<1024x1024x128xf32, #tpu.memory_space<hbm>> -> memref<1x600x128xf32, #tpu.memory_space<hbm>>
    %dma_start3A_331 = tpu.memref_squeeze %dma_start3A_330 : memref<1x600x128xf32, #tpu.memory_space<hbm>> -> memref<600x128xf32, #tpu.memory_space<hbm>>
    %dma_start3A_332 = arith.constant 20 : i32
    %dma_start3A_333 = arith.constant 0 : i32
    %dma_start3A_334 = tpu.memref_slice %arg6[%dma_start3A_332, %dma_start3A_333] : memref<631x128xf32, #tpu.memory_space<vmem>> -> memref<600x128xf32, #tpu.memory_space<vmem>>
    tpu.enqueue_dma source(%dma_start3A_334 : memref<600x128xf32, #tpu.memory_space<vmem>>) target(%dma_start3A_331 : memref<600x128xf32, #tpu.memory_space<hbm>>) target_semaphore(%arg9 : memref<!tpu.dma_semaphore, #tpu.memory_space<semaphore_mem>>)
    %add3A_335 = arith.constant 12 : i32
    %add3A_336 = arith.addi %mul3A_40, %add3A_335 : i32
    %dma_start3A_337 = arith.constant 19 : i32
    %dma_start3A_338 = arith.constant 0 : i32
    %dma_start3A_339 = tpu.memref_slice %arg6[%dma_start3A_337, %dma_start3A_338] : memref<631x128xf32, #tpu.memory_space<vmem>> -> memref<600x128xf32, #tpu.memory_space<vmem>>
    %dma_start3A_340 = arith.constant 0 : i32
    %dma_start3A_341 = arith.constant 0 : i32
    %dma_start3A_342 = tpu.memref_slice %arg3[%add3A_336, %dma_start3A_340, %dma_start3A_341] : memref<1024x1024x128xf32, #tpu.memory_space<hbm>> -> memref<1x600x128xf32, #tpu.memory_space<hbm>>
    %dma_start3A_343 = tpu.memref_squeeze %dma_start3A_342 : memref<1x600x128xf32, #tpu.memory_space<hbm>> -> memref<600x128xf32, #tpu.memory_space<hbm>>
    %dma_start3A_344 = arith.constant 0 : i32
    %dma_start3A_345 = arith.constant 0 : i32
    %dma_start3A_346 = tpu.memref_slice %arg3[%add3A_336, %dma_start3A_344, %dma_start3A_345] : memref<1024x1024x128xf32, #tpu.memory_space<hbm>> -> memref<1x600x128xf32, #tpu.memory_space<hbm>>
    %dma_start3A_347 = tpu.memref_squeeze %dma_start3A_346 : memref<1x600x128xf32, #tpu.memory_space<hbm>> -> memref<600x128xf32, #tpu.memory_space<hbm>>
    %dma_start3A_348 = arith.constant 19 : i32
    %dma_start3A_349 = arith.constant 0 : i32
    %dma_start3A_350 = tpu.memref_slice %arg6[%dma_start3A_348, %dma_start3A_349] : memref<631x128xf32, #tpu.memory_space<vmem>> -> memref<600x128xf32, #tpu.memory_space<vmem>>
    tpu.enqueue_dma source(%dma_start3A_350 : memref<600x128xf32, #tpu.memory_space<vmem>>) target(%dma_start3A_347 : memref<600x128xf32, #tpu.memory_space<hbm>>) target_semaphore(%arg9 : memref<!tpu.dma_semaphore, #tpu.memory_space<semaphore_mem>>)
    %add3A_351 = arith.constant 13 : i32
    %add3A_352 = arith.addi %mul3A_40, %add3A_351 : i32
    %dma_start3A_353 = arith.constant 18 : i32
    %dma_start3A_354 = arith.constant 0 : i32
    %dma_start3A_355 = tpu.memref_slice %arg6[%dma_start3A_353, %dma_start3A_354] : memref<631x128xf32, #tpu.memory_space<vmem>> -> memref<600x128xf32, #tpu.memory_space<vmem>>
    %dma_start3A_356 = arith.constant 0 : i32
    %dma_start3A_357 = arith.constant 0 : i32
    %dma_start3A_358 = tpu.memref_slice %arg3[%add3A_352, %dma_start3A_356, %dma_start3A_357] : memref<1024x1024x128xf32, #tpu.memory_space<hbm>> -> memref<1x600x128xf32, #tpu.memory_space<hbm>>
    %dma_start3A_359 = tpu.memref_squeeze %dma_start3A_358 : memref<1x600x128xf32, #tpu.memory_space<hbm>> -> memref<600x128xf32, #tpu.memory_space<hbm>>
    %dma_start3A_360 = arith.constant 0 : i32
    %dma_start3A_361 = arith.constant 0 : i32
    %dma_start3A_362 = tpu.memref_slice %arg3[%add3A_352, %dma_start3A_360, %dma_start3A_361] : memref<1024x1024x128xf32, #tpu.memory_space<hbm>> -> memref<1x600x128xf32, #tpu.memory_space<hbm>>
    %dma_start3A_363 = tpu.memref_squeeze %dma_start3A_362 : memref<1x600x128xf32, #tpu.memory_space<hbm>> -> memref<600x128xf32, #tpu.memory_space<hbm>>
    %dma_start3A_364 = arith.constant 18 : i32
    %dma_start3A_365 = arith.constant 0 : i32
    %dma_start3A_366 = tpu.memref_slice %arg6[%dma_start3A_364, %dma_start3A_365] : memref<631x128xf32, #tpu.memory_space<vmem>> -> memref<600x128xf32, #tpu.memory_space<vmem>>
    tpu.enqueue_dma source(%dma_start3A_366 : memref<600x128xf32, #tpu.memory_space<vmem>>) target(%dma_start3A_363 : memref<600x128xf32, #tpu.memory_space<hbm>>) target_semaphore(%arg9 : memref<!tpu.dma_semaphore, #tpu.memory_space<semaphore_mem>>)
    %add3A_367 = arith.constant 14 : i32
    %add3A_368 = arith.addi %mul3A_40, %add3A_367 : i32
    %dma_start3A_369 = arith.constant 17 : i32
    %dma_start3A_370 = arith.constant 0 : i32
    %dma_start3A_371 = tpu.memref_slice %arg6[%dma_start3A_369, %dma_start3A_370] : memref<631x128xf32, #tpu.memory_space<vmem>> -> memref<600x128xf32, #tpu.memory_space<vmem>>
    %dma_start3A_372 = arith.constant 0 : i32
    %dma_start3A_373 = arith.constant 0 : i32
    %dma_start3A_374 = tpu.memref_slice %arg3[%add3A_368, %dma_start3A_372, %dma_start3A_373] : memref<1024x1024x128xf32, #tpu.memory_space<hbm>> -> memref<1x600x128xf32, #tpu.memory_space<hbm>>
    %dma_start3A_375 = tpu.memref_squeeze %dma_start3A_374 : memref<1x600x128xf32, #tpu.memory_space<hbm>> -> memref<600x128xf32, #tpu.memory_space<hbm>>
    %dma_start3A_376 = arith.constant 0 : i32
    %dma_start3A_377 = arith.constant 0 : i32
    %dma_start3A_378 = tpu.memref_slice %arg3[%add3A_368, %dma_start3A_376, %dma_start3A_377] : memref<1024x1024x128xf32, #tpu.memory_space<hbm>> -> memref<1x600x128xf32, #tpu.memory_space<hbm>>
    %dma_start3A_379 = tpu.memref_squeeze %dma_start3A_378 : memref<1x600x128xf32, #tpu.memory_space<hbm>> -> memref<600x128xf32, #tpu.memory_space<hbm>>
    %dma_start3A_380 = arith.constant 17 : i32
    %dma_start3A_381 = arith.constant 0 : i32
    %dma_start3A_382 = tpu.memref_slice %arg6[%dma_start3A_380, %dma_start3A_381] : memref<631x128xf32, #tpu.memory_space<vmem>> -> memref<600x128xf32, #tpu.memory_space<vmem>>
    tpu.enqueue_dma source(%dma_start3A_382 : memref<600x128xf32, #tpu.memory_space<vmem>>) target(%dma_start3A_379 : memref<600x128xf32, #tpu.memory_space<hbm>>) target_semaphore(%arg9 : memref<!tpu.dma_semaphore, #tpu.memory_space<semaphore_mem>>)
    %add3A_383 = arith.constant 15 : i32
    %add3A_384 = arith.addi %mul3A_40, %add3A_383 : i32
    %dma_start3A_385 = arith.constant 16 : i32
    %dma_start3A_386 = arith.constant 0 : i32
    %dma_start3A_387 = tpu.memref_slice %arg6[%dma_start3A_385, %dma_start3A_386] : memref<631x128xf32, #tpu.memory_space<vmem>> -> memref<600x128xf32, #tpu.memory_space<vmem>>
    %dma_start3A_388 = arith.constant 0 : i32
    %dma_start3A_389 = arith.constant 0 : i32
    %dma_start3A_390 = tpu.memref_slice %arg3[%add3A_384, %dma_start3A_388, %dma_start3A_389] : memref<1024x1024x128xf32, #tpu.memory_space<hbm>> -> memref<1x600x128xf32, #tpu.memory_space<hbm>>
    %dma_start3A_391 = tpu.memref_squeeze %dma_start3A_390 : memref<1x600x128xf32, #tpu.memory_space<hbm>> -> memref<600x128xf32, #tpu.memory_space<hbm>>
    %dma_start3A_392 = arith.constant 0 : i32
    %dma_start3A_393 = arith.constant 0 : i32
    %dma_start3A_394 = tpu.memref_slice %arg3[%add3A_384, %dma_start3A_392, %dma_start3A_393] : memref<1024x1024x128xf32, #tpu.memory_space<hbm>> -> memref<1x600x128xf32, #tpu.memory_space<hbm>>
    %dma_start3A_395 = tpu.memref_squeeze %dma_start3A_394 : memref<1x600x128xf32, #tpu.memory_space<hbm>> -> memref<600x128xf32, #tpu.memory_space<hbm>>
    %dma_start3A_396 = arith.constant 16 : i32
    %dma_start3A_397 = arith.constant 0 : i32
    %dma_start3A_398 = tpu.memref_slice %arg6[%dma_start3A_396, %dma_start3A_397] : memref<631x128xf32, #tpu.memory_space<vmem>> -> memref<600x128xf32, #tpu.memory_space<vmem>>
    tpu.enqueue_dma source(%dma_start3A_398 : memref<600x128xf32, #tpu.memory_space<vmem>>) target(%dma_start3A_395 : memref<600x128xf32, #tpu.memory_space<hbm>>) target_semaphore(%arg9 : memref<!tpu.dma_semaphore, #tpu.memory_space<semaphore_mem>>)
    %add3A_399 = arith.constant 16 : i32
    %add3A_400 = arith.addi %mul3A_40, %add3A_399 : i32
    %dma_start3A_401 = arith.constant 15 : i32
    %dma_start3A_402 = arith.constant 0 : i32
    %dma_start3A_403 = tpu.memref_slice %arg6[%dma_start3A_401, %dma_start3A_402] : memref<631x128xf32, #tpu.memory_space<vmem>> -> memref<600x128xf32, #tpu.memory_space<vmem>>
    %dma_start3A_404 = arith.constant 0 : i32
    %dma_start3A_405 = arith.constant 0 : i32
    %dma_start3A_406 = tpu.memref_slice %arg3[%add3A_400, %dma_start3A_404, %dma_start3A_405] : memref<1024x1024x128xf32, #tpu.memory_space<hbm>> -> memref<1x600x128xf32, #tpu.memory_space<hbm>>
    %dma_start3A_407 = tpu.memref_squeeze %dma_start3A_406 : memref<1x600x128xf32, #tpu.memory_space<hbm>> -> memref<600x128xf32, #tpu.memory_space<hbm>>
    %dma_start3A_408 = arith.constant 0 : i32
    %dma_start3A_409 = arith.constant 0 : i32
    %dma_start3A_410 = tpu.memref_slice %arg3[%add3A_400, %dma_start3A_408, %dma_start3A_409] : memref<1024x1024x128xf32, #tpu.memory_space<hbm>> -> memref<1x600x128xf32, #tpu.memory_space<hbm>>
    %dma_start3A_411 = tpu.memref_squeeze %dma_start3A_410 : memref<1x600x128xf32, #tpu.memory_space<hbm>> -> memref<600x128xf32, #tpu.memory_space<hbm>>
    %dma_start3A_412 = arith.constant 15 : i32
    %dma_start3A_413 = arith.constant 0 : i32
    %dma_start3A_414 = tpu.memref_slice %arg6[%dma_start3A_412, %dma_start3A_413] : memref<631x128xf32, #tpu.memory_space<vmem>> -> memref<600x128xf32, #tpu.memory_space<vmem>>
    tpu.enqueue_dma source(%dma_start3A_414 : memref<600x128xf32, #tpu.memory_space<vmem>>) target(%dma_start3A_411 : memref<600x128xf32, #tpu.memory_space<hbm>>) target_semaphore(%arg9 : memref<!tpu.dma_semaphore, #tpu.memory_space<semaphore_mem>>)
    %add3A_415 = arith.constant 17 : i32
    %add3A_416 = arith.addi %mul3A_40, %add3A_415 : i32
    %dma_start3A_417 = arith.constant 14 : i32
    %dma_start3A_418 = arith.constant 0 : i32
    %dma_start3A_419 = tpu.memref_slice %arg6[%dma_start3A_417, %dma_start3A_418] : memref<631x128xf32, #tpu.memory_space<vmem>> -> memref<600x128xf32, #tpu.memory_space<vmem>>
    %dma_start3A_420 = arith.constant 0 : i32
    %dma_start3A_421 = arith.constant 0 : i32
    %dma_start3A_422 = tpu.memref_slice %arg3[%add3A_416, %dma_start3A_420, %dma_start3A_421] : memref<1024x1024x128xf32, #tpu.memory_space<hbm>> -> memref<1x600x128xf32, #tpu.memory_space<hbm>>
    %dma_start3A_423 = tpu.memref_squeeze %dma_start3A_422 : memref<1x600x128xf32, #tpu.memory_space<hbm>> -> memref<600x128xf32, #tpu.memory_space<hbm>>
    %dma_start3A_424 = arith.constant 0 : i32
    %dma_start3A_425 = arith.constant 0 : i32
    %dma_start3A_426 = tpu.memref_slice %arg3[%add3A_416, %dma_start3A_424, %dma_start3A_425] : memref<1024x1024x128xf32, #tpu.memory_space<hbm>> -> memref<1x600x128xf32, #tpu.memory_space<hbm>>
    %dma_start3A_427 = tpu.memref_squeeze %dma_start3A_426 : memref<1x600x128xf32, #tpu.memory_space<hbm>> -> memref<600x128xf32, #tpu.memory_space<hbm>>
    %dma_start3A_428 = arith.constant 14 : i32
    %dma_start3A_429 = arith.constant 0 : i32
    %dma_start3A_430 = tpu.memref_slice %arg6[%dma_start3A_428, %dma_start3A_429] : memref<631x128xf32, #tpu.memory_space<vmem>> -> memref<600x128xf32, #tpu.memory_space<vmem>>
    tpu.enqueue_dma source(%dma_start3A_430 : memref<600x128xf32, #tpu.memory_space<vmem>>) target(%dma_start3A_427 : memref<600x128xf32, #tpu.memory_space<hbm>>) target_semaphore(%arg9 : memref<!tpu.dma_semaphore, #tpu.memory_space<semaphore_mem>>)
    %add3A_431 = arith.constant 18 : i32
    %add3A_432 = arith.addi %mul3A_40, %add3A_431 : i32
    %dma_start3A_433 = arith.constant 13 : i32
    %dma_start3A_434 = arith.constant 0 : i32
    %dma_start3A_435 = tpu.memref_slice %arg6[%dma_start3A_433, %dma_start3A_434] : memref<631x128xf32, #tpu.memory_space<vmem>> -> memref<600x128xf32, #tpu.memory_space<vmem>>
    %dma_start3A_436 = arith.constant 0 : i32
    %dma_start3A_437 = arith.constant 0 : i32
    %dma_start3A_438 = tpu.memref_slice %arg3[%add3A_432, %dma_start3A_436, %dma_start3A_437] : memref<1024x1024x128xf32, #tpu.memory_space<hbm>> -> memref<1x600x128xf32, #tpu.memory_space<hbm>>
    %dma_start3A_439 = tpu.memref_squeeze %dma_start3A_438 : memref<1x600x128xf32, #tpu.memory_space<hbm>> -> memref<600x128xf32, #tpu.memory_space<hbm>>
    %dma_start3A_440 = arith.constant 0 : i32
    %dma_start3A_441 = arith.constant 0 : i32
    %dma_start3A_442 = tpu.memref_slice %arg3[%add3A_432, %dma_start3A_440, %dma_start3A_441] : memref<1024x1024x128xf32, #tpu.memory_space<hbm>> -> memref<1x600x128xf32, #tpu.memory_space<hbm>>
    %dma_start3A_443 = tpu.memref_squeeze %dma_start3A_442 : memref<1x600x128xf32, #tpu.memory_space<hbm>> -> memref<600x128xf32, #tpu.memory_space<hbm>>
    %dma_start3A_444 = arith.constant 13 : i32
    %dma_start3A_445 = arith.constant 0 : i32
    %dma_start3A_446 = tpu.memref_slice %arg6[%dma_start3A_444, %dma_start3A_445] : memref<631x128xf32, #tpu.memory_space<vmem>> -> memref<600x128xf32, #tpu.memory_space<vmem>>
    tpu.enqueue_dma source(%dma_start3A_446 : memref<600x128xf32, #tpu.memory_space<vmem>>) target(%dma_start3A_443 : memref<600x128xf32, #tpu.memory_space<hbm>>) target_semaphore(%arg9 : memref<!tpu.dma_semaphore, #tpu.memory_space<semaphore_mem>>)
    %add3A_447 = arith.constant 19 : i32
    %add3A_448 = arith.addi %mul3A_40, %add3A_447 : i32
    %dma_start3A_449 = arith.constant 12 : i32
    %dma_start3A_450 = arith.constant 0 : i32
    %dma_start3A_451 = tpu.memref_slice %arg6[%dma_start3A_449, %dma_start3A_450] : memref<631x128xf32, #tpu.memory_space<vmem>> -> memref<600x128xf32, #tpu.memory_space<vmem>>
    %dma_start3A_452 = arith.constant 0 : i32
    %dma_start3A_453 = arith.constant 0 : i32
    %dma_start3A_454 = tpu.memref_slice %arg3[%add3A_448, %dma_start3A_452, %dma_start3A_453] : memref<1024x1024x128xf32, #tpu.memory_space<hbm>> -> memref<1x600x128xf32, #tpu.memory_space<hbm>>
    %dma_start3A_455 = tpu.memref_squeeze %dma_start3A_454 : memref<1x600x128xf32, #tpu.memory_space<hbm>> -> memref<600x128xf32, #tpu.memory_space<hbm>>
    %dma_start3A_456 = arith.constant 0 : i32
    %dma_start3A_457 = arith.constant 0 : i32
    %dma_start3A_458 = tpu.memref_slice %arg3[%add3A_448, %dma_start3A_456, %dma_start3A_457] : memref<1024x1024x128xf32, #tpu.memory_space<hbm>> -> memref<1x600x128xf32, #tpu.memory_space<hbm>>
    %dma_start3A_459 = tpu.memref_squeeze %dma_start3A_458 : memref<1x600x128xf32, #tpu.memory_space<hbm>> -> memref<600x128xf32, #tpu.memory_space<hbm>>
    %dma_start3A_460 = arith.constant 12 : i32
    %dma_start3A_461 = arith.constant 0 : i32
    %dma_start3A_462 = tpu.memref_slice %arg6[%dma_start3A_460, %dma_start3A_461] : memref<631x128xf32, #tpu.memory_space<vmem>> -> memref<600x128xf32, #tpu.memory_space<vmem>>
    tpu.enqueue_dma source(%dma_start3A_462 : memref<600x128xf32, #tpu.memory_space<vmem>>) target(%dma_start3A_459 : memref<600x128xf32, #tpu.memory_space<hbm>>) target_semaphore(%arg9 : memref<!tpu.dma_semaphore, #tpu.memory_space<semaphore_mem>>)
    %add3A_463 = arith.constant 20 : i32
    %add3A_464 = arith.addi %mul3A_40, %add3A_463 : i32
    %dma_start3A_465 = arith.constant 11 : i32
    %dma_start3A_466 = arith.constant 0 : i32
    %dma_start3A_467 = tpu.memref_slice %arg6[%dma_start3A_465, %dma_start3A_466] : memref<631x128xf32, #tpu.memory_space<vmem>> -> memref<600x128xf32, #tpu.memory_space<vmem>>
    %dma_start3A_468 = arith.constant 0 : i32
    %dma_start3A_469 = arith.constant 0 : i32
    %dma_start3A_470 = tpu.memref_slice %arg3[%add3A_464, %dma_start3A_468, %dma_start3A_469] : memref<1024x1024x128xf32, #tpu.memory_space<hbm>> -> memref<1x600x128xf32, #tpu.memory_space<hbm>>
    %dma_start3A_471 = tpu.memref_squeeze %dma_start3A_470 : memref<1x600x128xf32, #tpu.memory_space<hbm>> -> memref<600x128xf32, #tpu.memory_space<hbm>>
    %dma_start3A_472 = arith.constant 0 : i32
    %dma_start3A_473 = arith.constant 0 : i32
    %dma_start3A_474 = tpu.memref_slice %arg3[%add3A_464, %dma_start3A_472, %dma_start3A_473] : memref<1024x1024x128xf32, #tpu.memory_space<hbm>> -> memref<1x600x128xf32, #tpu.memory_space<hbm>>
    %dma_start3A_475 = tpu.memref_squeeze %dma_start3A_474 : memref<1x600x128xf32, #tpu.memory_space<hbm>> -> memref<600x128xf32, #tpu.memory_space<hbm>>
    %dma_start3A_476 = arith.constant 11 : i32
    %dma_start3A_477 = arith.constant 0 : i32
    %dma_start3A_478 = tpu.memref_slice %arg6[%dma_start3A_476, %dma_start3A_477] : memref<631x128xf32, #tpu.memory_space<vmem>> -> memref<600x128xf32, #tpu.memory_space<vmem>>
    tpu.enqueue_dma source(%dma_start3A_478 : memref<600x128xf32, #tpu.memory_space<vmem>>) target(%dma_start3A_475 : memref<600x128xf32, #tpu.memory_space<hbm>>) target_semaphore(%arg9 : memref<!tpu.dma_semaphore, #tpu.memory_space<semaphore_mem>>)
    %add3A_479 = arith.constant 21 : i32
    %add3A_480 = arith.addi %mul3A_40, %add3A_479 : i32
    %dma_start3A_481 = arith.constant 10 : i32
    %dma_start3A_482 = arith.constant 0 : i32
    %dma_start3A_483 = tpu.memref_slice %arg6[%dma_start3A_481, %dma_start3A_482] : memref<631x128xf32, #tpu.memory_space<vmem>> -> memref<600x128xf32, #tpu.memory_space<vmem>>
    %dma_start3A_484 = arith.constant 0 : i32
    %dma_start3A_485 = arith.constant 0 : i32
    %dma_start3A_486 = tpu.memref_slice %arg3[%add3A_480, %dma_start3A_484, %dma_start3A_485] : memref<1024x1024x128xf32, #tpu.memory_space<hbm>> -> memref<1x600x128xf32, #tpu.memory_space<hbm>>
    %dma_start3A_487 = tpu.memref_squeeze %dma_start3A_486 : memref<1x600x128xf32, #tpu.memory_space<hbm>> -> memref<600x128xf32, #tpu.memory_space<hbm>>
    %dma_start3A_488 = arith.constant 0 : i32
    %dma_start3A_489 = arith.constant 0 : i32
    %dma_start3A_490 = tpu.memref_slice %arg3[%add3A_480, %dma_start3A_488, %dma_start3A_489] : memref<1024x1024x128xf32, #tpu.memory_space<hbm>> -> memref<1x600x128xf32, #tpu.memory_space<hbm>>
    %dma_start3A_491 = tpu.memref_squeeze %dma_start3A_490 : memref<1x600x128xf32, #tpu.memory_space<hbm>> -> memref<600x128xf32, #tpu.memory_space<hbm>>
    %dma_start3A_492 = arith.constant 10 : i32
    %dma_start3A_493 = arith.constant 0 : i32
    %dma_start3A_494 = tpu.memref_slice %arg6[%dma_start3A_492, %dma_start3A_493] : memref<631x128xf32, #tpu.memory_space<vmem>> -> memref<600x128xf32, #tpu.memory_space<vmem>>
    tpu.enqueue_dma source(%dma_start3A_494 : memref<600x128xf32, #tpu.memory_space<vmem>>) target(%dma_start3A_491 : memref<600x128xf32, #tpu.memory_space<hbm>>) target_semaphore(%arg9 : memref<!tpu.dma_semaphore, #tpu.memory_space<semaphore_mem>>)
    %add3A_495 = arith.constant 22 : i32
    %add3A_496 = arith.addi %mul3A_40, %add3A_495 : i32
    %dma_start3A_497 = arith.constant 9 : i32
    %dma_start3A_498 = arith.constant 0 : i32
    %dma_start3A_499 = tpu.memref_slice %arg6[%dma_start3A_497, %dma_start3A_498] : memref<631x128xf32, #tpu.memory_space<vmem>> -> memref<600x128xf32, #tpu.memory_space<vmem>>
    %dma_start3A_500 = arith.constant 0 : i32
    %dma_start3A_501 = arith.constant 0 : i32
    %dma_start3A_502 = tpu.memref_slice %arg3[%add3A_496, %dma_start3A_500, %dma_start3A_501] : memref<1024x1024x128xf32, #tpu.memory_space<hbm>> -> memref<1x600x128xf32, #tpu.memory_space<hbm>>
    %dma_start3A_503 = tpu.memref_squeeze %dma_start3A_502 : memref<1x600x128xf32, #tpu.memory_space<hbm>> -> memref<600x128xf32, #tpu.memory_space<hbm>>
    %dma_start3A_504 = arith.constant 0 : i32
    %dma_start3A_505 = arith.constant 0 : i32
    %dma_start3A_506 = tpu.memref_slice %arg3[%add3A_496, %dma_start3A_504, %dma_start3A_505] : memref<1024x1024x128xf32, #tpu.memory_space<hbm>> -> memref<1x600x128xf32, #tpu.memory_space<hbm>>
    %dma_start3A_507 = tpu.memref_squeeze %dma_start3A_506 : memref<1x600x128xf32, #tpu.memory_space<hbm>> -> memref<600x128xf32, #tpu.memory_space<hbm>>
    %dma_start3A_508 = arith.constant 9 : i32
    %dma_start3A_509 = arith.constant 0 : i32
    %dma_start3A_510 = tpu.memref_slice %arg6[%dma_start3A_508, %dma_start3A_509] : memref<631x128xf32, #tpu.memory_space<vmem>> -> memref<600x128xf32, #tpu.memory_space<vmem>>
    tpu.enqueue_dma source(%dma_start3A_510 : memref<600x128xf32, #tpu.memory_space<vmem>>) target(%dma_start3A_507 : memref<600x128xf32, #tpu.memory_space<hbm>>) target_semaphore(%arg9 : memref<!tpu.dma_semaphore, #tpu.memory_space<semaphore_mem>>)
    %add3A_511 = arith.constant 23 : i32
    %add3A_512 = arith.addi %mul3A_40, %add3A_511 : i32
    %dma_start3A_513 = arith.constant 8 : i32
    %dma_start3A_514 = arith.constant 0 : i32
    %dma_start3A_515 = tpu.memref_slice %arg6[%dma_start3A_513, %dma_start3A_514] : memref<631x128xf32, #tpu.memory_space<vmem>> -> memref<600x128xf32, #tpu.memory_space<vmem>>
    %dma_start3A_516 = arith.constant 0 : i32
    %dma_start3A_517 = arith.constant 0 : i32
    %dma_start3A_518 = tpu.memref_slice %arg3[%add3A_512, %dma_start3A_516, %dma_start3A_517] : memref<1024x1024x128xf32, #tpu.memory_space<hbm>> -> memref<1x600x128xf32, #tpu.memory_space<hbm>>
    %dma_start3A_519 = tpu.memref_squeeze %dma_start3A_518 : memref<1x600x128xf32, #tpu.memory_space<hbm>> -> memref<600x128xf32, #tpu.memory_space<hbm>>
    %dma_start3A_520 = arith.constant 0 : i32
    %dma_start3A_521 = arith.constant 0 : i32
    %dma_start3A_522 = tpu.memref_slice %arg3[%add3A_512, %dma_start3A_520, %dma_start3A_521] : memref<1024x1024x128xf32, #tpu.memory_space<hbm>> -> memref<1x600x128xf32, #tpu.memory_space<hbm>>
    %dma_start3A_523 = tpu.memref_squeeze %dma_start3A_522 : memref<1x600x128xf32, #tpu.memory_space<hbm>> -> memref<600x128xf32, #tpu.memory_space<hbm>>
    %dma_start3A_524 = arith.constant 8 : i32
    %dma_start3A_525 = arith.constant 0 : i32
    %dma_start3A_526 = tpu.memref_slice %arg6[%dma_start3A_524, %dma_start3A_525] : memref<631x128xf32, #tpu.memory_space<vmem>> -> memref<600x128xf32, #tpu.memory_space<vmem>>
    tpu.enqueue_dma source(%dma_start3A_526 : memref<600x128xf32, #tpu.memory_space<vmem>>) target(%dma_start3A_523 : memref<600x128xf32, #tpu.memory_space<hbm>>) target_semaphore(%arg9 : memref<!tpu.dma_semaphore, #tpu.memory_space<semaphore_mem>>)
    %add3A_527 = arith.constant 24 : i32
    %add3A_528 = arith.addi %mul3A_40, %add3A_527 : i32
    %dma_start3A_529 = arith.constant 7 : i32
    %dma_start3A_530 = arith.constant 0 : i32
    %dma_start3A_531 = tpu.memref_slice %arg6[%dma_start3A_529, %dma_start3A_530] : memref<631x128xf32, #tpu.memory_space<vmem>> -> memref<600x128xf32, #tpu.memory_space<vmem>>
    %dma_start3A_532 = arith.constant 0 : i32
    %dma_start3A_533 = arith.constant 0 : i32
    %dma_start3A_534 = tpu.memref_slice %arg3[%add3A_528, %dma_start3A_532, %dma_start3A_533] : memref<1024x1024x128xf32, #tpu.memory_space<hbm>> -> memref<1x600x128xf32, #tpu.memory_space<hbm>>
    %dma_start3A_535 = tpu.memref_squeeze %dma_start3A_534 : memref<1x600x128xf32, #tpu.memory_space<hbm>> -> memref<600x128xf32, #tpu.memory_space<hbm>>
    %dma_start3A_536 = arith.constant 0 : i32
    %dma_start3A_537 = arith.constant 0 : i32
    %dma_start3A_538 = tpu.memref_slice %arg3[%add3A_528, %dma_start3A_536, %dma_start3A_537] : memref<1024x1024x128xf32, #tpu.memory_space<hbm>> -> memref<1x600x128xf32, #tpu.memory_space<hbm>>
    %dma_start3A_539 = tpu.memref_squeeze %dma_start3A_538 : memref<1x600x128xf32, #tpu.memory_space<hbm>> -> memref<600x128xf32, #tpu.memory_space<hbm>>
    %dma_start3A_540 = arith.constant 7 : i32
    %dma_start3A_541 = arith.constant 0 : i32
    %dma_start3A_542 = tpu.memref_slice %arg6[%dma_start3A_540, %dma_start3A_541] : memref<631x128xf32, #tpu.memory_space<vmem>> -> memref<600x128xf32, #tpu.memory_space<vmem>>
    tpu.enqueue_dma source(%dma_start3A_542 : memref<600x128xf32, #tpu.memory_space<vmem>>) target(%dma_start3A_539 : memref<600x128xf32, #tpu.memory_space<hbm>>) target_semaphore(%arg9 : memref<!tpu.dma_semaphore, #tpu.memory_space<semaphore_mem>>)
    %add3A_543 = arith.constant 25 : i32
    %add3A_544 = arith.addi %mul3A_40, %add3A_543 : i32
    %dma_start3A_545 = arith.constant 6 : i32
    %dma_start3A_546 = arith.constant 0 : i32
    %dma_start3A_547 = tpu.memref_slice %arg6[%dma_start3A_545, %dma_start3A_546] : memref<631x128xf32, #tpu.memory_space<vmem>> -> memref<600x128xf32, #tpu.memory_space<vmem>>
    %dma_start3A_548 = arith.constant 0 : i32
    %dma_start3A_549 = arith.constant 0 : i32
    %dma_start3A_550 = tpu.memref_slice %arg3[%add3A_544, %dma_start3A_548, %dma_start3A_549] : memref<1024x1024x128xf32, #tpu.memory_space<hbm>> -> memref<1x600x128xf32, #tpu.memory_space<hbm>>
    %dma_start3A_551 = tpu.memref_squeeze %dma_start3A_550 : memref<1x600x128xf32, #tpu.memory_space<hbm>> -> memref<600x128xf32, #tpu.memory_space<hbm>>
    %dma_start3A_552 = arith.constant 0 : i32
    %dma_start3A_553 = arith.constant 0 : i32
    %dma_start3A_554 = tpu.memref_slice %arg3[%add3A_544, %dma_start3A_552, %dma_start3A_553] : memref<1024x1024x128xf32, #tpu.memory_space<hbm>> -> memref<1x600x128xf32, #tpu.memory_space<hbm>>
    %dma_start3A_555 = tpu.memref_squeeze %dma_start3A_554 : memref<1x600x128xf32, #tpu.memory_space<hbm>> -> memref<600x128xf32, #tpu.memory_space<hbm>>
    %dma_start3A_556 = arith.constant 6 : i32
    %dma_start3A_557 = arith.constant 0 : i32
    %dma_start3A_558 = tpu.memref_slice %arg6[%dma_start3A_556, %dma_start3A_557] : memref<631x128xf32, #tpu.memory_space<vmem>> -> memref<600x128xf32, #tpu.memory_space<vmem>>
    tpu.enqueue_dma source(%dma_start3A_558 : memref<600x128xf32, #tpu.memory_space<vmem>>) target(%dma_start3A_555 : memref<600x128xf32, #tpu.memory_space<hbm>>) target_semaphore(%arg9 : memref<!tpu.dma_semaphore, #tpu.memory_space<semaphore_mem>>)
    %add3A_559 = arith.constant 26 : i32
    %add3A_560 = arith.addi %mul3A_40, %add3A_559 : i32
    %dma_start3A_561 = arith.constant 5 : i32
    %dma_start3A_562 = arith.constant 0 : i32
    %dma_start3A_563 = tpu.memref_slice %arg6[%dma_start3A_561, %dma_start3A_562] : memref<631x128xf32, #tpu.memory_space<vmem>> -> memref<600x128xf32, #tpu.memory_space<vmem>>
    %dma_start3A_564 = arith.constant 0 : i32
    %dma_start3A_565 = arith.constant 0 : i32
    %dma_start3A_566 = tpu.memref_slice %arg3[%add3A_560, %dma_start3A_564, %dma_start3A_565] : memref<1024x1024x128xf32, #tpu.memory_space<hbm>> -> memref<1x600x128xf32, #tpu.memory_space<hbm>>
    %dma_start3A_567 = tpu.memref_squeeze %dma_start3A_566 : memref<1x600x128xf32, #tpu.memory_space<hbm>> -> memref<600x128xf32, #tpu.memory_space<hbm>>
    %dma_start3A_568 = arith.constant 0 : i32
    %dma_start3A_569 = arith.constant 0 : i32
    %dma_start3A_570 = tpu.memref_slice %arg3[%add3A_560, %dma_start3A_568, %dma_start3A_569] : memref<1024x1024x128xf32, #tpu.memory_space<hbm>> -> memref<1x600x128xf32, #tpu.memory_space<hbm>>
    %dma_start3A_571 = tpu.memref_squeeze %dma_start3A_570 : memref<1x600x128xf32, #tpu.memory_space<hbm>> -> memref<600x128xf32, #tpu.memory_space<hbm>>
    %dma_start3A_572 = arith.constant 5 : i32
    %dma_start3A_573 = arith.constant 0 : i32
    %dma_start3A_574 = tpu.memref_slice %arg6[%dma_start3A_572, %dma_start3A_573] : memref<631x128xf32, #tpu.memory_space<vmem>> -> memref<600x128xf32, #tpu.memory_space<vmem>>
    tpu.enqueue_dma source(%dma_start3A_574 : memref<600x128xf32, #tpu.memory_space<vmem>>) target(%dma_start3A_571 : memref<600x128xf32, #tpu.memory_space<hbm>>) target_semaphore(%arg9 : memref<!tpu.dma_semaphore, #tpu.memory_space<semaphore_mem>>)
    %add3A_575 = arith.constant 27 : i32
    %add3A_576 = arith.addi %mul3A_40, %add3A_575 : i32
    %dma_start3A_577 = arith.constant 4 : i32
    %dma_start3A_578 = arith.constant 0 : i32
    %dma_start3A_579 = tpu.memref_slice %arg6[%dma_start3A_577, %dma_start3A_578] : memref<631x128xf32, #tpu.memory_space<vmem>> -> memref<600x128xf32, #tpu.memory_space<vmem>>
    %dma_start3A_580 = arith.constant 0 : i32
    %dma_start3A_581 = arith.constant 0 : i32
    %dma_start3A_582 = tpu.memref_slice %arg3[%add3A_576, %dma_start3A_580, %dma_start3A_581] : memref<1024x1024x128xf32, #tpu.memory_space<hbm>> -> memref<1x600x128xf32, #tpu.memory_space<hbm>>
    %dma_start3A_583 = tpu.memref_squeeze %dma_start3A_582 : memref<1x600x128xf32, #tpu.memory_space<hbm>> -> memref<600x128xf32, #tpu.memory_space<hbm>>
    %dma_start3A_584 = arith.constant 0 : i32
    %dma_start3A_585 = arith.constant 0 : i32
    %dma_start3A_586 = tpu.memref_slice %arg3[%add3A_576, %dma_start3A_584, %dma_start3A_585] : memref<1024x1024x128xf32, #tpu.memory_space<hbm>> -> memref<1x600x128xf32, #tpu.memory_space<hbm>>
    %dma_start3A_587 = tpu.memref_squeeze %dma_start3A_586 : memref<1x600x128xf32, #tpu.memory_space<hbm>> -> memref<600x128xf32, #tpu.memory_space<hbm>>
    %dma_start3A_588 = arith.constant 4 : i32
    %dma_start3A_589 = arith.constant 0 : i32
    %dma_start3A_590 = tpu.memref_slice %arg6[%dma_start3A_588, %dma_start3A_589] : memref<631x128xf32, #tpu.memory_space<vmem>> -> memref<600x128xf32, #tpu.memory_space<vmem>>
    tpu.enqueue_dma source(%dma_start3A_590 : memref<600x128xf32, #tpu.memory_space<vmem>>) target(%dma_start3A_587 : memref<600x128xf32, #tpu.memory_space<hbm>>) target_semaphore(%arg9 : memref<!tpu.dma_semaphore, #tpu.memory_space<semaphore_mem>>)
    %add3A_591 = arith.constant 28 : i32
    %add3A_592 = arith.addi %mul3A_40, %add3A_591 : i32
    %dma_start3A_593 = arith.constant 3 : i32
    %dma_start3A_594 = arith.constant 0 : i32
    %dma_start3A_595 = tpu.memref_slice %arg6[%dma_start3A_593, %dma_start3A_594] : memref<631x128xf32, #tpu.memory_space<vmem>> -> memref<600x128xf32, #tpu.memory_space<vmem>>
    %dma_start3A_596 = arith.constant 0 : i32
    %dma_start3A_597 = arith.constant 0 : i32
    %dma_start3A_598 = tpu.memref_slice %arg3[%add3A_592, %dma_start3A_596, %dma_start3A_597] : memref<1024x1024x128xf32, #tpu.memory_space<hbm>> -> memref<1x600x128xf32, #tpu.memory_space<hbm>>
    %dma_start3A_599 = tpu.memref_squeeze %dma_start3A_598 : memref<1x600x128xf32, #tpu.memory_space<hbm>> -> memref<600x128xf32, #tpu.memory_space<hbm>>
    %dma_start3A_600 = arith.constant 0 : i32
    %dma_start3A_601 = arith.constant 0 : i32
    %dma_start3A_602 = tpu.memref_slice %arg3[%add3A_592, %dma_start3A_600, %dma_start3A_601] : memref<1024x1024x128xf32, #tpu.memory_space<hbm>> -> memref<1x600x128xf32, #tpu.memory_space<hbm>>
    %dma_start3A_603 = tpu.memref_squeeze %dma_start3A_602 : memref<1x600x128xf32, #tpu.memory_space<hbm>> -> memref<600x128xf32, #tpu.memory_space<hbm>>
    %dma_start3A_604 = arith.constant 3 : i32
    %dma_start3A_605 = arith.constant 0 : i32
    %dma_start3A_606 = tpu.memref_slice %arg6[%dma_start3A_604, %dma_start3A_605] : memref<631x128xf32, #tpu.memory_space<vmem>> -> memref<600x128xf32, #tpu.memory_space<vmem>>
    tpu.enqueue_dma source(%dma_start3A_606 : memref<600x128xf32, #tpu.memory_space<vmem>>) target(%dma_start3A_603 : memref<600x128xf32, #tpu.memory_space<hbm>>) target_semaphore(%arg9 : memref<!tpu.dma_semaphore, #tpu.memory_space<semaphore_mem>>)
    %add3A_607 = arith.constant 29 : i32
    %add3A_608 = arith.addi %mul3A_40, %add3A_607 : i32
    %dma_start3A_609 = arith.constant 2 : i32
    %dma_start3A_610 = arith.constant 0 : i32
    %dma_start3A_611 = tpu.memref_slice %arg6[%dma_start3A_609, %dma_start3A_610] : memref<631x128xf32, #tpu.memory_space<vmem>> -> memref<600x128xf32, #tpu.memory_space<vmem>>
    %dma_start3A_612 = arith.constant 0 : i32
    %dma_start3A_613 = arith.constant 0 : i32
    %dma_start3A_614 = tpu.memref_slice %arg3[%add3A_608, %dma_start3A_612, %dma_start3A_613] : memref<1024x1024x128xf32, #tpu.memory_space<hbm>> -> memref<1x600x128xf32, #tpu.memory_space<hbm>>
    %dma_start3A_615 = tpu.memref_squeeze %dma_start3A_614 : memref<1x600x128xf32, #tpu.memory_space<hbm>> -> memref<600x128xf32, #tpu.memory_space<hbm>>
    %dma_start3A_616 = arith.constant 0 : i32
    %dma_start3A_617 = arith.constant 0 : i32
    %dma_start3A_618 = tpu.memref_slice %arg3[%add3A_608, %dma_start3A_616, %dma_start3A_617] : memref<1024x1024x128xf32, #tpu.memory_space<hbm>> -> memref<1x600x128xf32, #tpu.memory_space<hbm>>
    %dma_start3A_619 = tpu.memref_squeeze %dma_start3A_618 : memref<1x600x128xf32, #tpu.memory_space<hbm>> -> memref<600x128xf32, #tpu.memory_space<hbm>>
    %dma_start3A_620 = arith.constant 2 : i32
    %dma_start3A_621 = arith.constant 0 : i32
    %dma_start3A_622 = tpu.memref_slice %arg6[%dma_start3A_620, %dma_start3A_621] : memref<631x128xf32, #tpu.memory_space<vmem>> -> memref<600x128xf32, #tpu.memory_space<vmem>>
    tpu.enqueue_dma source(%dma_start3A_622 : memref<600x128xf32, #tpu.memory_space<vmem>>) target(%dma_start3A_619 : memref<600x128xf32, #tpu.memory_space<hbm>>) target_semaphore(%arg9 : memref<!tpu.dma_semaphore, #tpu.memory_space<semaphore_mem>>)
    %add3A_623 = arith.constant 30 : i32
    %add3A_624 = arith.addi %mul3A_40, %add3A_623 : i32
    %dma_start3A_625 = arith.constant 1 : i32
    %dma_start3A_626 = arith.constant 0 : i32
    %dma_start3A_627 = tpu.memref_slice %arg6[%dma_start3A_625, %dma_start3A_626] : memref<631x128xf32, #tpu.memory_space<vmem>> -> memref<600x128xf32, #tpu.memory_space<vmem>>
    %dma_start3A_628 = arith.constant 0 : i32
    %dma_start3A_629 = arith.constant 0 : i32
    %dma_start3A_630 = tpu.memref_slice %arg3[%add3A_624, %dma_start3A_628, %dma_start3A_629] : memref<1024x1024x128xf32, #tpu.memory_space<hbm>> -> memref<1x600x128xf32, #tpu.memory_space<hbm>>
    %dma_start3A_631 = tpu.memref_squeeze %dma_start3A_630 : memref<1x600x128xf32, #tpu.memory_space<hbm>> -> memref<600x128xf32, #tpu.memory_space<hbm>>
    %dma_start3A_632 = arith.constant 0 : i32
    %dma_start3A_633 = arith.constant 0 : i32
    %dma_start3A_634 = tpu.memref_slice %arg3[%add3A_624, %dma_start3A_632, %dma_start3A_633] : memref<1024x1024x128xf32, #tpu.memory_space<hbm>> -> memref<1x600x128xf32, #tpu.memory_space<hbm>>
    %dma_start3A_635 = tpu.memref_squeeze %dma_start3A_634 : memref<1x600x128xf32, #tpu.memory_space<hbm>> -> memref<600x128xf32, #tpu.memory_space<hbm>>
    %dma_start3A_636 = arith.constant 1 : i32
    %dma_start3A_637 = arith.constant 0 : i32
    %dma_start3A_638 = tpu.memref_slice %arg6[%dma_start3A_636, %dma_start3A_637] : memref<631x128xf32, #tpu.memory_space<vmem>> -> memref<600x128xf32, #tpu.memory_space<vmem>>
    tpu.enqueue_dma source(%dma_start3A_638 : memref<600x128xf32, #tpu.memory_space<vmem>>) target(%dma_start3A_635 : memref<600x128xf32, #tpu.memory_space<hbm>>) target_semaphore(%arg9 : memref<!tpu.dma_semaphore, #tpu.memory_space<semaphore_mem>>)
    %add3A_639 = arith.constant 31 : i32
    %add3A_640 = arith.addi %mul3A_40, %add3A_639 : i32
    %dma_start3A_641 = arith.constant 0 : i32
    %dma_start3A_642 = arith.constant 0 : i32
    %dma_start3A_643 = tpu.memref_slice %arg6[%dma_start3A_641, %dma_start3A_642] : memref<631x128xf32, #tpu.memory_space<vmem>> -> memref<600x128xf32, #tpu.memory_space<vmem>>
    %dma_start3A_644 = arith.constant 0 : i32
    %dma_start3A_645 = arith.constant 0 : i32
    %dma_start3A_646 = tpu.memref_slice %arg3[%add3A_640, %dma_start3A_644, %dma_start3A_645] : memref<1024x1024x128xf32, #tpu.memory_space<hbm>> -> memref<1x600x128xf32, #tpu.memory_space<hbm>>
    %dma_start3A_647 = tpu.memref_squeeze %dma_start3A_646 : memref<1x600x128xf32, #tpu.memory_space<hbm>> -> memref<600x128xf32, #tpu.memory_space<hbm>>
    %dma_start3A_648 = arith.constant 0 : i32
    %dma_start3A_649 = arith.constant 0 : i32
    %dma_start3A_650 = tpu.memref_slice %arg3[%add3A_640, %dma_start3A_648, %dma_start3A_649] : memref<1024x1024x128xf32, #tpu.memory_space<hbm>> -> memref<1x600x128xf32, #tpu.memory_space<hbm>>
    %dma_start3A_651 = tpu.memref_squeeze %dma_start3A_650 : memref<1x600x128xf32, #tpu.memory_space<hbm>> -> memref<600x128xf32, #tpu.memory_space<hbm>>
    %dma_start3A_652 = arith.constant 0 : i32
    %dma_start3A_653 = arith.constant 0 : i32
    %dma_start3A_654 = tpu.memref_slice %arg6[%dma_start3A_652, %dma_start3A_653] : memref<631x128xf32, #tpu.memory_space<vmem>> -> memref<600x128xf32, #tpu.memory_space<vmem>>
    tpu.enqueue_dma source(%dma_start3A_654 : memref<600x128xf32, #tpu.memory_space<vmem>>) target(%dma_start3A_651 : memref<600x128xf32, #tpu.memory_space<hbm>>) target_semaphore(%arg9 : memref<!tpu.dma_semaphore, #tpu.memory_space<semaphore_mem>>)
    %add3A_655 = arith.constant 8 : i32
    %add3A_656 = arith.addi %mul3A_40, %add3A_655 : i32
    %sub3A_657 = arith.constant 1023 : i32
    %sub3A_658 = arith.subi %sub3A_657, %add3A_656 : i32
    %add3A_659 = arith.constant 600 : i32
    %add3A_660 = arith.addi %sub3A_658, %add3A_659 : i32
    %dma_start3A_661 = arith.constant 600 : i32
    %dma_start3A_662 = arith.constant 0 : i32
    %dma_start3A_663 = tpu.memref_slice %arg3[%add3A_656, %dma_start3A_661, %dma_start3A_662] : memref<1024x1024x128xf32, #tpu.memory_space<hbm>> -> memref<1x424x128xf32, #tpu.memory_space<hbm>>
    %dma_start3A_664 = tpu.memref_squeeze %dma_start3A_663 : memref<1x424x128xf32, #tpu.memory_space<hbm>> -> memref<424x128xf32, #tpu.memory_space<hbm>>
    %dma_start3A_665 = arith.constant 0 : i32
    %dma_start3A_666 = tpu.memref_slice %arg7[%add3A_660, %dma_start3A_665] : memref<2048x128xf32, #tpu.memory_space<vmem_shared>> -> memref<424x128xf32, #tpu.memory_space<vmem_shared>>
    tpu.enqueue_dma source(%dma_start3A_666 : memref<424x128xf32, #tpu.memory_space<vmem_shared>>) target(%dma_start3A_664 : memref<424x128xf32, #tpu.memory_space<hbm>>) target_semaphore(%arg8 : memref<!tpu.dma_semaphore, #tpu.memory_space<semaphore_mem>>)
    %dma_wait3A_667 = arith.constant 600 : i32
    %dma_wait3A_668 = arith.constant 0 : i32
    %dma_wait3A_669 = tpu.memref_slice %arg3[%add3A_53, %dma_wait3A_667, %dma_wait3A_668] : memref<1024x1024x128xf32, #tpu.memory_space<hbm>> -> memref<1x424x128xf32, #tpu.memory_space<hbm>>
    %dma_wait3A_670 = tpu.memref_squeeze %dma_wait3A_669 : memref<1x424x128xf32, #tpu.memory_space<hbm>> -> memref<424x128xf32, #tpu.memory_space<hbm>>
    %dma_wait3A_671 = arith.constant 0 : i32
    %dma_wait3A_672 = tpu.memref_slice %arg7[%add3A_57, %dma_wait3A_671] : memref<2048x128xf32, #tpu.memory_space<vmem_shared>> -> memref<424x128xf32, #tpu.memory_space<vmem_shared>>
    tpu.wait_dma2 semaphore(%arg8 : memref<!tpu.dma_semaphore, #tpu.memory_space<semaphore_mem>>) src(%dma_wait3A_672 : memref<424x128xf32, #tpu.memory_space<vmem_shared>>) dst(%dma_wait3A_670 : memref<424x128xf32, #tpu.memory_space<hbm>>)
    %add3A_673 = arith.constant 9 : i32
    %add3A_674 = arith.addi %mul3A_40, %add3A_673 : i32
    %sub3A_675 = arith.constant 1023 : i32
    %sub3A_676 = arith.subi %sub3A_675, %add3A_674 : i32
    %add3A_677 = arith.constant 600 : i32
    %add3A_678 = arith.addi %sub3A_676, %add3A_677 : i32
    %dma_start3A_679 = arith.constant 600 : i32
    %dma_start3A_680 = arith.constant 0 : i32
    %dma_start3A_681 = tpu.memref_slice %arg3[%add3A_674, %dma_start3A_679, %dma_start3A_680] : memref<1024x1024x128xf32, #tpu.memory_space<hbm>> -> memref<1x424x128xf32, #tpu.memory_space<hbm>>
    %dma_start3A_682 = tpu.memref_squeeze %dma_start3A_681 : memref<1x424x128xf32, #tpu.memory_space<hbm>> -> memref<424x128xf32, #tpu.memory_space<hbm>>
    %dma_start3A_683 = arith.constant 0 : i32
    %dma_start3A_684 = tpu.memref_slice %arg7[%add3A_678, %dma_start3A_683] : memref<2048x128xf32, #tpu.memory_space<vmem_shared>> -> memref<424x128xf32, #tpu.memory_space<vmem_shared>>
    tpu.enqueue_dma source(%dma_start3A_684 : memref<424x128xf32, #tpu.memory_space<vmem_shared>>) target(%dma_start3A_682 : memref<424x128xf32, #tpu.memory_space<hbm>>) target_semaphore(%arg8 : memref<!tpu.dma_semaphore, #tpu.memory_space<semaphore_mem>>)
    %dma_wait3A_685 = arith.constant 600 : i32
    %dma_wait3A_686 = arith.constant 0 : i32
    %dma_wait3A_687 = tpu.memref_slice %arg3[%add3A_65, %dma_wait3A_685, %dma_wait3A_686] : memref<1024x1024x128xf32, #tpu.memory_space<hbm>> -> memref<1x424x128xf32, #tpu.memory_space<hbm>>
    %dma_wait3A_688 = tpu.memref_squeeze %dma_wait3A_687 : memref<1x424x128xf32, #tpu.memory_space<hbm>> -> memref<424x128xf32, #tpu.memory_space<hbm>>
    %dma_wait3A_689 = arith.constant 0 : i32
    %dma_wait3A_690 = tpu.memref_slice %arg7[%add3A_69, %dma_wait3A_689] : memref<2048x128xf32, #tpu.memory_space<vmem_shared>> -> memref<424x128xf32, #tpu.memory_space<vmem_shared>>
    tpu.wait_dma2 semaphore(%arg8 : memref<!tpu.dma_semaphore, #tpu.memory_space<semaphore_mem>>) src(%dma_wait3A_690 : memref<424x128xf32, #tpu.memory_space<vmem_shared>>) dst(%dma_wait3A_688 : memref<424x128xf32, #tpu.memory_space<hbm>>)
    %add3A_691 = arith.constant 10 : i32
    %add3A_692 = arith.addi %mul3A_40, %add3A_691 : i32
    %sub3A_693 = arith.constant 1023 : i32
    %sub3A_694 = arith.subi %sub3A_693, %add3A_692 : i32
    %add3A_695 = arith.constant 600 : i32
    %add3A_696 = arith.addi %sub3A_694, %add3A_695 : i32
    %dma_start3A_697 = arith.constant 600 : i32
    %dma_start3A_698 = arith.constant 0 : i32
    %dma_start3A_699 = tpu.memref_slice %arg3[%add3A_692, %dma_start3A_697, %dma_start3A_698] : memref<1024x1024x128xf32, #tpu.memory_space<hbm>> -> memref<1x424x128xf32, #tpu.memory_space<hbm>>
    %dma_start3A_700 = tpu.memref_squeeze %dma_start3A_699 : memref<1x424x128xf32, #tpu.memory_space<hbm>> -> memref<424x128xf32, #tpu.memory_space<hbm>>
    %dma_start3A_701 = arith.constant 0 : i32
    %dma_start3A_702 = tpu.memref_slice %arg7[%add3A_696, %dma_start3A_701] : memref<2048x128xf32, #tpu.memory_space<vmem_shared>> -> memref<424x128xf32, #tpu.memory_space<vmem_shared>>
    tpu.enqueue_dma source(%dma_start3A_702 : memref<424x128xf32, #tpu.memory_space<vmem_shared>>) target(%dma_start3A_700 : memref<424x128xf32, #tpu.memory_space<hbm>>) target_semaphore(%arg8 : memref<!tpu.dma_semaphore, #tpu.memory_space<semaphore_mem>>)
    %dma_wait3A_703 = arith.constant 600 : i32
    %dma_wait3A_704 = arith.constant 0 : i32
    %dma_wait3A_705 = tpu.memref_slice %arg3[%add3A_77, %dma_wait3A_703, %dma_wait3A_704] : memref<1024x1024x128xf32, #tpu.memory_space<hbm>> -> memref<1x424x128xf32, #tpu.memory_space<hbm>>
    %dma_wait3A_706 = tpu.memref_squeeze %dma_wait3A_705 : memref<1x424x128xf32, #tpu.memory_space<hbm>> -> memref<424x128xf32, #tpu.memory_space<hbm>>
    %dma_wait3A_707 = arith.constant 0 : i32
    %dma_wait3A_708 = tpu.memref_slice %arg7[%add3A_81, %dma_wait3A_707] : memref<2048x128xf32, #tpu.memory_space<vmem_shared>> -> memref<424x128xf32, #tpu.memory_space<vmem_shared>>
    tpu.wait_dma2 semaphore(%arg8 : memref<!tpu.dma_semaphore, #tpu.memory_space<semaphore_mem>>) src(%dma_wait3A_708 : memref<424x128xf32, #tpu.memory_space<vmem_shared>>) dst(%dma_wait3A_706 : memref<424x128xf32, #tpu.memory_space<hbm>>)
    %add3A_709 = arith.constant 11 : i32
    %add3A_710 = arith.addi %mul3A_40, %add3A_709 : i32
    %sub3A_711 = arith.constant 1023 : i32
    %sub3A_712 = arith.subi %sub3A_711, %add3A_710 : i32
    %add3A_713 = arith.constant 600 : i32
    %add3A_714 = arith.addi %sub3A_712, %add3A_713 : i32
    %dma_start3A_715 = arith.constant 600 : i32
    %dma_start3A_716 = arith.constant 0 : i32
    %dma_start3A_717 = tpu.memref_slice %arg3[%add3A_710, %dma_start3A_715, %dma_start3A_716] : memref<1024x1024x128xf32, #tpu.memory_space<hbm>> -> memref<1x424x128xf32, #tpu.memory_space<hbm>>
    %dma_start3A_718 = tpu.memref_squeeze %dma_start3A_717 : memref<1x424x128xf32, #tpu.memory_space<hbm>> -> memref<424x128xf32, #tpu.memory_space<hbm>>
    %dma_start3A_719 = arith.constant 0 : i32
    %dma_start3A_720 = tpu.memref_slice %arg7[%add3A_714, %dma_start3A_719] : memref<2048x128xf32, #tpu.memory_space<vmem_shared>> -> memref<424x128xf32, #tpu.memory_space<vmem_shared>>
    tpu.enqueue_dma source(%dma_start3A_720 : memref<424x128xf32, #tpu.memory_space<vmem_shared>>) target(%dma_start3A_718 : memref<424x128xf32, #tpu.memory_space<hbm>>) target_semaphore(%arg8 : memref<!tpu.dma_semaphore, #tpu.memory_space<semaphore_mem>>)
    %dma_wait3A_721 = arith.constant 600 : i32
    %dma_wait3A_722 = arith.constant 0 : i32
    %dma_wait3A_723 = tpu.memref_slice %arg3[%add3A_89, %dma_wait3A_721, %dma_wait3A_722] : memref<1024x1024x128xf32, #tpu.memory_space<hbm>> -> memref<1x424x128xf32, #tpu.memory_space<hbm>>
    %dma_wait3A_724 = tpu.memref_squeeze %dma_wait3A_723 : memref<1x424x128xf32, #tpu.memory_space<hbm>> -> memref<424x128xf32, #tpu.memory_space<hbm>>
    %dma_wait3A_725 = arith.constant 0 : i32
    %dma_wait3A_726 = tpu.memref_slice %arg7[%add3A_93, %dma_wait3A_725] : memref<2048x128xf32, #tpu.memory_space<vmem_shared>> -> memref<424x128xf32, #tpu.memory_space<vmem_shared>>
    tpu.wait_dma2 semaphore(%arg8 : memref<!tpu.dma_semaphore, #tpu.memory_space<semaphore_mem>>) src(%dma_wait3A_726 : memref<424x128xf32, #tpu.memory_space<vmem_shared>>) dst(%dma_wait3A_724 : memref<424x128xf32, #tpu.memory_space<hbm>>)
    %add3A_727 = arith.constant 12 : i32
    %add3A_728 = arith.addi %mul3A_40, %add3A_727 : i32
    %sub3A_729 = arith.constant 1023 : i32
    %sub3A_730 = arith.subi %sub3A_729, %add3A_728 : i32
    %add3A_731 = arith.constant 600 : i32
    %add3A_732 = arith.addi %sub3A_730, %add3A_731 : i32
    %dma_start3A_733 = arith.constant 600 : i32
    %dma_start3A_734 = arith.constant 0 : i32
    %dma_start3A_735 = tpu.memref_slice %arg3[%add3A_728, %dma_start3A_733, %dma_start3A_734] : memref<1024x1024x128xf32, #tpu.memory_space<hbm>> -> memref<1x424x128xf32, #tpu.memory_space<hbm>>
    %dma_start3A_736 = tpu.memref_squeeze %dma_start3A_735 : memref<1x424x128xf32, #tpu.memory_space<hbm>> -> memref<424x128xf32, #tpu.memory_space<hbm>>
    %dma_start3A_737 = arith.constant 0 : i32
    %dma_start3A_738 = tpu.memref_slice %arg7[%add3A_732, %dma_start3A_737] : memref<2048x128xf32, #tpu.memory_space<vmem_shared>> -> memref<424x128xf32, #tpu.memory_space<vmem_shared>>
    tpu.enqueue_dma source(%dma_start3A_738 : memref<424x128xf32, #tpu.memory_space<vmem_shared>>) target(%dma_start3A_736 : memref<424x128xf32, #tpu.memory_space<hbm>>) target_semaphore(%arg8 : memref<!tpu.dma_semaphore, #tpu.memory_space<semaphore_mem>>)
    %dma_wait3A_739 = arith.constant 600 : i32
    %dma_wait3A_740 = arith.constant 0 : i32
    %dma_wait3A_741 = tpu.memref_slice %arg3[%add3A_101, %dma_wait3A_739, %dma_wait3A_740] : memref<1024x1024x128xf32, #tpu.memory_space<hbm>> -> memref<1x424x128xf32, #tpu.memory_space<hbm>>
    %dma_wait3A_742 = tpu.memref_squeeze %dma_wait3A_741 : memref<1x424x128xf32, #tpu.memory_space<hbm>> -> memref<424x128xf32, #tpu.memory_space<hbm>>
    %dma_wait3A_743 = arith.constant 0 : i32
    %dma_wait3A_744 = tpu.memref_slice %arg7[%add3A_105, %dma_wait3A_743] : memref<2048x128xf32, #tpu.memory_space<vmem_shared>> -> memref<424x128xf32, #tpu.memory_space<vmem_shared>>
    tpu.wait_dma2 semaphore(%arg8 : memref<!tpu.dma_semaphore, #tpu.memory_space<semaphore_mem>>) src(%dma_wait3A_744 : memref<424x128xf32, #tpu.memory_space<vmem_shared>>) dst(%dma_wait3A_742 : memref<424x128xf32, #tpu.memory_space<hbm>>)
    %add3A_745 = arith.constant 13 : i32
    %add3A_746 = arith.addi %mul3A_40, %add3A_745 : i32
    %sub3A_747 = arith.constant 1023 : i32
    %sub3A_748 = arith.subi %sub3A_747, %add3A_746 : i32
    %add3A_749 = arith.constant 600 : i32
    %add3A_750 = arith.addi %sub3A_748, %add3A_749 : i32
    %dma_start3A_751 = arith.constant 600 : i32
    %dma_start3A_752 = arith.constant 0 : i32
    %dma_start3A_753 = tpu.memref_slice %arg3[%add3A_746, %dma_start3A_751, %dma_start3A_752] : memref<1024x1024x128xf32, #tpu.memory_space<hbm>> -> memref<1x424x128xf32, #tpu.memory_space<hbm>>
    %dma_start3A_754 = tpu.memref_squeeze %dma_start3A_753 : memref<1x424x128xf32, #tpu.memory_space<hbm>> -> memref<424x128xf32, #tpu.memory_space<hbm>>
    %dma_start3A_755 = arith.constant 0 : i32
    %dma_start3A_756 = tpu.memref_slice %arg7[%add3A_750, %dma_start3A_755] : memref<2048x128xf32, #tpu.memory_space<vmem_shared>> -> memref<424x128xf32, #tpu.memory_space<vmem_shared>>
    tpu.enqueue_dma source(%dma_start3A_756 : memref<424x128xf32, #tpu.memory_space<vmem_shared>>) target(%dma_start3A_754 : memref<424x128xf32, #tpu.memory_space<hbm>>) target_semaphore(%arg8 : memref<!tpu.dma_semaphore, #tpu.memory_space<semaphore_mem>>)
    %dma_wait3A_757 = arith.constant 600 : i32
    %dma_wait3A_758 = arith.constant 0 : i32
    %dma_wait3A_759 = tpu.memref_slice %arg3[%add3A_113, %dma_wait3A_757, %dma_wait3A_758] : memref<1024x1024x128xf32, #tpu.memory_space<hbm>> -> memref<1x424x128xf32, #tpu.memory_space<hbm>>
    %dma_wait3A_760 = tpu.memref_squeeze %dma_wait3A_759 : memref<1x424x128xf32, #tpu.memory_space<hbm>> -> memref<424x128xf32, #tpu.memory_space<hbm>>
    %dma_wait3A_761 = arith.constant 0 : i32
    %dma_wait3A_762 = tpu.memref_slice %arg7[%add3A_117, %dma_wait3A_761] : memref<2048x128xf32, #tpu.memory_space<vmem_shared>> -> memref<424x128xf32, #tpu.memory_space<vmem_shared>>
    tpu.wait_dma2 semaphore(%arg8 : memref<!tpu.dma_semaphore, #tpu.memory_space<semaphore_mem>>) src(%dma_wait3A_762 : memref<424x128xf32, #tpu.memory_space<vmem_shared>>) dst(%dma_wait3A_760 : memref<424x128xf32, #tpu.memory_space<hbm>>)
    %add3A_763 = arith.constant 14 : i32
    %add3A_764 = arith.addi %mul3A_40, %add3A_763 : i32
    %sub3A_765 = arith.constant 1023 : i32
    %sub3A_766 = arith.subi %sub3A_765, %add3A_764 : i32
    %add3A_767 = arith.constant 600 : i32
    %add3A_768 = arith.addi %sub3A_766, %add3A_767 : i32
    %dma_start3A_769 = arith.constant 600 : i32
    %dma_start3A_770 = arith.constant 0 : i32
    %dma_start3A_771 = tpu.memref_slice %arg3[%add3A_764, %dma_start3A_769, %dma_start3A_770] : memref<1024x1024x128xf32, #tpu.memory_space<hbm>> -> memref<1x424x128xf32, #tpu.memory_space<hbm>>
    %dma_start3A_772 = tpu.memref_squeeze %dma_start3A_771 : memref<1x424x128xf32, #tpu.memory_space<hbm>> -> memref<424x128xf32, #tpu.memory_space<hbm>>
    %dma_start3A_773 = arith.constant 0 : i32
    %dma_start3A_774 = tpu.memref_slice %arg7[%add3A_768, %dma_start3A_773] : memref<2048x128xf32, #tpu.memory_space<vmem_shared>> -> memref<424x128xf32, #tpu.memory_space<vmem_shared>>
    tpu.enqueue_dma source(%dma_start3A_774 : memref<424x128xf32, #tpu.memory_space<vmem_shared>>) target(%dma_start3A_772 : memref<424x128xf32, #tpu.memory_space<hbm>>) target_semaphore(%arg8 : memref<!tpu.dma_semaphore, #tpu.memory_space<semaphore_mem>>)
    %dma_wait3A_775 = arith.constant 600 : i32
    %dma_wait3A_776 = arith.constant 0 : i32
    %dma_wait3A_777 = tpu.memref_slice %arg3[%add3A_125, %dma_wait3A_775, %dma_wait3A_776] : memref<1024x1024x128xf32, #tpu.memory_space<hbm>> -> memref<1x424x128xf32, #tpu.memory_space<hbm>>
    %dma_wait3A_778 = tpu.memref_squeeze %dma_wait3A_777 : memref<1x424x128xf32, #tpu.memory_space<hbm>> -> memref<424x128xf32, #tpu.memory_space<hbm>>
    %dma_wait3A_779 = arith.constant 0 : i32
    %dma_wait3A_780 = tpu.memref_slice %arg7[%add3A_129, %dma_wait3A_779] : memref<2048x128xf32, #tpu.memory_space<vmem_shared>> -> memref<424x128xf32, #tpu.memory_space<vmem_shared>>
    tpu.wait_dma2 semaphore(%arg8 : memref<!tpu.dma_semaphore, #tpu.memory_space<semaphore_mem>>) src(%dma_wait3A_780 : memref<424x128xf32, #tpu.memory_space<vmem_shared>>) dst(%dma_wait3A_778 : memref<424x128xf32, #tpu.memory_space<hbm>>)
    %add3A_781 = arith.constant 15 : i32
    %add3A_782 = arith.addi %mul3A_40, %add3A_781 : i32
    %sub3A_783 = arith.constant 1023 : i32
    %sub3A_784 = arith.subi %sub3A_783, %add3A_782 : i32
    %add3A_785 = arith.constant 600 : i32
    %add3A_786 = arith.addi %sub3A_784, %add3A_785 : i32
    %dma_start3A_787 = arith.constant 600 : i32
    %dma_start3A_788 = arith.constant 0 : i32
    %dma_start3A_789 = tpu.memref_slice %arg3[%add3A_782, %dma_start3A_787, %dma_start3A_788] : memref<1024x1024x128xf32, #tpu.memory_space<hbm>> -> memref<1x424x128xf32, #tpu.memory_space<hbm>>
    %dma_start3A_790 = tpu.memref_squeeze %dma_start3A_789 : memref<1x424x128xf32, #tpu.memory_space<hbm>> -> memref<424x128xf32, #tpu.memory_space<hbm>>
    %dma_start3A_791 = arith.constant 0 : i32
    %dma_start3A_792 = tpu.memref_slice %arg7[%add3A_786, %dma_start3A_791] : memref<2048x128xf32, #tpu.memory_space<vmem_shared>> -> memref<424x128xf32, #tpu.memory_space<vmem_shared>>
    tpu.enqueue_dma source(%dma_start3A_792 : memref<424x128xf32, #tpu.memory_space<vmem_shared>>) target(%dma_start3A_790 : memref<424x128xf32, #tpu.memory_space<hbm>>) target_semaphore(%arg8 : memref<!tpu.dma_semaphore, #tpu.memory_space<semaphore_mem>>)
    %dma_wait3A_793 = arith.constant 600 : i32
    %dma_wait3A_794 = arith.constant 0 : i32
    %dma_wait3A_795 = tpu.memref_slice %arg3[%add3A_656, %dma_wait3A_793, %dma_wait3A_794] : memref<1024x1024x128xf32, #tpu.memory_space<hbm>> -> memref<1x424x128xf32, #tpu.memory_space<hbm>>
    %dma_wait3A_796 = tpu.memref_squeeze %dma_wait3A_795 : memref<1x424x128xf32, #tpu.memory_space<hbm>> -> memref<424x128xf32, #tpu.memory_space<hbm>>
    %dma_wait3A_797 = arith.constant 0 : i32
    %dma_wait3A_798 = tpu.memref_slice %arg7[%add3A_660, %dma_wait3A_797] : memref<2048x128xf32, #tpu.memory_space<vmem_shared>> -> memref<424x128xf32, #tpu.memory_space<vmem_shared>>
    tpu.wait_dma2 semaphore(%arg8 : memref<!tpu.dma_semaphore, #tpu.memory_space<semaphore_mem>>) src(%dma_wait3A_798 : memref<424x128xf32, #tpu.memory_space<vmem_shared>>) dst(%dma_wait3A_796 : memref<424x128xf32, #tpu.memory_space<hbm>>)
    %add3A_799 = arith.constant 16 : i32
    %add3A_800 = arith.addi %mul3A_40, %add3A_799 : i32
    %sub3A_801 = arith.constant 1023 : i32
    %sub3A_802 = arith.subi %sub3A_801, %add3A_800 : i32
    %add3A_803 = arith.constant 600 : i32
    %add3A_804 = arith.addi %sub3A_802, %add3A_803 : i32
    %dma_start3A_805 = arith.constant 600 : i32
    %dma_start3A_806 = arith.constant 0 : i32
    %dma_start3A_807 = tpu.memref_slice %arg3[%add3A_800, %dma_start3A_805, %dma_start3A_806] : memref<1024x1024x128xf32, #tpu.memory_space<hbm>> -> memref<1x424x128xf32, #tpu.memory_space<hbm>>
    %dma_start3A_808 = tpu.memref_squeeze %dma_start3A_807 : memref<1x424x128xf32, #tpu.memory_space<hbm>> -> memref<424x128xf32, #tpu.memory_space<hbm>>
    %dma_start3A_809 = arith.constant 0 : i32
    %dma_start3A_810 = tpu.memref_slice %arg7[%add3A_804, %dma_start3A_809] : memref<2048x128xf32, #tpu.memory_space<vmem_shared>> -> memref<424x128xf32, #tpu.memory_space<vmem_shared>>
    tpu.enqueue_dma source(%dma_start3A_810 : memref<424x128xf32, #tpu.memory_space<vmem_shared>>) target(%dma_start3A_808 : memref<424x128xf32, #tpu.memory_space<hbm>>) target_semaphore(%arg8 : memref<!tpu.dma_semaphore, #tpu.memory_space<semaphore_mem>>)
    %dma_wait3A_811 = arith.constant 600 : i32
    %dma_wait3A_812 = arith.constant 0 : i32
    %dma_wait3A_813 = tpu.memref_slice %arg3[%add3A_674, %dma_wait3A_811, %dma_wait3A_812] : memref<1024x1024x128xf32, #tpu.memory_space<hbm>> -> memref<1x424x128xf32, #tpu.memory_space<hbm>>
    %dma_wait3A_814 = tpu.memref_squeeze %dma_wait3A_813 : memref<1x424x128xf32, #tpu.memory_space<hbm>> -> memref<424x128xf32, #tpu.memory_space<hbm>>
    %dma_wait3A_815 = arith.constant 0 : i32
    %dma_wait3A_816 = tpu.memref_slice %arg7[%add3A_678, %dma_wait3A_815] : memref<2048x128xf32, #tpu.memory_space<vmem_shared>> -> memref<424x128xf32, #tpu.memory_space<vmem_shared>>
    tpu.wait_dma2 semaphore(%arg8 : memref<!tpu.dma_semaphore, #tpu.memory_space<semaphore_mem>>) src(%dma_wait3A_816 : memref<424x128xf32, #tpu.memory_space<vmem_shared>>) dst(%dma_wait3A_814 : memref<424x128xf32, #tpu.memory_space<hbm>>)
    %add3A_817 = arith.constant 17 : i32
    %add3A_818 = arith.addi %mul3A_40, %add3A_817 : i32
    %sub3A_819 = arith.constant 1023 : i32
    %sub3A_820 = arith.subi %sub3A_819, %add3A_818 : i32
    %add3A_821 = arith.constant 600 : i32
    %add3A_822 = arith.addi %sub3A_820, %add3A_821 : i32
    %dma_start3A_823 = arith.constant 600 : i32
    %dma_start3A_824 = arith.constant 0 : i32
    %dma_start3A_825 = tpu.memref_slice %arg3[%add3A_818, %dma_start3A_823, %dma_start3A_824] : memref<1024x1024x128xf32, #tpu.memory_space<hbm>> -> memref<1x424x128xf32, #tpu.memory_space<hbm>>
    %dma_start3A_826 = tpu.memref_squeeze %dma_start3A_825 : memref<1x424x128xf32, #tpu.memory_space<hbm>> -> memref<424x128xf32, #tpu.memory_space<hbm>>
    %dma_start3A_827 = arith.constant 0 : i32
    %dma_start3A_828 = tpu.memref_slice %arg7[%add3A_822, %dma_start3A_827] : memref<2048x128xf32, #tpu.memory_space<vmem_shared>> -> memref<424x128xf32, #tpu.memory_space<vmem_shared>>
    tpu.enqueue_dma source(%dma_start3A_828 : memref<424x128xf32, #tpu.memory_space<vmem_shared>>) target(%dma_start3A_826 : memref<424x128xf32, #tpu.memory_space<hbm>>) target_semaphore(%arg8 : memref<!tpu.dma_semaphore, #tpu.memory_space<semaphore_mem>>)
    %dma_wait3A_829 = arith.constant 600 : i32
    %dma_wait3A_830 = arith.constant 0 : i32
    %dma_wait3A_831 = tpu.memref_slice %arg3[%add3A_692, %dma_wait3A_829, %dma_wait3A_830] : memref<1024x1024x128xf32, #tpu.memory_space<hbm>> -> memref<1x424x128xf32, #tpu.memory_space<hbm>>
    %dma_wait3A_832 = tpu.memref_squeeze %dma_wait3A_831 : memref<1x424x128xf32, #tpu.memory_space<hbm>> -> memref<424x128xf32, #tpu.memory_space<hbm>>
    %dma_wait3A_833 = arith.constant 0 : i32
    %dma_wait3A_834 = tpu.memref_slice %arg7[%add3A_696, %dma_wait3A_833] : memref<2048x128xf32, #tpu.memory_space<vmem_shared>> -> memref<424x128xf32, #tpu.memory_space<vmem_shared>>
    tpu.wait_dma2 semaphore(%arg8 : memref<!tpu.dma_semaphore, #tpu.memory_space<semaphore_mem>>) src(%dma_wait3A_834 : memref<424x128xf32, #tpu.memory_space<vmem_shared>>) dst(%dma_wait3A_832 : memref<424x128xf32, #tpu.memory_space<hbm>>)
    %add3A_835 = arith.constant 18 : i32
    %add3A_836 = arith.addi %mul3A_40, %add3A_835 : i32
    %sub3A_837 = arith.constant 1023 : i32
    %sub3A_838 = arith.subi %sub3A_837, %add3A_836 : i32
    %add3A_839 = arith.constant 600 : i32
    %add3A_840 = arith.addi %sub3A_838, %add3A_839 : i32
    %dma_start3A_841 = arith.constant 600 : i32
    %dma_start3A_842 = arith.constant 0 : i32
    %dma_start3A_843 = tpu.memref_slice %arg3[%add3A_836, %dma_start3A_841, %dma_start3A_842] : memref<1024x1024x128xf32, #tpu.memory_space<hbm>> -> memref<1x424x128xf32, #tpu.memory_space<hbm>>
    %dma_start3A_844 = tpu.memref_squeeze %dma_start3A_843 : memref<1x424x128xf32, #tpu.memory_space<hbm>> -> memref<424x128xf32, #tpu.memory_space<hbm>>
    %dma_start3A_845 = arith.constant 0 : i32
    %dma_start3A_846 = tpu.memref_slice %arg7[%add3A_840, %dma_start3A_845] : memref<2048x128xf32, #tpu.memory_space<vmem_shared>> -> memref<424x128xf32, #tpu.memory_space<vmem_shared>>
    tpu.enqueue_dma source(%dma_start3A_846 : memref<424x128xf32, #tpu.memory_space<vmem_shared>>) target(%dma_start3A_844 : memref<424x128xf32, #tpu.memory_space<hbm>>) target_semaphore(%arg8 : memref<!tpu.dma_semaphore, #tpu.memory_space<semaphore_mem>>)
    %dma_wait3A_847 = arith.constant 600 : i32
    %dma_wait3A_848 = arith.constant 0 : i32
    %dma_wait3A_849 = tpu.memref_slice %arg3[%add3A_710, %dma_wait3A_847, %dma_wait3A_848] : memref<1024x1024x128xf32, #tpu.memory_space<hbm>> -> memref<1x424x128xf32, #tpu.memory_space<hbm>>
    %dma_wait3A_850 = tpu.memref_squeeze %dma_wait3A_849 : memref<1x424x128xf32, #tpu.memory_space<hbm>> -> memref<424x128xf32, #tpu.memory_space<hbm>>
    %dma_wait3A_851 = arith.constant 0 : i32
    %dma_wait3A_852 = tpu.memref_slice %arg7[%add3A_714, %dma_wait3A_851] : memref<2048x128xf32, #tpu.memory_space<vmem_shared>> -> memref<424x128xf32, #tpu.memory_space<vmem_shared>>
    tpu.wait_dma2 semaphore(%arg8 : memref<!tpu.dma_semaphore, #tpu.memory_space<semaphore_mem>>) src(%dma_wait3A_852 : memref<424x128xf32, #tpu.memory_space<vmem_shared>>) dst(%dma_wait3A_850 : memref<424x128xf32, #tpu.memory_space<hbm>>)
    %add3A_853 = arith.constant 19 : i32
    %add3A_854 = arith.addi %mul3A_40, %add3A_853 : i32
    %sub3A_855 = arith.constant 1023 : i32
    %sub3A_856 = arith.subi %sub3A_855, %add3A_854 : i32
    %add3A_857 = arith.constant 600 : i32
    %add3A_858 = arith.addi %sub3A_856, %add3A_857 : i32
    %dma_start3A_859 = arith.constant 600 : i32
    %dma_start3A_860 = arith.constant 0 : i32
    %dma_start3A_861 = tpu.memref_slice %arg3[%add3A_854, %dma_start3A_859, %dma_start3A_860] : memref<1024x1024x128xf32, #tpu.memory_space<hbm>> -> memref<1x424x128xf32, #tpu.memory_space<hbm>>
    %dma_start3A_862 = tpu.memref_squeeze %dma_start3A_861 : memref<1x424x128xf32, #tpu.memory_space<hbm>> -> memref<424x128xf32, #tpu.memory_space<hbm>>
    %dma_start3A_863 = arith.constant 0 : i32
    %dma_start3A_864 = tpu.memref_slice %arg7[%add3A_858, %dma_start3A_863] : memref<2048x128xf32, #tpu.memory_space<vmem_shared>> -> memref<424x128xf32, #tpu.memory_space<vmem_shared>>
    tpu.enqueue_dma source(%dma_start3A_864 : memref<424x128xf32, #tpu.memory_space<vmem_shared>>) target(%dma_start3A_862 : memref<424x128xf32, #tpu.memory_space<hbm>>) target_semaphore(%arg8 : memref<!tpu.dma_semaphore, #tpu.memory_space<semaphore_mem>>)
    %dma_wait3A_865 = arith.constant 600 : i32
    %dma_wait3A_866 = arith.constant 0 : i32
    %dma_wait3A_867 = tpu.memref_slice %arg3[%add3A_728, %dma_wait3A_865, %dma_wait3A_866] : memref<1024x1024x128xf32, #tpu.memory_space<hbm>> -> memref<1x424x128xf32, #tpu.memory_space<hbm>>
    %dma_wait3A_868 = tpu.memref_squeeze %dma_wait3A_867 : memref<1x424x128xf32, #tpu.memory_space<hbm>> -> memref<424x128xf32, #tpu.memory_space<hbm>>
    %dma_wait3A_869 = arith.constant 0 : i32
    %dma_wait3A_870 = tpu.memref_slice %arg7[%add3A_732, %dma_wait3A_869] : memref<2048x128xf32, #tpu.memory_space<vmem_shared>> -> memref<424x128xf32, #tpu.memory_space<vmem_shared>>
    tpu.wait_dma2 semaphore(%arg8 : memref<!tpu.dma_semaphore, #tpu.memory_space<semaphore_mem>>) src(%dma_wait3A_870 : memref<424x128xf32, #tpu.memory_space<vmem_shared>>) dst(%dma_wait3A_868 : memref<424x128xf32, #tpu.memory_space<hbm>>)
    %add3A_871 = arith.constant 20 : i32
    %add3A_872 = arith.addi %mul3A_40, %add3A_871 : i32
    %sub3A_873 = arith.constant 1023 : i32
    %sub3A_874 = arith.subi %sub3A_873, %add3A_872 : i32
    %add3A_875 = arith.constant 600 : i32
    %add3A_876 = arith.addi %sub3A_874, %add3A_875 : i32
    %dma_start3A_877 = arith.constant 600 : i32
    %dma_start3A_878 = arith.constant 0 : i32
    %dma_start3A_879 = tpu.memref_slice %arg3[%add3A_872, %dma_start3A_877, %dma_start3A_878] : memref<1024x1024x128xf32, #tpu.memory_space<hbm>> -> memref<1x424x128xf32, #tpu.memory_space<hbm>>
    %dma_start3A_880 = tpu.memref_squeeze %dma_start3A_879 : memref<1x424x128xf32, #tpu.memory_space<hbm>> -> memref<424x128xf32, #tpu.memory_space<hbm>>
    %dma_start3A_881 = arith.constant 0 : i32
    %dma_start3A_882 = tpu.memref_slice %arg7[%add3A_876, %dma_start3A_881] : memref<2048x128xf32, #tpu.memory_space<vmem_shared>> -> memref<424x128xf32, #tpu.memory_space<vmem_shared>>
    tpu.enqueue_dma source(%dma_start3A_882 : memref<424x128xf32, #tpu.memory_space<vmem_shared>>) target(%dma_start3A_880 : memref<424x128xf32, #tpu.memory_space<hbm>>) target_semaphore(%arg8 : memref<!tpu.dma_semaphore, #tpu.memory_space<semaphore_mem>>)
    %dma_wait3A_883 = arith.constant 600 : i32
    %dma_wait3A_884 = arith.constant 0 : i32
    %dma_wait3A_885 = tpu.memref_slice %arg3[%add3A_746, %dma_wait3A_883, %dma_wait3A_884] : memref<1024x1024x128xf32, #tpu.memory_space<hbm>> -> memref<1x424x128xf32, #tpu.memory_space<hbm>>
    %dma_wait3A_886 = tpu.memref_squeeze %dma_wait3A_885 : memref<1x424x128xf32, #tpu.memory_space<hbm>> -> memref<424x128xf32, #tpu.memory_space<hbm>>
    %dma_wait3A_887 = arith.constant 0 : i32
    %dma_wait3A_888 = tpu.memref_slice %arg7[%add3A_750, %dma_wait3A_887] : memref<2048x128xf32, #tpu.memory_space<vmem_shared>> -> memref<424x128xf32, #tpu.memory_space<vmem_shared>>
    tpu.wait_dma2 semaphore(%arg8 : memref<!tpu.dma_semaphore, #tpu.memory_space<semaphore_mem>>) src(%dma_wait3A_888 : memref<424x128xf32, #tpu.memory_space<vmem_shared>>) dst(%dma_wait3A_886 : memref<424x128xf32, #tpu.memory_space<hbm>>)
    %add3A_889 = arith.constant 21 : i32
    %add3A_890 = arith.addi %mul3A_40, %add3A_889 : i32
    %sub3A_891 = arith.constant 1023 : i32
    %sub3A_892 = arith.subi %sub3A_891, %add3A_890 : i32
    %add3A_893 = arith.constant 600 : i32
    %add3A_894 = arith.addi %sub3A_892, %add3A_893 : i32
    %dma_start3A_895 = arith.constant 600 : i32
    %dma_start3A_896 = arith.constant 0 : i32
    %dma_start3A_897 = tpu.memref_slice %arg3[%add3A_890, %dma_start3A_895, %dma_start3A_896] : memref<1024x1024x128xf32, #tpu.memory_space<hbm>> -> memref<1x424x128xf32, #tpu.memory_space<hbm>>
    %dma_start3A_898 = tpu.memref_squeeze %dma_start3A_897 : memref<1x424x128xf32, #tpu.memory_space<hbm>> -> memref<424x128xf32, #tpu.memory_space<hbm>>
    %dma_start3A_899 = arith.constant 0 : i32
    %dma_start3A_900 = tpu.memref_slice %arg7[%add3A_894, %dma_start3A_899] : memref<2048x128xf32, #tpu.memory_space<vmem_shared>> -> memref<424x128xf32, #tpu.memory_space<vmem_shared>>
    tpu.enqueue_dma source(%dma_start3A_900 : memref<424x128xf32, #tpu.memory_space<vmem_shared>>) target(%dma_start3A_898 : memref<424x128xf32, #tpu.memory_space<hbm>>) target_semaphore(%arg8 : memref<!tpu.dma_semaphore, #tpu.memory_space<semaphore_mem>>)
    %dma_wait3A_901 = arith.constant 600 : i32
    %dma_wait3A_902 = arith.constant 0 : i32
    %dma_wait3A_903 = tpu.memref_slice %arg3[%add3A_764, %dma_wait3A_901, %dma_wait3A_902] : memref<1024x1024x128xf32, #tpu.memory_space<hbm>> -> memref<1x424x128xf32, #tpu.memory_space<hbm>>
    %dma_wait3A_904 = tpu.memref_squeeze %dma_wait3A_903 : memref<1x424x128xf32, #tpu.memory_space<hbm>> -> memref<424x128xf32, #tpu.memory_space<hbm>>
    %dma_wait3A_905 = arith.constant 0 : i32
    %dma_wait3A_906 = tpu.memref_slice %arg7[%add3A_768, %dma_wait3A_905] : memref<2048x128xf32, #tpu.memory_space<vmem_shared>> -> memref<424x128xf32, #tpu.memory_space<vmem_shared>>
    tpu.wait_dma2 semaphore(%arg8 : memref<!tpu.dma_semaphore, #tpu.memory_space<semaphore_mem>>) src(%dma_wait3A_906 : memref<424x128xf32, #tpu.memory_space<vmem_shared>>) dst(%dma_wait3A_904 : memref<424x128xf32, #tpu.memory_space<hbm>>)
    %add3A_907 = arith.constant 22 : i32
    %add3A_908 = arith.addi %mul3A_40, %add3A_907 : i32
    %sub3A_909 = arith.constant 1023 : i32
    %sub3A_910 = arith.subi %sub3A_909, %add3A_908 : i32
    %add3A_911 = arith.constant 600 : i32
    %add3A_912 = arith.addi %sub3A_910, %add3A_911 : i32
    %dma_start3A_913 = arith.constant 600 : i32
    %dma_start3A_914 = arith.constant 0 : i32
    %dma_start3A_915 = tpu.memref_slice %arg3[%add3A_908, %dma_start3A_913, %dma_start3A_914] : memref<1024x1024x128xf32, #tpu.memory_space<hbm>> -> memref<1x424x128xf32, #tpu.memory_space<hbm>>
    %dma_start3A_916 = tpu.memref_squeeze %dma_start3A_915 : memref<1x424x128xf32, #tpu.memory_space<hbm>> -> memref<424x128xf32, #tpu.memory_space<hbm>>
    %dma_start3A_917 = arith.constant 0 : i32
    %dma_start3A_918 = tpu.memref_slice %arg7[%add3A_912, %dma_start3A_917] : memref<2048x128xf32, #tpu.memory_space<vmem_shared>> -> memref<424x128xf32, #tpu.memory_space<vmem_shared>>
    tpu.enqueue_dma source(%dma_start3A_918 : memref<424x128xf32, #tpu.memory_space<vmem_shared>>) target(%dma_start3A_916 : memref<424x128xf32, #tpu.memory_space<hbm>>) target_semaphore(%arg8 : memref<!tpu.dma_semaphore, #tpu.memory_space<semaphore_mem>>)
    %dma_wait3A_919 = arith.constant 600 : i32
    %dma_wait3A_920 = arith.constant 0 : i32
    %dma_wait3A_921 = tpu.memref_slice %arg3[%add3A_782, %dma_wait3A_919, %dma_wait3A_920] : memref<1024x1024x128xf32, #tpu.memory_space<hbm>> -> memref<1x424x128xf32, #tpu.memory_space<hbm>>
    %dma_wait3A_922 = tpu.memref_squeeze %dma_wait3A_921 : memref<1x424x128xf32, #tpu.memory_space<hbm>> -> memref<424x128xf32, #tpu.memory_space<hbm>>
    %dma_wait3A_923 = arith.constant 0 : i32
    %dma_wait3A_924 = tpu.memref_slice %arg7[%add3A_786, %dma_wait3A_923] : memref<2048x128xf32, #tpu.memory_space<vmem_shared>> -> memref<424x128xf32, #tpu.memory_space<vmem_shared>>
    tpu.wait_dma2 semaphore(%arg8 : memref<!tpu.dma_semaphore, #tpu.memory_space<semaphore_mem>>) src(%dma_wait3A_924 : memref<424x128xf32, #tpu.memory_space<vmem_shared>>) dst(%dma_wait3A_922 : memref<424x128xf32, #tpu.memory_space<hbm>>)
    %add3A_925 = arith.constant 23 : i32
    %add3A_926 = arith.addi %mul3A_40, %add3A_925 : i32
    %sub3A_927 = arith.constant 1023 : i32
    %sub3A_928 = arith.subi %sub3A_927, %add3A_926 : i32
    %add3A_929 = arith.constant 600 : i32
    %add3A_930 = arith.addi %sub3A_928, %add3A_929 : i32
    %dma_start3A_931 = arith.constant 600 : i32
    %dma_start3A_932 = arith.constant 0 : i32
    %dma_start3A_933 = tpu.memref_slice %arg3[%add3A_926, %dma_start3A_931, %dma_start3A_932] : memref<1024x1024x128xf32, #tpu.memory_space<hbm>> -> memref<1x424x128xf32, #tpu.memory_space<hbm>>
    %dma_start3A_934 = tpu.memref_squeeze %dma_start3A_933 : memref<1x424x128xf32, #tpu.memory_space<hbm>> -> memref<424x128xf32, #tpu.memory_space<hbm>>
    %dma_start3A_935 = arith.constant 0 : i32
    %dma_start3A_936 = tpu.memref_slice %arg7[%add3A_930, %dma_start3A_935] : memref<2048x128xf32, #tpu.memory_space<vmem_shared>> -> memref<424x128xf32, #tpu.memory_space<vmem_shared>>
    tpu.enqueue_dma source(%dma_start3A_936 : memref<424x128xf32, #tpu.memory_space<vmem_shared>>) target(%dma_start3A_934 : memref<424x128xf32, #tpu.memory_space<hbm>>) target_semaphore(%arg8 : memref<!tpu.dma_semaphore, #tpu.memory_space<semaphore_mem>>)
    %dma_wait3A_937 = arith.constant 600 : i32
    %dma_wait3A_938 = arith.constant 0 : i32
    %dma_wait3A_939 = tpu.memref_slice %arg3[%add3A_800, %dma_wait3A_937, %dma_wait3A_938] : memref<1024x1024x128xf32, #tpu.memory_space<hbm>> -> memref<1x424x128xf32, #tpu.memory_space<hbm>>
    %dma_wait3A_940 = tpu.memref_squeeze %dma_wait3A_939 : memref<1x424x128xf32, #tpu.memory_space<hbm>> -> memref<424x128xf32, #tpu.memory_space<hbm>>
    %dma_wait3A_941 = arith.constant 0 : i32
    %dma_wait3A_942 = tpu.memref_slice %arg7[%add3A_804, %dma_wait3A_941] : memref<2048x128xf32, #tpu.memory_space<vmem_shared>> -> memref<424x128xf32, #tpu.memory_space<vmem_shared>>
    tpu.wait_dma2 semaphore(%arg8 : memref<!tpu.dma_semaphore, #tpu.memory_space<semaphore_mem>>) src(%dma_wait3A_942 : memref<424x128xf32, #tpu.memory_space<vmem_shared>>) dst(%dma_wait3A_940 : memref<424x128xf32, #tpu.memory_space<hbm>>)
    %add3A_943 = arith.constant 24 : i32
    %add3A_944 = arith.addi %mul3A_40, %add3A_943 : i32
    %sub3A_945 = arith.constant 1023 : i32
    %sub3A_946 = arith.subi %sub3A_945, %add3A_944 : i32
    %add3A_947 = arith.constant 600 : i32
    %add3A_948 = arith.addi %sub3A_946, %add3A_947 : i32
    %dma_start3A_949 = arith.constant 600 : i32
    %dma_start3A_950 = arith.constant 0 : i32
    %dma_start3A_951 = tpu.memref_slice %arg3[%add3A_944, %dma_start3A_949, %dma_start3A_950] : memref<1024x1024x128xf32, #tpu.memory_space<hbm>> -> memref<1x424x128xf32, #tpu.memory_space<hbm>>
    %dma_start3A_952 = tpu.memref_squeeze %dma_start3A_951 : memref<1x424x128xf32, #tpu.memory_space<hbm>> -> memref<424x128xf32, #tpu.memory_space<hbm>>
    %dma_start3A_953 = arith.constant 0 : i32
    %dma_start3A_954 = tpu.memref_slice %arg7[%add3A_948, %dma_start3A_953] : memref<2048x128xf32, #tpu.memory_space<vmem_shared>> -> memref<424x128xf32, #tpu.memory_space<vmem_shared>>
    tpu.enqueue_dma source(%dma_start3A_954 : memref<424x128xf32, #tpu.memory_space<vmem_shared>>) target(%dma_start3A_952 : memref<424x128xf32, #tpu.memory_space<hbm>>) target_semaphore(%arg8 : memref<!tpu.dma_semaphore, #tpu.memory_space<semaphore_mem>>)
    %dma_wait3A_955 = arith.constant 600 : i32
    %dma_wait3A_956 = arith.constant 0 : i32
    %dma_wait3A_957 = tpu.memref_slice %arg3[%add3A_818, %dma_wait3A_955, %dma_wait3A_956] : memref<1024x1024x128xf32, #tpu.memory_space<hbm>> -> memref<1x424x128xf32, #tpu.memory_space<hbm>>
    %dma_wait3A_958 = tpu.memref_squeeze %dma_wait3A_957 : memref<1x424x128xf32, #tpu.memory_space<hbm>> -> memref<424x128xf32, #tpu.memory_space<hbm>>
    %dma_wait3A_959 = arith.constant 0 : i32
    %dma_wait3A_960 = tpu.memref_slice %arg7[%add3A_822, %dma_wait3A_959] : memref<2048x128xf32, #tpu.memory_space<vmem_shared>> -> memref<424x128xf32, #tpu.memory_space<vmem_shared>>
    tpu.wait_dma2 semaphore(%arg8 : memref<!tpu.dma_semaphore, #tpu.memory_space<semaphore_mem>>) src(%dma_wait3A_960 : memref<424x128xf32, #tpu.memory_space<vmem_shared>>) dst(%dma_wait3A_958 : memref<424x128xf32, #tpu.memory_space<hbm>>)
    %add3A_961 = arith.constant 25 : i32
    %add3A_962 = arith.addi %mul3A_40, %add3A_961 : i32
    %sub3A_963 = arith.constant 1023 : i32
    %sub3A_964 = arith.subi %sub3A_963, %add3A_962 : i32
    %add3A_965 = arith.constant 600 : i32
    %add3A_966 = arith.addi %sub3A_964, %add3A_965 : i32
    %dma_start3A_967 = arith.constant 600 : i32
    %dma_start3A_968 = arith.constant 0 : i32
    %dma_start3A_969 = tpu.memref_slice %arg3[%add3A_962, %dma_start3A_967, %dma_start3A_968] : memref<1024x1024x128xf32, #tpu.memory_space<hbm>> -> memref<1x424x128xf32, #tpu.memory_space<hbm>>
    %dma_start3A_970 = tpu.memref_squeeze %dma_start3A_969 : memref<1x424x128xf32, #tpu.memory_space<hbm>> -> memref<424x128xf32, #tpu.memory_space<hbm>>
    %dma_start3A_971 = arith.constant 0 : i32
    %dma_start3A_972 = tpu.memref_slice %arg7[%add3A_966, %dma_start3A_971] : memref<2048x128xf32, #tpu.memory_space<vmem_shared>> -> memref<424x128xf32, #tpu.memory_space<vmem_shared>>
    tpu.enqueue_dma source(%dma_start3A_972 : memref<424x128xf32, #tpu.memory_space<vmem_shared>>) target(%dma_start3A_970 : memref<424x128xf32, #tpu.memory_space<hbm>>) target_semaphore(%arg8 : memref<!tpu.dma_semaphore, #tpu.memory_space<semaphore_mem>>)
    %dma_wait3A_973 = arith.constant 600 : i32
    %dma_wait3A_974 = arith.constant 0 : i32
    %dma_wait3A_975 = tpu.memref_slice %arg3[%add3A_836, %dma_wait3A_973, %dma_wait3A_974] : memref<1024x1024x128xf32, #tpu.memory_space<hbm>> -> memref<1x424x128xf32, #tpu.memory_space<hbm>>
    %dma_wait3A_976 = tpu.memref_squeeze %dma_wait3A_975 : memref<1x424x128xf32, #tpu.memory_space<hbm>> -> memref<424x128xf32, #tpu.memory_space<hbm>>
    %dma_wait3A_977 = arith.constant 0 : i32
    %dma_wait3A_978 = tpu.memref_slice %arg7[%add3A_840, %dma_wait3A_977] : memref<2048x128xf32, #tpu.memory_space<vmem_shared>> -> memref<424x128xf32, #tpu.memory_space<vmem_shared>>
    tpu.wait_dma2 semaphore(%arg8 : memref<!tpu.dma_semaphore, #tpu.memory_space<semaphore_mem>>) src(%dma_wait3A_978 : memref<424x128xf32, #tpu.memory_space<vmem_shared>>) dst(%dma_wait3A_976 : memref<424x128xf32, #tpu.memory_space<hbm>>)
    %add3A_979 = arith.constant 26 : i32
    %add3A_980 = arith.addi %mul3A_40, %add3A_979 : i32
    %sub3A_981 = arith.constant 1023 : i32
    %sub3A_982 = arith.subi %sub3A_981, %add3A_980 : i32
    %add3A_983 = arith.constant 600 : i32
    %add3A_984 = arith.addi %sub3A_982, %add3A_983 : i32
    %dma_start3A_985 = arith.constant 600 : i32
    %dma_start3A_986 = arith.constant 0 : i32
    %dma_start3A_987 = tpu.memref_slice %arg3[%add3A_980, %dma_start3A_985, %dma_start3A_986] : memref<1024x1024x128xf32, #tpu.memory_space<hbm>> -> memref<1x424x128xf32, #tpu.memory_space<hbm>>
    %dma_start3A_988 = tpu.memref_squeeze %dma_start3A_987 : memref<1x424x128xf32, #tpu.memory_space<hbm>> -> memref<424x128xf32, #tpu.memory_space<hbm>>
    %dma_start3A_989 = arith.constant 0 : i32
    %dma_start3A_990 = tpu.memref_slice %arg7[%add3A_984, %dma_start3A_989] : memref<2048x128xf32, #tpu.memory_space<vmem_shared>> -> memref<424x128xf32, #tpu.memory_space<vmem_shared>>
    tpu.enqueue_dma source(%dma_start3A_990 : memref<424x128xf32, #tpu.memory_space<vmem_shared>>) target(%dma_start3A_988 : memref<424x128xf32, #tpu.memory_space<hbm>>) target_semaphore(%arg8 : memref<!tpu.dma_semaphore, #tpu.memory_space<semaphore_mem>>)
    %dma_wait3A_991 = arith.constant 600 : i32
    %dma_wait3A_992 = arith.constant 0 : i32
    %dma_wait3A_993 = tpu.memref_slice %arg3[%add3A_854, %dma_wait3A_991, %dma_wait3A_992] : memref<1024x1024x128xf32, #tpu.memory_space<hbm>> -> memref<1x424x128xf32, #tpu.memory_space<hbm>>
    %dma_wait3A_994 = tpu.memref_squeeze %dma_wait3A_993 : memref<1x424x128xf32, #tpu.memory_space<hbm>> -> memref<424x128xf32, #tpu.memory_space<hbm>>
    %dma_wait3A_995 = arith.constant 0 : i32
    %dma_wait3A_996 = tpu.memref_slice %arg7[%add3A_858, %dma_wait3A_995] : memref<2048x128xf32, #tpu.memory_space<vmem_shared>> -> memref<424x128xf32, #tpu.memory_space<vmem_shared>>
    tpu.wait_dma2 semaphore(%arg8 : memref<!tpu.dma_semaphore, #tpu.memory_space<semaphore_mem>>) src(%dma_wait3A_996 : memref<424x128xf32, #tpu.memory_space<vmem_shared>>) dst(%dma_wait3A_994 : memref<424x128xf32, #tpu.memory_space<hbm>>)
    %add3A_997 = arith.constant 27 : i32
    %add3A_998 = arith.addi %mul3A_40, %add3A_997 : i32
    %sub3A_999 = arith.constant 1023 : i32
    %sub3A_1000 = arith.subi %sub3A_999, %add3A_998 : i32
    %add3A_1001 = arith.constant 600 : i32
    %add3A_1002 = arith.addi %sub3A_1000, %add3A_1001 : i32
    %dma_start3A_1003 = arith.constant 600 : i32
    %dma_start3A_1004 = arith.constant 0 : i32
    %dma_start3A_1005 = tpu.memref_slice %arg3[%add3A_998, %dma_start3A_1003, %dma_start3A_1004] : memref<1024x1024x128xf32, #tpu.memory_space<hbm>> -> memref<1x424x128xf32, #tpu.memory_space<hbm>>
    %dma_start3A_1006 = tpu.memref_squeeze %dma_start3A_1005 : memref<1x424x128xf32, #tpu.memory_space<hbm>> -> memref<424x128xf32, #tpu.memory_space<hbm>>
    %dma_start3A_1007 = arith.constant 0 : i32
    %dma_start3A_1008 = tpu.memref_slice %arg7[%add3A_1002, %dma_start3A_1007] : memref<2048x128xf32, #tpu.memory_space<vmem_shared>> -> memref<424x128xf32, #tpu.memory_space<vmem_shared>>
    tpu.enqueue_dma source(%dma_start3A_1008 : memref<424x128xf32, #tpu.memory_space<vmem_shared>>) target(%dma_start3A_1006 : memref<424x128xf32, #tpu.memory_space<hbm>>) target_semaphore(%arg8 : memref<!tpu.dma_semaphore, #tpu.memory_space<semaphore_mem>>)
    %dma_wait3A_1009 = arith.constant 600 : i32
    %dma_wait3A_1010 = arith.constant 0 : i32
    %dma_wait3A_1011 = tpu.memref_slice %arg3[%add3A_872, %dma_wait3A_1009, %dma_wait3A_1010] : memref<1024x1024x128xf32, #tpu.memory_space<hbm>> -> memref<1x424x128xf32, #tpu.memory_space<hbm>>
    %dma_wait3A_1012 = tpu.memref_squeeze %dma_wait3A_1011 : memref<1x424x128xf32, #tpu.memory_space<hbm>> -> memref<424x128xf32, #tpu.memory_space<hbm>>
    %dma_wait3A_1013 = arith.constant 0 : i32
    %dma_wait3A_1014 = tpu.memref_slice %arg7[%add3A_876, %dma_wait3A_1013] : memref<2048x128xf32, #tpu.memory_space<vmem_shared>> -> memref<424x128xf32, #tpu.memory_space<vmem_shared>>
    tpu.wait_dma2 semaphore(%arg8 : memref<!tpu.dma_semaphore, #tpu.memory_space<semaphore_mem>>) src(%dma_wait3A_1014 : memref<424x128xf32, #tpu.memory_space<vmem_shared>>) dst(%dma_wait3A_1012 : memref<424x128xf32, #tpu.memory_space<hbm>>)
    %add3A_1015 = arith.constant 28 : i32
    %add3A_1016 = arith.addi %mul3A_40, %add3A_1015 : i32
    %sub3A_1017 = arith.constant 1023 : i32
    %sub3A_1018 = arith.subi %sub3A_1017, %add3A_1016 : i32
    %add3A_1019 = arith.constant 600 : i32
    %add3A_1020 = arith.addi %sub3A_1018, %add3A_1019 : i32
    %dma_start3A_1021 = arith.constant 600 : i32
    %dma_start3A_1022 = arith.constant 0 : i32
    %dma_start3A_1023 = tpu.memref_slice %arg3[%add3A_1016, %dma_start3A_1021, %dma_start3A_1022] : memref<1024x1024x128xf32, #tpu.memory_space<hbm>> -> memref<1x424x128xf32, #tpu.memory_space<hbm>>
    %dma_start3A_1024 = tpu.memref_squeeze %dma_start3A_1023 : memref<1x424x128xf32, #tpu.memory_space<hbm>> -> memref<424x128xf32, #tpu.memory_space<hbm>>
    %dma_start3A_1025 = arith.constant 0 : i32
    %dma_start3A_1026 = tpu.memref_slice %arg7[%add3A_1020, %dma_start3A_1025] : memref<2048x128xf32, #tpu.memory_space<vmem_shared>> -> memref<424x128xf32, #tpu.memory_space<vmem_shared>>
    tpu.enqueue_dma source(%dma_start3A_1026 : memref<424x128xf32, #tpu.memory_space<vmem_shared>>) target(%dma_start3A_1024 : memref<424x128xf32, #tpu.memory_space<hbm>>) target_semaphore(%arg8 : memref<!tpu.dma_semaphore, #tpu.memory_space<semaphore_mem>>)
    %dma_wait3A_1027 = arith.constant 600 : i32
    %dma_wait3A_1028 = arith.constant 0 : i32
    %dma_wait3A_1029 = tpu.memref_slice %arg3[%add3A_890, %dma_wait3A_1027, %dma_wait3A_1028] : memref<1024x1024x128xf32, #tpu.memory_space<hbm>> -> memref<1x424x128xf32, #tpu.memory_space<hbm>>
    %dma_wait3A_1030 = tpu.memref_squeeze %dma_wait3A_1029 : memref<1x424x128xf32, #tpu.memory_space<hbm>> -> memref<424x128xf32, #tpu.memory_space<hbm>>
    %dma_wait3A_1031 = arith.constant 0 : i32
    %dma_wait3A_1032 = tpu.memref_slice %arg7[%add3A_894, %dma_wait3A_1031] : memref<2048x128xf32, #tpu.memory_space<vmem_shared>> -> memref<424x128xf32, #tpu.memory_space<vmem_shared>>
    tpu.wait_dma2 semaphore(%arg8 : memref<!tpu.dma_semaphore, #tpu.memory_space<semaphore_mem>>) src(%dma_wait3A_1032 : memref<424x128xf32, #tpu.memory_space<vmem_shared>>) dst(%dma_wait3A_1030 : memref<424x128xf32, #tpu.memory_space<hbm>>)
    %add3A_1033 = arith.constant 29 : i32
    %add3A_1034 = arith.addi %mul3A_40, %add3A_1033 : i32
    %sub3A_1035 = arith.constant 1023 : i32
    %sub3A_1036 = arith.subi %sub3A_1035, %add3A_1034 : i32
    %add3A_1037 = arith.constant 600 : i32
    %add3A_1038 = arith.addi %sub3A_1036, %add3A_1037 : i32
    %dma_start3A_1039 = arith.constant 600 : i32
    %dma_start3A_1040 = arith.constant 0 : i32
    %dma_start3A_1041 = tpu.memref_slice %arg3[%add3A_1034, %dma_start3A_1039, %dma_start3A_1040] : memref<1024x1024x128xf32, #tpu.memory_space<hbm>> -> memref<1x424x128xf32, #tpu.memory_space<hbm>>
    %dma_start3A_1042 = tpu.memref_squeeze %dma_start3A_1041 : memref<1x424x128xf32, #tpu.memory_space<hbm>> -> memref<424x128xf32, #tpu.memory_space<hbm>>
    %dma_start3A_1043 = arith.constant 0 : i32
    %dma_start3A_1044 = tpu.memref_slice %arg7[%add3A_1038, %dma_start3A_1043] : memref<2048x128xf32, #tpu.memory_space<vmem_shared>> -> memref<424x128xf32, #tpu.memory_space<vmem_shared>>
    tpu.enqueue_dma source(%dma_start3A_1044 : memref<424x128xf32, #tpu.memory_space<vmem_shared>>) target(%dma_start3A_1042 : memref<424x128xf32, #tpu.memory_space<hbm>>) target_semaphore(%arg8 : memref<!tpu.dma_semaphore, #tpu.memory_space<semaphore_mem>>)
    %dma_wait3A_1045 = arith.constant 600 : i32
    %dma_wait3A_1046 = arith.constant 0 : i32
    %dma_wait3A_1047 = tpu.memref_slice %arg3[%add3A_908, %dma_wait3A_1045, %dma_wait3A_1046] : memref<1024x1024x128xf32, #tpu.memory_space<hbm>> -> memref<1x424x128xf32, #tpu.memory_space<hbm>>
    %dma_wait3A_1048 = tpu.memref_squeeze %dma_wait3A_1047 : memref<1x424x128xf32, #tpu.memory_space<hbm>> -> memref<424x128xf32, #tpu.memory_space<hbm>>
    %dma_wait3A_1049 = arith.constant 0 : i32
    %dma_wait3A_1050 = tpu.memref_slice %arg7[%add3A_912, %dma_wait3A_1049] : memref<2048x128xf32, #tpu.memory_space<vmem_shared>> -> memref<424x128xf32, #tpu.memory_space<vmem_shared>>
    tpu.wait_dma2 semaphore(%arg8 : memref<!tpu.dma_semaphore, #tpu.memory_space<semaphore_mem>>) src(%dma_wait3A_1050 : memref<424x128xf32, #tpu.memory_space<vmem_shared>>) dst(%dma_wait3A_1048 : memref<424x128xf32, #tpu.memory_space<hbm>>)
    %add3A_1051 = arith.constant 30 : i32
    %add3A_1052 = arith.addi %mul3A_40, %add3A_1051 : i32
    %sub3A_1053 = arith.constant 1023 : i32
    %sub3A_1054 = arith.subi %sub3A_1053, %add3A_1052 : i32
    %add3A_1055 = arith.constant 600 : i32
    %add3A_1056 = arith.addi %sub3A_1054, %add3A_1055 : i32
    %dma_start3A_1057 = arith.constant 600 : i32
    %dma_start3A_1058 = arith.constant 0 : i32
    %dma_start3A_1059 = tpu.memref_slice %arg3[%add3A_1052, %dma_start3A_1057, %dma_start3A_1058] : memref<1024x1024x128xf32, #tpu.memory_space<hbm>> -> memref<1x424x128xf32, #tpu.memory_space<hbm>>
    %dma_start3A_1060 = tpu.memref_squeeze %dma_start3A_1059 : memref<1x424x128xf32, #tpu.memory_space<hbm>> -> memref<424x128xf32, #tpu.memory_space<hbm>>
    %dma_start3A_1061 = arith.constant 0 : i32
    %dma_start3A_1062 = tpu.memref_slice %arg7[%add3A_1056, %dma_start3A_1061] : memref<2048x128xf32, #tpu.memory_space<vmem_shared>> -> memref<424x128xf32, #tpu.memory_space<vmem_shared>>
    tpu.enqueue_dma source(%dma_start3A_1062 : memref<424x128xf32, #tpu.memory_space<vmem_shared>>) target(%dma_start3A_1060 : memref<424x128xf32, #tpu.memory_space<hbm>>) target_semaphore(%arg8 : memref<!tpu.dma_semaphore, #tpu.memory_space<semaphore_mem>>)
    %dma_wait3A_1063 = arith.constant 600 : i32
    %dma_wait3A_1064 = arith.constant 0 : i32
    %dma_wait3A_1065 = tpu.memref_slice %arg3[%add3A_926, %dma_wait3A_1063, %dma_wait3A_1064] : memref<1024x1024x128xf32, #tpu.memory_space<hbm>> -> memref<1x424x128xf32, #tpu.memory_space<hbm>>
    %dma_wait3A_1066 = tpu.memref_squeeze %dma_wait3A_1065 : memref<1x424x128xf32, #tpu.memory_space<hbm>> -> memref<424x128xf32, #tpu.memory_space<hbm>>
    %dma_wait3A_1067 = arith.constant 0 : i32
    %dma_wait3A_1068 = tpu.memref_slice %arg7[%add3A_930, %dma_wait3A_1067] : memref<2048x128xf32, #tpu.memory_space<vmem_shared>> -> memref<424x128xf32, #tpu.memory_space<vmem_shared>>
    tpu.wait_dma2 semaphore(%arg8 : memref<!tpu.dma_semaphore, #tpu.memory_space<semaphore_mem>>) src(%dma_wait3A_1068 : memref<424x128xf32, #tpu.memory_space<vmem_shared>>) dst(%dma_wait3A_1066 : memref<424x128xf32, #tpu.memory_space<hbm>>)
    %add3A_1069 = arith.constant 31 : i32
    %add3A_1070 = arith.addi %mul3A_40, %add3A_1069 : i32
    %sub3A_1071 = arith.constant 1023 : i32
    %sub3A_1072 = arith.subi %sub3A_1071, %add3A_1070 : i32
    %add3A_1073 = arith.constant 600 : i32
    %add3A_1074 = arith.addi %sub3A_1072, %add3A_1073 : i32
    %dma_start3A_1075 = arith.constant 600 : i32
    %dma_start3A_1076 = arith.constant 0 : i32
    %dma_start3A_1077 = tpu.memref_slice %arg3[%add3A_1070, %dma_start3A_1075, %dma_start3A_1076] : memref<1024x1024x128xf32, #tpu.memory_space<hbm>> -> memref<1x424x128xf32, #tpu.memory_space<hbm>>
    %dma_start3A_1078 = tpu.memref_squeeze %dma_start3A_1077 : memref<1x424x128xf32, #tpu.memory_space<hbm>> -> memref<424x128xf32, #tpu.memory_space<hbm>>
    %dma_start3A_1079 = arith.constant 0 : i32
    %dma_start3A_1080 = tpu.memref_slice %arg7[%add3A_1074, %dma_start3A_1079] : memref<2048x128xf32, #tpu.memory_space<vmem_shared>> -> memref<424x128xf32, #tpu.memory_space<vmem_shared>>
    tpu.enqueue_dma source(%dma_start3A_1080 : memref<424x128xf32, #tpu.memory_space<vmem_shared>>) target(%dma_start3A_1078 : memref<424x128xf32, #tpu.memory_space<hbm>>) target_semaphore(%arg8 : memref<!tpu.dma_semaphore, #tpu.memory_space<semaphore_mem>>)
    %dma_wait3A_1081 = arith.constant 600 : i32
    %dma_wait3A_1082 = arith.constant 0 : i32
    %dma_wait3A_1083 = tpu.memref_slice %arg3[%add3A_944, %dma_wait3A_1081, %dma_wait3A_1082] : memref<1024x1024x128xf32, #tpu.memory_space<hbm>> -> memref<1x424x128xf32, #tpu.memory_space<hbm>>
    %dma_wait3A_1084 = tpu.memref_squeeze %dma_wait3A_1083 : memref<1x424x128xf32, #tpu.memory_space<hbm>> -> memref<424x128xf32, #tpu.memory_space<hbm>>
    %dma_wait3A_1085 = arith.constant 0 : i32
    %dma_wait3A_1086 = tpu.memref_slice %arg7[%add3A_948, %dma_wait3A_1085] : memref<2048x128xf32, #tpu.memory_space<vmem_shared>> -> memref<424x128xf32, #tpu.memory_space<vmem_shared>>
    tpu.wait_dma2 semaphore(%arg8 : memref<!tpu.dma_semaphore, #tpu.memory_space<semaphore_mem>>) src(%dma_wait3A_1086 : memref<424x128xf32, #tpu.memory_space<vmem_shared>>) dst(%dma_wait3A_1084 : memref<424x128xf32, #tpu.memory_space<hbm>>)
    %dma_wait3A_1087 = arith.constant 600 : i32
    %dma_wait3A_1088 = arith.constant 0 : i32
    %dma_wait3A_1089 = tpu.memref_slice %arg3[%add3A_962, %dma_wait3A_1087, %dma_wait3A_1088] : memref<1024x1024x128xf32, #tpu.memory_space<hbm>> -> memref<1x424x128xf32, #tpu.memory_space<hbm>>
    %dma_wait3A_1090 = tpu.memref_squeeze %dma_wait3A_1089 : memref<1x424x128xf32, #tpu.memory_space<hbm>> -> memref<424x128xf32, #tpu.memory_space<hbm>>
    %dma_wait3A_1091 = arith.constant 0 : i32
    %dma_wait3A_1092 = tpu.memref_slice %arg7[%add3A_966, %dma_wait3A_1091] : memref<2048x128xf32, #tpu.memory_space<vmem_shared>> -> memref<424x128xf32, #tpu.memory_space<vmem_shared>>
    tpu.wait_dma2 semaphore(%arg8 : memref<!tpu.dma_semaphore, #tpu.memory_space<semaphore_mem>>) src(%dma_wait3A_1092 : memref<424x128xf32, #tpu.memory_space<vmem_shared>>) dst(%dma_wait3A_1090 : memref<424x128xf32, #tpu.memory_space<hbm>>)
    %dma_wait3A_1093 = arith.constant 600 : i32
    %dma_wait3A_1094 = arith.constant 0 : i32
    %dma_wait3A_1095 = tpu.memref_slice %arg3[%add3A_980, %dma_wait3A_1093, %dma_wait3A_1094] : memref<1024x1024x128xf32, #tpu.memory_space<hbm>> -> memref<1x424x128xf32, #tpu.memory_space<hbm>>
    %dma_wait3A_1096 = tpu.memref_squeeze %dma_wait3A_1095 : memref<1x424x128xf32, #tpu.memory_space<hbm>> -> memref<424x128xf32, #tpu.memory_space<hbm>>
    %dma_wait3A_1097 = arith.constant 0 : i32
    %dma_wait3A_1098 = tpu.memref_slice %arg7[%add3A_984, %dma_wait3A_1097] : memref<2048x128xf32, #tpu.memory_space<vmem_shared>> -> memref<424x128xf32, #tpu.memory_space<vmem_shared>>
    tpu.wait_dma2 semaphore(%arg8 : memref<!tpu.dma_semaphore, #tpu.memory_space<semaphore_mem>>) src(%dma_wait3A_1098 : memref<424x128xf32, #tpu.memory_space<vmem_shared>>) dst(%dma_wait3A_1096 : memref<424x128xf32, #tpu.memory_space<hbm>>)
    %dma_wait3A_1099 = arith.constant 600 : i32
    %dma_wait3A_1100 = arith.constant 0 : i32
    %dma_wait3A_1101 = tpu.memref_slice %arg3[%add3A_998, %dma_wait3A_1099, %dma_wait3A_1100] : memref<1024x1024x128xf32, #tpu.memory_space<hbm>> -> memref<1x424x128xf32, #tpu.memory_space<hbm>>
    %dma_wait3A_1102 = tpu.memref_squeeze %dma_wait3A_1101 : memref<1x424x128xf32, #tpu.memory_space<hbm>> -> memref<424x128xf32, #tpu.memory_space<hbm>>
    %dma_wait3A_1103 = arith.constant 0 : i32
    %dma_wait3A_1104 = tpu.memref_slice %arg7[%add3A_1002, %dma_wait3A_1103] : memref<2048x128xf32, #tpu.memory_space<vmem_shared>> -> memref<424x128xf32, #tpu.memory_space<vmem_shared>>
    tpu.wait_dma2 semaphore(%arg8 : memref<!tpu.dma_semaphore, #tpu.memory_space<semaphore_mem>>) src(%dma_wait3A_1104 : memref<424x128xf32, #tpu.memory_space<vmem_shared>>) dst(%dma_wait3A_1102 : memref<424x128xf32, #tpu.memory_space<hbm>>)
    %dma_wait3A_1105 = arith.constant 600 : i32
    %dma_wait3A_1106 = arith.constant 0 : i32
    %dma_wait3A_1107 = tpu.memref_slice %arg3[%add3A_1016, %dma_wait3A_1105, %dma_wait3A_1106] : memref<1024x1024x128xf32, #tpu.memory_space<hbm>> -> memref<1x424x128xf32, #tpu.memory_space<hbm>>
    %dma_wait3A_1108 = tpu.memref_squeeze %dma_wait3A_1107 : memref<1x424x128xf32, #tpu.memory_space<hbm>> -> memref<424x128xf32, #tpu.memory_space<hbm>>
    %dma_wait3A_1109 = arith.constant 0 : i32
    %dma_wait3A_1110 = tpu.memref_slice %arg7[%add3A_1020, %dma_wait3A_1109] : memref<2048x128xf32, #tpu.memory_space<vmem_shared>> -> memref<424x128xf32, #tpu.memory_space<vmem_shared>>
    tpu.wait_dma2 semaphore(%arg8 : memref<!tpu.dma_semaphore, #tpu.memory_space<semaphore_mem>>) src(%dma_wait3A_1110 : memref<424x128xf32, #tpu.memory_space<vmem_shared>>) dst(%dma_wait3A_1108 : memref<424x128xf32, #tpu.memory_space<hbm>>)
    %dma_wait3A_1111 = arith.constant 600 : i32
    %dma_wait3A_1112 = arith.constant 0 : i32
    %dma_wait3A_1113 = tpu.memref_slice %arg3[%add3A_1034, %dma_wait3A_1111, %dma_wait3A_1112] : memref<1024x1024x128xf32, #tpu.memory_space<hbm>> -> memref<1x424x128xf32, #tpu.memory_space<hbm>>
    %dma_wait3A_1114 = tpu.memref_squeeze %dma_wait3A_1113 : memref<1x424x128xf32, #tpu.memory_space<hbm>> -> memref<424x128xf32, #tpu.memory_space<hbm>>
    %dma_wait3A_1115 = arith.constant 0 : i32
    %dma_wait3A_1116 = tpu.memref_slice %arg7[%add3A_1038, %dma_wait3A_1115] : memref<2048x128xf32, #tpu.memory_space<vmem_shared>> -> memref<424x128xf32, #tpu.memory_space<vmem_shared>>
    tpu.wait_dma2 semaphore(%arg8 : memref<!tpu.dma_semaphore, #tpu.memory_space<semaphore_mem>>) src(%dma_wait3A_1116 : memref<424x128xf32, #tpu.memory_space<vmem_shared>>) dst(%dma_wait3A_1114 : memref<424x128xf32, #tpu.memory_space<hbm>>)
    %dma_wait3A_1117 = arith.constant 600 : i32
    %dma_wait3A_1118 = arith.constant 0 : i32
    %dma_wait3A_1119 = tpu.memref_slice %arg3[%add3A_1052, %dma_wait3A_1117, %dma_wait3A_1118] : memref<1024x1024x128xf32, #tpu.memory_space<hbm>> -> memref<1x424x128xf32, #tpu.memory_space<hbm>>
    %dma_wait3A_1120 = tpu.memref_squeeze %dma_wait3A_1119 : memref<1x424x128xf32, #tpu.memory_space<hbm>> -> memref<424x128xf32, #tpu.memory_space<hbm>>
    %dma_wait3A_1121 = arith.constant 0 : i32
    %dma_wait3A_1122 = tpu.memref_slice %arg7[%add3A_1056, %dma_wait3A_1121] : memref<2048x128xf32, #tpu.memory_space<vmem_shared>> -> memref<424x128xf32, #tpu.memory_space<vmem_shared>>
    tpu.wait_dma2 semaphore(%arg8 : memref<!tpu.dma_semaphore, #tpu.memory_space<semaphore_mem>>) src(%dma_wait3A_1122 : memref<424x128xf32, #tpu.memory_space<vmem_shared>>) dst(%dma_wait3A_1120 : memref<424x128xf32, #tpu.memory_space<hbm>>)
    %dma_wait3A_1123 = arith.constant 600 : i32
    %dma_wait3A_1124 = arith.constant 0 : i32
    %dma_wait3A_1125 = tpu.memref_slice %arg3[%add3A_1070, %dma_wait3A_1123, %dma_wait3A_1124] : memref<1024x1024x128xf32, #tpu.memory_space<hbm>> -> memref<1x424x128xf32, #tpu.memory_space<hbm>>
    %dma_wait3A_1126 = tpu.memref_squeeze %dma_wait3A_1125 : memref<1x424x128xf32, #tpu.memory_space<hbm>> -> memref<424x128xf32, #tpu.memory_space<hbm>>
    %dma_wait3A_1127 = arith.constant 0 : i32
    %dma_wait3A_1128 = tpu.memref_slice %arg7[%add3A_1074, %dma_wait3A_1127] : memref<2048x128xf32, #tpu.memory_space<vmem_shared>> -> memref<424x128xf32, #tpu.memory_space<vmem_shared>>
    tpu.wait_dma2 semaphore(%arg8 : memref<!tpu.dma_semaphore, #tpu.memory_space<semaphore_mem>>) src(%dma_wait3A_1128 : memref<424x128xf32, #tpu.memory_space<vmem_shared>>) dst(%dma_wait3A_1126 : memref<424x128xf32, #tpu.memory_space<hbm>>)
    %dma_wait3A_1129 = arith.constant 31 : i32
    %dma_wait3A_1130 = arith.constant 0 : i32
    %dma_wait3A_1131 = tpu.memref_slice %arg6[%dma_wait3A_1129, %dma_wait3A_1130] : memref<631x128xf32, #tpu.memory_space<vmem>> -> memref<600x128xf32, #tpu.memory_space<vmem>>
    %dma_wait3A_1132 = arith.constant 0 : i32
    %dma_wait3A_1133 = arith.constant 0 : i32
    %dma_wait3A_1134 = tpu.memref_slice %arg3[%add3A_144, %dma_wait3A_1132, %dma_wait3A_1133] : memref<1024x1024x128xf32, #tpu.memory_space<hbm>> -> memref<1x600x128xf32, #tpu.memory_space<hbm>>
    %dma_wait3A_1135 = tpu.memref_squeeze %dma_wait3A_1134 : memref<1x600x128xf32, #tpu.memory_space<hbm>> -> memref<600x128xf32, #tpu.memory_space<hbm>>
    %dma_wait3A_1136 = arith.constant 0 : i32
    %dma_wait3A_1137 = arith.constant 0 : i32
    %dma_wait3A_1138 = tpu.memref_slice %arg3[%add3A_144, %dma_wait3A_1136, %dma_wait3A_1137] : memref<1024x1024x128xf32, #tpu.memory_space<hbm>> -> memref<1x600x128xf32, #tpu.memory_space<hbm>>
    %dma_wait3A_1139 = tpu.memref_squeeze %dma_wait3A_1138 : memref<1x600x128xf32, #tpu.memory_space<hbm>> -> memref<600x128xf32, #tpu.memory_space<hbm>>
    %dma_wait3A_1140 = arith.constant 31 : i32
    %dma_wait3A_1141 = arith.constant 0 : i32
    %dma_wait3A_1142 = tpu.memref_slice %arg6[%dma_wait3A_1140, %dma_wait3A_1141] : memref<631x128xf32, #tpu.memory_space<vmem>> -> memref<600x128xf32, #tpu.memory_space<vmem>>
    tpu.wait_dma2 semaphore(%arg9 : memref<!tpu.dma_semaphore, #tpu.memory_space<semaphore_mem>>) src(%dma_wait3A_1142 : memref<600x128xf32, #tpu.memory_space<vmem>>) dst(%dma_wait3A_1139 : memref<600x128xf32, #tpu.memory_space<hbm>>)
    %dma_wait3A_1143 = arith.constant 30 : i32
    %dma_wait3A_1144 = arith.constant 0 : i32
    %dma_wait3A_1145 = tpu.memref_slice %arg6[%dma_wait3A_1143, %dma_wait3A_1144] : memref<631x128xf32, #tpu.memory_space<vmem>> -> memref<600x128xf32, #tpu.memory_space<vmem>>
    %dma_wait3A_1146 = arith.constant 0 : i32
    %dma_wait3A_1147 = arith.constant 0 : i32
    %dma_wait3A_1148 = tpu.memref_slice %arg3[%add3A_160, %dma_wait3A_1146, %dma_wait3A_1147] : memref<1024x1024x128xf32, #tpu.memory_space<hbm>> -> memref<1x600x128xf32, #tpu.memory_space<hbm>>
    %dma_wait3A_1149 = tpu.memref_squeeze %dma_wait3A_1148 : memref<1x600x128xf32, #tpu.memory_space<hbm>> -> memref<600x128xf32, #tpu.memory_space<hbm>>
    %dma_wait3A_1150 = arith.constant 0 : i32
    %dma_wait3A_1151 = arith.constant 0 : i32
    %dma_wait3A_1152 = tpu.memref_slice %arg3[%add3A_160, %dma_wait3A_1150, %dma_wait3A_1151] : memref<1024x1024x128xf32, #tpu.memory_space<hbm>> -> memref<1x600x128xf32, #tpu.memory_space<hbm>>
    %dma_wait3A_1153 = tpu.memref_squeeze %dma_wait3A_1152 : memref<1x600x128xf32, #tpu.memory_space<hbm>> -> memref<600x128xf32, #tpu.memory_space<hbm>>
    %dma_wait3A_1154 = arith.constant 30 : i32
    %dma_wait3A_1155 = arith.constant 0 : i32
    %dma_wait3A_1156 = tpu.memref_slice %arg6[%dma_wait3A_1154, %dma_wait3A_1155] : memref<631x128xf32, #tpu.memory_space<vmem>> -> memref<600x128xf32, #tpu.memory_space<vmem>>
    tpu.wait_dma2 semaphore(%arg9 : memref<!tpu.dma_semaphore, #tpu.memory_space<semaphore_mem>>) src(%dma_wait3A_1156 : memref<600x128xf32, #tpu.memory_space<vmem>>) dst(%dma_wait3A_1153 : memref<600x128xf32, #tpu.memory_space<hbm>>)
    %dma_wait3A_1157 = arith.constant 29 : i32
    %dma_wait3A_1158 = arith.constant 0 : i32
    %dma_wait3A_1159 = tpu.memref_slice %arg6[%dma_wait3A_1157, %dma_wait3A_1158] : memref<631x128xf32, #tpu.memory_space<vmem>> -> memref<600x128xf32, #tpu.memory_space<vmem>>
    %dma_wait3A_1160 = arith.constant 0 : i32
    %dma_wait3A_1161 = arith.constant 0 : i32
    %dma_wait3A_1162 = tpu.memref_slice %arg3[%add3A_176, %dma_wait3A_1160, %dma_wait3A_1161] : memref<1024x1024x128xf32, #tpu.memory_space<hbm>> -> memref<1x600x128xf32, #tpu.memory_space<hbm>>
    %dma_wait3A_1163 = tpu.memref_squeeze %dma_wait3A_1162 : memref<1x600x128xf32, #tpu.memory_space<hbm>> -> memref<600x128xf32, #tpu.memory_space<hbm>>
    %dma_wait3A_1164 = arith.constant 0 : i32
    %dma_wait3A_1165 = arith.constant 0 : i32
    %dma_wait3A_1166 = tpu.memref_slice %arg3[%add3A_176, %dma_wait3A_1164, %dma_wait3A_1165] : memref<1024x1024x128xf32, #tpu.memory_space<hbm>> -> memref<1x600x128xf32, #tpu.memory_space<hbm>>
    %dma_wait3A_1167 = tpu.memref_squeeze %dma_wait3A_1166 : memref<1x600x128xf32, #tpu.memory_space<hbm>> -> memref<600x128xf32, #tpu.memory_space<hbm>>
    %dma_wait3A_1168 = arith.constant 29 : i32
    %dma_wait3A_1169 = arith.constant 0 : i32
    %dma_wait3A_1170 = tpu.memref_slice %arg6[%dma_wait3A_1168, %dma_wait3A_1169] : memref<631x128xf32, #tpu.memory_space<vmem>> -> memref<600x128xf32, #tpu.memory_space<vmem>>
    tpu.wait_dma2 semaphore(%arg9 : memref<!tpu.dma_semaphore, #tpu.memory_space<semaphore_mem>>) src(%dma_wait3A_1170 : memref<600x128xf32, #tpu.memory_space<vmem>>) dst(%dma_wait3A_1167 : memref<600x128xf32, #tpu.memory_space<hbm>>)
    %dma_wait3A_1171 = arith.constant 28 : i32
    %dma_wait3A_1172 = arith.constant 0 : i32
    %dma_wait3A_1173 = tpu.memref_slice %arg6[%dma_wait3A_1171, %dma_wait3A_1172] : memref<631x128xf32, #tpu.memory_space<vmem>> -> memref<600x128xf32, #tpu.memory_space<vmem>>
    %dma_wait3A_1174 = arith.constant 0 : i32
    %dma_wait3A_1175 = arith.constant 0 : i32
    %dma_wait3A_1176 = tpu.memref_slice %arg3[%add3A_192, %dma_wait3A_1174, %dma_wait3A_1175] : memref<1024x1024x128xf32, #tpu.memory_space<hbm>> -> memref<1x600x128xf32, #tpu.memory_space<hbm>>
    %dma_wait3A_1177 = tpu.memref_squeeze %dma_wait3A_1176 : memref<1x600x128xf32, #tpu.memory_space<hbm>> -> memref<600x128xf32, #tpu.memory_space<hbm>>
    %dma_wait3A_1178 = arith.constant 0 : i32
    %dma_wait3A_1179 = arith.constant 0 : i32
    %dma_wait3A_1180 = tpu.memref_slice %arg3[%add3A_192, %dma_wait3A_1178, %dma_wait3A_1179] : memref<1024x1024x128xf32, #tpu.memory_space<hbm>> -> memref<1x600x128xf32, #tpu.memory_space<hbm>>
    %dma_wait3A_1181 = tpu.memref_squeeze %dma_wait3A_1180 : memref<1x600x128xf32, #tpu.memory_space<hbm>> -> memref<600x128xf32, #tpu.memory_space<hbm>>
    %dma_wait3A_1182 = arith.constant 28 : i32
    %dma_wait3A_1183 = arith.constant 0 : i32
    %dma_wait3A_1184 = tpu.memref_slice %arg6[%dma_wait3A_1182, %dma_wait3A_1183] : memref<631x128xf32, #tpu.memory_space<vmem>> -> memref<600x128xf32, #tpu.memory_space<vmem>>
    tpu.wait_dma2 semaphore(%arg9 : memref<!tpu.dma_semaphore, #tpu.memory_space<semaphore_mem>>) src(%dma_wait3A_1184 : memref<600x128xf32, #tpu.memory_space<vmem>>) dst(%dma_wait3A_1181 : memref<600x128xf32, #tpu.memory_space<hbm>>)
    %dma_wait3A_1185 = arith.constant 27 : i32
    %dma_wait3A_1186 = arith.constant 0 : i32
    %dma_wait3A_1187 = tpu.memref_slice %arg6[%dma_wait3A_1185, %dma_wait3A_1186] : memref<631x128xf32, #tpu.memory_space<vmem>> -> memref<600x128xf32, #tpu.memory_space<vmem>>
    %dma_wait3A_1188 = arith.constant 0 : i32
    %dma_wait3A_1189 = arith.constant 0 : i32
    %dma_wait3A_1190 = tpu.memref_slice %arg3[%add3A_208, %dma_wait3A_1188, %dma_wait3A_1189] : memref<1024x1024x128xf32, #tpu.memory_space<hbm>> -> memref<1x600x128xf32, #tpu.memory_space<hbm>>
    %dma_wait3A_1191 = tpu.memref_squeeze %dma_wait3A_1190 : memref<1x600x128xf32, #tpu.memory_space<hbm>> -> memref<600x128xf32, #tpu.memory_space<hbm>>
    %dma_wait3A_1192 = arith.constant 0 : i32
    %dma_wait3A_1193 = arith.constant 0 : i32
    %dma_wait3A_1194 = tpu.memref_slice %arg3[%add3A_208, %dma_wait3A_1192, %dma_wait3A_1193] : memref<1024x1024x128xf32, #tpu.memory_space<hbm>> -> memref<1x600x128xf32, #tpu.memory_space<hbm>>
    %dma_wait3A_1195 = tpu.memref_squeeze %dma_wait3A_1194 : memref<1x600x128xf32, #tpu.memory_space<hbm>> -> memref<600x128xf32, #tpu.memory_space<hbm>>
    %dma_wait3A_1196 = arith.constant 27 : i32
    %dma_wait3A_1197 = arith.constant 0 : i32
    %dma_wait3A_1198 = tpu.memref_slice %arg6[%dma_wait3A_1196, %dma_wait3A_1197] : memref<631x128xf32, #tpu.memory_space<vmem>> -> memref<600x128xf32, #tpu.memory_space<vmem>>
    tpu.wait_dma2 semaphore(%arg9 : memref<!tpu.dma_semaphore, #tpu.memory_space<semaphore_mem>>) src(%dma_wait3A_1198 : memref<600x128xf32, #tpu.memory_space<vmem>>) dst(%dma_wait3A_1195 : memref<600x128xf32, #tpu.memory_space<hbm>>)
    %dma_wait3A_1199 = arith.constant 26 : i32
    %dma_wait3A_1200 = arith.constant 0 : i32
    %dma_wait3A_1201 = tpu.memref_slice %arg6[%dma_wait3A_1199, %dma_wait3A_1200] : memref<631x128xf32, #tpu.memory_space<vmem>> -> memref<600x128xf32, #tpu.memory_space<vmem>>
    %dma_wait3A_1202 = arith.constant 0 : i32
    %dma_wait3A_1203 = arith.constant 0 : i32
    %dma_wait3A_1204 = tpu.memref_slice %arg3[%add3A_224, %dma_wait3A_1202, %dma_wait3A_1203] : memref<1024x1024x128xf32, #tpu.memory_space<hbm>> -> memref<1x600x128xf32, #tpu.memory_space<hbm>>
    %dma_wait3A_1205 = tpu.memref_squeeze %dma_wait3A_1204 : memref<1x600x128xf32, #tpu.memory_space<hbm>> -> memref<600x128xf32, #tpu.memory_space<hbm>>
    %dma_wait3A_1206 = arith.constant 0 : i32
    %dma_wait3A_1207 = arith.constant 0 : i32
    %dma_wait3A_1208 = tpu.memref_slice %arg3[%add3A_224, %dma_wait3A_1206, %dma_wait3A_1207] : memref<1024x1024x128xf32, #tpu.memory_space<hbm>> -> memref<1x600x128xf32, #tpu.memory_space<hbm>>
    %dma_wait3A_1209 = tpu.memref_squeeze %dma_wait3A_1208 : memref<1x600x128xf32, #tpu.memory_space<hbm>> -> memref<600x128xf32, #tpu.memory_space<hbm>>
    %dma_wait3A_1210 = arith.constant 26 : i32
    %dma_wait3A_1211 = arith.constant 0 : i32
    %dma_wait3A_1212 = tpu.memref_slice %arg6[%dma_wait3A_1210, %dma_wait3A_1211] : memref<631x128xf32, #tpu.memory_space<vmem>> -> memref<600x128xf32, #tpu.memory_space<vmem>>
    tpu.wait_dma2 semaphore(%arg9 : memref<!tpu.dma_semaphore, #tpu.memory_space<semaphore_mem>>) src(%dma_wait3A_1212 : memref<600x128xf32, #tpu.memory_space<vmem>>) dst(%dma_wait3A_1209 : memref<600x128xf32, #tpu.memory_space<hbm>>)
    %dma_wait3A_1213 = arith.constant 25 : i32
    %dma_wait3A_1214 = arith.constant 0 : i32
    %dma_wait3A_1215 = tpu.memref_slice %arg6[%dma_wait3A_1213, %dma_wait3A_1214] : memref<631x128xf32, #tpu.memory_space<vmem>> -> memref<600x128xf32, #tpu.memory_space<vmem>>
    %dma_wait3A_1216 = arith.constant 0 : i32
    %dma_wait3A_1217 = arith.constant 0 : i32
    %dma_wait3A_1218 = tpu.memref_slice %arg3[%add3A_240, %dma_wait3A_1216, %dma_wait3A_1217] : memref<1024x1024x128xf32, #tpu.memory_space<hbm>> -> memref<1x600x128xf32, #tpu.memory_space<hbm>>
    %dma_wait3A_1219 = tpu.memref_squeeze %dma_wait3A_1218 : memref<1x600x128xf32, #tpu.memory_space<hbm>> -> memref<600x128xf32, #tpu.memory_space<hbm>>
    %dma_wait3A_1220 = arith.constant 0 : i32
    %dma_wait3A_1221 = arith.constant 0 : i32
    %dma_wait3A_1222 = tpu.memref_slice %arg3[%add3A_240, %dma_wait3A_1220, %dma_wait3A_1221] : memref<1024x1024x128xf32, #tpu.memory_space<hbm>> -> memref<1x600x128xf32, #tpu.memory_space<hbm>>
    %dma_wait3A_1223 = tpu.memref_squeeze %dma_wait3A_1222 : memref<1x600x128xf32, #tpu.memory_space<hbm>> -> memref<600x128xf32, #tpu.memory_space<hbm>>
    %dma_wait3A_1224 = arith.constant 25 : i32
    %dma_wait3A_1225 = arith.constant 0 : i32
    %dma_wait3A_1226 = tpu.memref_slice %arg6[%dma_wait3A_1224, %dma_wait3A_1225] : memref<631x128xf32, #tpu.memory_space<vmem>> -> memref<600x128xf32, #tpu.memory_space<vmem>>
    tpu.wait_dma2 semaphore(%arg9 : memref<!tpu.dma_semaphore, #tpu.memory_space<semaphore_mem>>) src(%dma_wait3A_1226 : memref<600x128xf32, #tpu.memory_space<vmem>>) dst(%dma_wait3A_1223 : memref<600x128xf32, #tpu.memory_space<hbm>>)
    %dma_wait3A_1227 = arith.constant 24 : i32
    %dma_wait3A_1228 = arith.constant 0 : i32
    %dma_wait3A_1229 = tpu.memref_slice %arg6[%dma_wait3A_1227, %dma_wait3A_1228] : memref<631x128xf32, #tpu.memory_space<vmem>> -> memref<600x128xf32, #tpu.memory_space<vmem>>
    %dma_wait3A_1230 = arith.constant 0 : i32
    %dma_wait3A_1231 = arith.constant 0 : i32
    %dma_wait3A_1232 = tpu.memref_slice %arg3[%add3A_256, %dma_wait3A_1230, %dma_wait3A_1231] : memref<1024x1024x128xf32, #tpu.memory_space<hbm>> -> memref<1x600x128xf32, #tpu.memory_space<hbm>>
    %dma_wait3A_1233 = tpu.memref_squeeze %dma_wait3A_1232 : memref<1x600x128xf32, #tpu.memory_space<hbm>> -> memref<600x128xf32, #tpu.memory_space<hbm>>
    %dma_wait3A_1234 = arith.constant 0 : i32
    %dma_wait3A_1235 = arith.constant 0 : i32
    %dma_wait3A_1236 = tpu.memref_slice %arg3[%add3A_256, %dma_wait3A_1234, %dma_wait3A_1235] : memref<1024x1024x128xf32, #tpu.memory_space<hbm>> -> memref<1x600x128xf32, #tpu.memory_space<hbm>>
    %dma_wait3A_1237 = tpu.memref_squeeze %dma_wait3A_1236 : memref<1x600x128xf32, #tpu.memory_space<hbm>> -> memref<600x128xf32, #tpu.memory_space<hbm>>
    %dma_wait3A_1238 = arith.constant 24 : i32
    %dma_wait3A_1239 = arith.constant 0 : i32
    %dma_wait3A_1240 = tpu.memref_slice %arg6[%dma_wait3A_1238, %dma_wait3A_1239] : memref<631x128xf32, #tpu.memory_space<vmem>> -> memref<600x128xf32, #tpu.memory_space<vmem>>
    tpu.wait_dma2 semaphore(%arg9 : memref<!tpu.dma_semaphore, #tpu.memory_space<semaphore_mem>>) src(%dma_wait3A_1240 : memref<600x128xf32, #tpu.memory_space<vmem>>) dst(%dma_wait3A_1237 : memref<600x128xf32, #tpu.memory_space<hbm>>)
    %dma_wait3A_1241 = arith.constant 23 : i32
    %dma_wait3A_1242 = arith.constant 0 : i32
    %dma_wait3A_1243 = tpu.memref_slice %arg6[%dma_wait3A_1241, %dma_wait3A_1242] : memref<631x128xf32, #tpu.memory_space<vmem>> -> memref<600x128xf32, #tpu.memory_space<vmem>>
    %dma_wait3A_1244 = arith.constant 0 : i32
    %dma_wait3A_1245 = arith.constant 0 : i32
    %dma_wait3A_1246 = tpu.memref_slice %arg3[%add3A_272, %dma_wait3A_1244, %dma_wait3A_1245] : memref<1024x1024x128xf32, #tpu.memory_space<hbm>> -> memref<1x600x128xf32, #tpu.memory_space<hbm>>
    %dma_wait3A_1247 = tpu.memref_squeeze %dma_wait3A_1246 : memref<1x600x128xf32, #tpu.memory_space<hbm>> -> memref<600x128xf32, #tpu.memory_space<hbm>>
    %dma_wait3A_1248 = arith.constant 0 : i32
    %dma_wait3A_1249 = arith.constant 0 : i32
    %dma_wait3A_1250 = tpu.memref_slice %arg3[%add3A_272, %dma_wait3A_1248, %dma_wait3A_1249] : memref<1024x1024x128xf32, #tpu.memory_space<hbm>> -> memref<1x600x128xf32, #tpu.memory_space<hbm>>
    %dma_wait3A_1251 = tpu.memref_squeeze %dma_wait3A_1250 : memref<1x600x128xf32, #tpu.memory_space<hbm>> -> memref<600x128xf32, #tpu.memory_space<hbm>>
    %dma_wait3A_1252 = arith.constant 23 : i32
    %dma_wait3A_1253 = arith.constant 0 : i32
    %dma_wait3A_1254 = tpu.memref_slice %arg6[%dma_wait3A_1252, %dma_wait3A_1253] : memref<631x128xf32, #tpu.memory_space<vmem>> -> memref<600x128xf32, #tpu.memory_space<vmem>>
    tpu.wait_dma2 semaphore(%arg9 : memref<!tpu.dma_semaphore, #tpu.memory_space<semaphore_mem>>) src(%dma_wait3A_1254 : memref<600x128xf32, #tpu.memory_space<vmem>>) dst(%dma_wait3A_1251 : memref<600x128xf32, #tpu.memory_space<hbm>>)
    %dma_wait3A_1255 = arith.constant 22 : i32
    %dma_wait3A_1256 = arith.constant 0 : i32
    %dma_wait3A_1257 = tpu.memref_slice %arg6[%dma_wait3A_1255, %dma_wait3A_1256] : memref<631x128xf32, #tpu.memory_space<vmem>> -> memref<600x128xf32, #tpu.memory_space<vmem>>
    %dma_wait3A_1258 = arith.constant 0 : i32
    %dma_wait3A_1259 = arith.constant 0 : i32
    %dma_wait3A_1260 = tpu.memref_slice %arg3[%add3A_288, %dma_wait3A_1258, %dma_wait3A_1259] : memref<1024x1024x128xf32, #tpu.memory_space<hbm>> -> memref<1x600x128xf32, #tpu.memory_space<hbm>>
    %dma_wait3A_1261 = tpu.memref_squeeze %dma_wait3A_1260 : memref<1x600x128xf32, #tpu.memory_space<hbm>> -> memref<600x128xf32, #tpu.memory_space<hbm>>
    %dma_wait3A_1262 = arith.constant 0 : i32
    %dma_wait3A_1263 = arith.constant 0 : i32
    %dma_wait3A_1264 = tpu.memref_slice %arg3[%add3A_288, %dma_wait3A_1262, %dma_wait3A_1263] : memref<1024x1024x128xf32, #tpu.memory_space<hbm>> -> memref<1x600x128xf32, #tpu.memory_space<hbm>>
    %dma_wait3A_1265 = tpu.memref_squeeze %dma_wait3A_1264 : memref<1x600x128xf32, #tpu.memory_space<hbm>> -> memref<600x128xf32, #tpu.memory_space<hbm>>
    %dma_wait3A_1266 = arith.constant 22 : i32
    %dma_wait3A_1267 = arith.constant 0 : i32
    %dma_wait3A_1268 = tpu.memref_slice %arg6[%dma_wait3A_1266, %dma_wait3A_1267] : memref<631x128xf32, #tpu.memory_space<vmem>> -> memref<600x128xf32, #tpu.memory_space<vmem>>
    tpu.wait_dma2 semaphore(%arg9 : memref<!tpu.dma_semaphore, #tpu.memory_space<semaphore_mem>>) src(%dma_wait3A_1268 : memref<600x128xf32, #tpu.memory_space<vmem>>) dst(%dma_wait3A_1265 : memref<600x128xf32, #tpu.memory_space<hbm>>)
    %dma_wait3A_1269 = arith.constant 21 : i32
    %dma_wait3A_1270 = arith.constant 0 : i32
    %dma_wait3A_1271 = tpu.memref_slice %arg6[%dma_wait3A_1269, %dma_wait3A_1270] : memref<631x128xf32, #tpu.memory_space<vmem>> -> memref<600x128xf32, #tpu.memory_space<vmem>>
    %dma_wait3A_1272 = arith.constant 0 : i32
    %dma_wait3A_1273 = arith.constant 0 : i32
    %dma_wait3A_1274 = tpu.memref_slice %arg3[%add3A_304, %dma_wait3A_1272, %dma_wait3A_1273] : memref<1024x1024x128xf32, #tpu.memory_space<hbm>> -> memref<1x600x128xf32, #tpu.memory_space<hbm>>
    %dma_wait3A_1275 = tpu.memref_squeeze %dma_wait3A_1274 : memref<1x600x128xf32, #tpu.memory_space<hbm>> -> memref<600x128xf32, #tpu.memory_space<hbm>>
    %dma_wait3A_1276 = arith.constant 0 : i32
    %dma_wait3A_1277 = arith.constant 0 : i32
    %dma_wait3A_1278 = tpu.memref_slice %arg3[%add3A_304, %dma_wait3A_1276, %dma_wait3A_1277] : memref<1024x1024x128xf32, #tpu.memory_space<hbm>> -> memref<1x600x128xf32, #tpu.memory_space<hbm>>
    %dma_wait3A_1279 = tpu.memref_squeeze %dma_wait3A_1278 : memref<1x600x128xf32, #tpu.memory_space<hbm>> -> memref<600x128xf32, #tpu.memory_space<hbm>>
    %dma_wait3A_1280 = arith.constant 21 : i32
    %dma_wait3A_1281 = arith.constant 0 : i32
    %dma_wait3A_1282 = tpu.memref_slice %arg6[%dma_wait3A_1280, %dma_wait3A_1281] : memref<631x128xf32, #tpu.memory_space<vmem>> -> memref<600x128xf32, #tpu.memory_space<vmem>>
    tpu.wait_dma2 semaphore(%arg9 : memref<!tpu.dma_semaphore, #tpu.memory_space<semaphore_mem>>) src(%dma_wait3A_1282 : memref<600x128xf32, #tpu.memory_space<vmem>>) dst(%dma_wait3A_1279 : memref<600x128xf32, #tpu.memory_space<hbm>>)
    %dma_wait3A_1283 = arith.constant 20 : i32
    %dma_wait3A_1284 = arith.constant 0 : i32
    %dma_wait3A_1285 = tpu.memref_slice %arg6[%dma_wait3A_1283, %dma_wait3A_1284] : memref<631x128xf32, #tpu.memory_space<vmem>> -> memref<600x128xf32, #tpu.memory_space<vmem>>
    %dma_wait3A_1286 = arith.constant 0 : i32
    %dma_wait3A_1287 = arith.constant 0 : i32
    %dma_wait3A_1288 = tpu.memref_slice %arg3[%add3A_320, %dma_wait3A_1286, %dma_wait3A_1287] : memref<1024x1024x128xf32, #tpu.memory_space<hbm>> -> memref<1x600x128xf32, #tpu.memory_space<hbm>>
    %dma_wait3A_1289 = tpu.memref_squeeze %dma_wait3A_1288 : memref<1x600x128xf32, #tpu.memory_space<hbm>> -> memref<600x128xf32, #tpu.memory_space<hbm>>
    %dma_wait3A_1290 = arith.constant 0 : i32
    %dma_wait3A_1291 = arith.constant 0 : i32
    %dma_wait3A_1292 = tpu.memref_slice %arg3[%add3A_320, %dma_wait3A_1290, %dma_wait3A_1291] : memref<1024x1024x128xf32, #tpu.memory_space<hbm>> -> memref<1x600x128xf32, #tpu.memory_space<hbm>>
    %dma_wait3A_1293 = tpu.memref_squeeze %dma_wait3A_1292 : memref<1x600x128xf32, #tpu.memory_space<hbm>> -> memref<600x128xf32, #tpu.memory_space<hbm>>
    %dma_wait3A_1294 = arith.constant 20 : i32
    %dma_wait3A_1295 = arith.constant 0 : i32
    %dma_wait3A_1296 = tpu.memref_slice %arg6[%dma_wait3A_1294, %dma_wait3A_1295] : memref<631x128xf32, #tpu.memory_space<vmem>> -> memref<600x128xf32, #tpu.memory_space<vmem>>
    tpu.wait_dma2 semaphore(%arg9 : memref<!tpu.dma_semaphore, #tpu.memory_space<semaphore_mem>>) src(%dma_wait3A_1296 : memref<600x128xf32, #tpu.memory_space<vmem>>) dst(%dma_wait3A_1293 : memref<600x128xf32, #tpu.memory_space<hbm>>)
    %dma_wait3A_1297 = arith.constant 19 : i32
    %dma_wait3A_1298 = arith.constant 0 : i32
    %dma_wait3A_1299 = tpu.memref_slice %arg6[%dma_wait3A_1297, %dma_wait3A_1298] : memref<631x128xf32, #tpu.memory_space<vmem>> -> memref<600x128xf32, #tpu.memory_space<vmem>>
    %dma_wait3A_1300 = arith.constant 0 : i32
    %dma_wait3A_1301 = arith.constant 0 : i32
    %dma_wait3A_1302 = tpu.memref_slice %arg3[%add3A_336, %dma_wait3A_1300, %dma_wait3A_1301] : memref<1024x1024x128xf32, #tpu.memory_space<hbm>> -> memref<1x600x128xf32, #tpu.memory_space<hbm>>
    %dma_wait3A_1303 = tpu.memref_squeeze %dma_wait3A_1302 : memref<1x600x128xf32, #tpu.memory_space<hbm>> -> memref<600x128xf32, #tpu.memory_space<hbm>>
    %dma_wait3A_1304 = arith.constant 0 : i32
    %dma_wait3A_1305 = arith.constant 0 : i32
    %dma_wait3A_1306 = tpu.memref_slice %arg3[%add3A_336, %dma_wait3A_1304, %dma_wait3A_1305] : memref<1024x1024x128xf32, #tpu.memory_space<hbm>> -> memref<1x600x128xf32, #tpu.memory_space<hbm>>
    %dma_wait3A_1307 = tpu.memref_squeeze %dma_wait3A_1306 : memref<1x600x128xf32, #tpu.memory_space<hbm>> -> memref<600x128xf32, #tpu.memory_space<hbm>>
    %dma_wait3A_1308 = arith.constant 19 : i32
    %dma_wait3A_1309 = arith.constant 0 : i32
    %dma_wait3A_1310 = tpu.memref_slice %arg6[%dma_wait3A_1308, %dma_wait3A_1309] : memref<631x128xf32, #tpu.memory_space<vmem>> -> memref<600x128xf32, #tpu.memory_space<vmem>>
    tpu.wait_dma2 semaphore(%arg9 : memref<!tpu.dma_semaphore, #tpu.memory_space<semaphore_mem>>) src(%dma_wait3A_1310 : memref<600x128xf32, #tpu.memory_space<vmem>>) dst(%dma_wait3A_1307 : memref<600x128xf32, #tpu.memory_space<hbm>>)
    %dma_wait3A_1311 = arith.constant 18 : i32
    %dma_wait3A_1312 = arith.constant 0 : i32
    %dma_wait3A_1313 = tpu.memref_slice %arg6[%dma_wait3A_1311, %dma_wait3A_1312] : memref<631x128xf32, #tpu.memory_space<vmem>> -> memref<600x128xf32, #tpu.memory_space<vmem>>
    %dma_wait3A_1314 = arith.constant 0 : i32
    %dma_wait3A_1315 = arith.constant 0 : i32
    %dma_wait3A_1316 = tpu.memref_slice %arg3[%add3A_352, %dma_wait3A_1314, %dma_wait3A_1315] : memref<1024x1024x128xf32, #tpu.memory_space<hbm>> -> memref<1x600x128xf32, #tpu.memory_space<hbm>>
    %dma_wait3A_1317 = tpu.memref_squeeze %dma_wait3A_1316 : memref<1x600x128xf32, #tpu.memory_space<hbm>> -> memref<600x128xf32, #tpu.memory_space<hbm>>
    %dma_wait3A_1318 = arith.constant 0 : i32
    %dma_wait3A_1319 = arith.constant 0 : i32
    %dma_wait3A_1320 = tpu.memref_slice %arg3[%add3A_352, %dma_wait3A_1318, %dma_wait3A_1319] : memref<1024x1024x128xf32, #tpu.memory_space<hbm>> -> memref<1x600x128xf32, #tpu.memory_space<hbm>>
    %dma_wait3A_1321 = tpu.memref_squeeze %dma_wait3A_1320 : memref<1x600x128xf32, #tpu.memory_space<hbm>> -> memref<600x128xf32, #tpu.memory_space<hbm>>
    %dma_wait3A_1322 = arith.constant 18 : i32
    %dma_wait3A_1323 = arith.constant 0 : i32
    %dma_wait3A_1324 = tpu.memref_slice %arg6[%dma_wait3A_1322, %dma_wait3A_1323] : memref<631x128xf32, #tpu.memory_space<vmem>> -> memref<600x128xf32, #tpu.memory_space<vmem>>
    tpu.wait_dma2 semaphore(%arg9 : memref<!tpu.dma_semaphore, #tpu.memory_space<semaphore_mem>>) src(%dma_wait3A_1324 : memref<600x128xf32, #tpu.memory_space<vmem>>) dst(%dma_wait3A_1321 : memref<600x128xf32, #tpu.memory_space<hbm>>)
    %dma_wait3A_1325 = arith.constant 17 : i32
    %dma_wait3A_1326 = arith.constant 0 : i32
    %dma_wait3A_1327 = tpu.memref_slice %arg6[%dma_wait3A_1325, %dma_wait3A_1326] : memref<631x128xf32, #tpu.memory_space<vmem>> -> memref<600x128xf32, #tpu.memory_space<vmem>>
    %dma_wait3A_1328 = arith.constant 0 : i32
    %dma_wait3A_1329 = arith.constant 0 : i32
    %dma_wait3A_1330 = tpu.memref_slice %arg3[%add3A_368, %dma_wait3A_1328, %dma_wait3A_1329] : memref<1024x1024x128xf32, #tpu.memory_space<hbm>> -> memref<1x600x128xf32, #tpu.memory_space<hbm>>
    %dma_wait3A_1331 = tpu.memref_squeeze %dma_wait3A_1330 : memref<1x600x128xf32, #tpu.memory_space<hbm>> -> memref<600x128xf32, #tpu.memory_space<hbm>>
    %dma_wait3A_1332 = arith.constant 0 : i32
    %dma_wait3A_1333 = arith.constant 0 : i32
    %dma_wait3A_1334 = tpu.memref_slice %arg3[%add3A_368, %dma_wait3A_1332, %dma_wait3A_1333] : memref<1024x1024x128xf32, #tpu.memory_space<hbm>> -> memref<1x600x128xf32, #tpu.memory_space<hbm>>
    %dma_wait3A_1335 = tpu.memref_squeeze %dma_wait3A_1334 : memref<1x600x128xf32, #tpu.memory_space<hbm>> -> memref<600x128xf32, #tpu.memory_space<hbm>>
    %dma_wait3A_1336 = arith.constant 17 : i32
    %dma_wait3A_1337 = arith.constant 0 : i32
    %dma_wait3A_1338 = tpu.memref_slice %arg6[%dma_wait3A_1336, %dma_wait3A_1337] : memref<631x128xf32, #tpu.memory_space<vmem>> -> memref<600x128xf32, #tpu.memory_space<vmem>>
    tpu.wait_dma2 semaphore(%arg9 : memref<!tpu.dma_semaphore, #tpu.memory_space<semaphore_mem>>) src(%dma_wait3A_1338 : memref<600x128xf32, #tpu.memory_space<vmem>>) dst(%dma_wait3A_1335 : memref<600x128xf32, #tpu.memory_space<hbm>>)
    %dma_wait3A_1339 = arith.constant 16 : i32
    %dma_wait3A_1340 = arith.constant 0 : i32
    %dma_wait3A_1341 = tpu.memref_slice %arg6[%dma_wait3A_1339, %dma_wait3A_1340] : memref<631x128xf32, #tpu.memory_space<vmem>> -> memref<600x128xf32, #tpu.memory_space<vmem>>
    %dma_wait3A_1342 = arith.constant 0 : i32
    %dma_wait3A_1343 = arith.constant 0 : i32
    %dma_wait3A_1344 = tpu.memref_slice %arg3[%add3A_384, %dma_wait3A_1342, %dma_wait3A_1343] : memref<1024x1024x128xf32, #tpu.memory_space<hbm>> -> memref<1x600x128xf32, #tpu.memory_space<hbm>>
    %dma_wait3A_1345 = tpu.memref_squeeze %dma_wait3A_1344 : memref<1x600x128xf32, #tpu.memory_space<hbm>> -> memref<600x128xf32, #tpu.memory_space<hbm>>
    %dma_wait3A_1346 = arith.constant 0 : i32
    %dma_wait3A_1347 = arith.constant 0 : i32
    %dma_wait3A_1348 = tpu.memref_slice %arg3[%add3A_384, %dma_wait3A_1346, %dma_wait3A_1347] : memref<1024x1024x128xf32, #tpu.memory_space<hbm>> -> memref<1x600x128xf32, #tpu.memory_space<hbm>>
    %dma_wait3A_1349 = tpu.memref_squeeze %dma_wait3A_1348 : memref<1x600x128xf32, #tpu.memory_space<hbm>> -> memref<600x128xf32, #tpu.memory_space<hbm>>
    %dma_wait3A_1350 = arith.constant 16 : i32
    %dma_wait3A_1351 = arith.constant 0 : i32
    %dma_wait3A_1352 = tpu.memref_slice %arg6[%dma_wait3A_1350, %dma_wait3A_1351] : memref<631x128xf32, #tpu.memory_space<vmem>> -> memref<600x128xf32, #tpu.memory_space<vmem>>
    tpu.wait_dma2 semaphore(%arg9 : memref<!tpu.dma_semaphore, #tpu.memory_space<semaphore_mem>>) src(%dma_wait3A_1352 : memref<600x128xf32, #tpu.memory_space<vmem>>) dst(%dma_wait3A_1349 : memref<600x128xf32, #tpu.memory_space<hbm>>)
    %dma_wait3A_1353 = arith.constant 15 : i32
    %dma_wait3A_1354 = arith.constant 0 : i32
    %dma_wait3A_1355 = tpu.memref_slice %arg6[%dma_wait3A_1353, %dma_wait3A_1354] : memref<631x128xf32, #tpu.memory_space<vmem>> -> memref<600x128xf32, #tpu.memory_space<vmem>>
    %dma_wait3A_1356 = arith.constant 0 : i32
    %dma_wait3A_1357 = arith.constant 0 : i32
    %dma_wait3A_1358 = tpu.memref_slice %arg3[%add3A_400, %dma_wait3A_1356, %dma_wait3A_1357] : memref<1024x1024x128xf32, #tpu.memory_space<hbm>> -> memref<1x600x128xf32, #tpu.memory_space<hbm>>
    %dma_wait3A_1359 = tpu.memref_squeeze %dma_wait3A_1358 : memref<1x600x128xf32, #tpu.memory_space<hbm>> -> memref<600x128xf32, #tpu.memory_space<hbm>>
    %dma_wait3A_1360 = arith.constant 0 : i32
    %dma_wait3A_1361 = arith.constant 0 : i32
    %dma_wait3A_1362 = tpu.memref_slice %arg3[%add3A_400, %dma_wait3A_1360, %dma_wait3A_1361] : memref<1024x1024x128xf32, #tpu.memory_space<hbm>> -> memref<1x600x128xf32, #tpu.memory_space<hbm>>
    %dma_wait3A_1363 = tpu.memref_squeeze %dma_wait3A_1362 : memref<1x600x128xf32, #tpu.memory_space<hbm>> -> memref<600x128xf32, #tpu.memory_space<hbm>>
    %dma_wait3A_1364 = arith.constant 15 : i32
    %dma_wait3A_1365 = arith.constant 0 : i32
    %dma_wait3A_1366 = tpu.memref_slice %arg6[%dma_wait3A_1364, %dma_wait3A_1365] : memref<631x128xf32, #tpu.memory_space<vmem>> -> memref<600x128xf32, #tpu.memory_space<vmem>>
    tpu.wait_dma2 semaphore(%arg9 : memref<!tpu.dma_semaphore, #tpu.memory_space<semaphore_mem>>) src(%dma_wait3A_1366 : memref<600x128xf32, #tpu.memory_space<vmem>>) dst(%dma_wait3A_1363 : memref<600x128xf32, #tpu.memory_space<hbm>>)
    %dma_wait3A_1367 = arith.constant 14 : i32
    %dma_wait3A_1368 = arith.constant 0 : i32
    %dma_wait3A_1369 = tpu.memref_slice %arg6[%dma_wait3A_1367, %dma_wait3A_1368] : memref<631x128xf32, #tpu.memory_space<vmem>> -> memref<600x128xf32, #tpu.memory_space<vmem>>
    %dma_wait3A_1370 = arith.constant 0 : i32
    %dma_wait3A_1371 = arith.constant 0 : i32
    %dma_wait3A_1372 = tpu.memref_slice %arg3[%add3A_416, %dma_wait3A_1370, %dma_wait3A_1371] : memref<1024x1024x128xf32, #tpu.memory_space<hbm>> -> memref<1x600x128xf32, #tpu.memory_space<hbm>>
    %dma_wait3A_1373 = tpu.memref_squeeze %dma_wait3A_1372 : memref<1x600x128xf32, #tpu.memory_space<hbm>> -> memref<600x128xf32, #tpu.memory_space<hbm>>
    %dma_wait3A_1374 = arith.constant 0 : i32
    %dma_wait3A_1375 = arith.constant 0 : i32
    %dma_wait3A_1376 = tpu.memref_slice %arg3[%add3A_416, %dma_wait3A_1374, %dma_wait3A_1375] : memref<1024x1024x128xf32, #tpu.memory_space<hbm>> -> memref<1x600x128xf32, #tpu.memory_space<hbm>>
    %dma_wait3A_1377 = tpu.memref_squeeze %dma_wait3A_1376 : memref<1x600x128xf32, #tpu.memory_space<hbm>> -> memref<600x128xf32, #tpu.memory_space<hbm>>
    %dma_wait3A_1378 = arith.constant 14 : i32
    %dma_wait3A_1379 = arith.constant 0 : i32
    %dma_wait3A_1380 = tpu.memref_slice %arg6[%dma_wait3A_1378, %dma_wait3A_1379] : memref<631x128xf32, #tpu.memory_space<vmem>> -> memref<600x128xf32, #tpu.memory_space<vmem>>
    tpu.wait_dma2 semaphore(%arg9 : memref<!tpu.dma_semaphore, #tpu.memory_space<semaphore_mem>>) src(%dma_wait3A_1380 : memref<600x128xf32, #tpu.memory_space<vmem>>) dst(%dma_wait3A_1377 : memref<600x128xf32, #tpu.memory_space<hbm>>)
    %dma_wait3A_1381 = arith.constant 13 : i32
    %dma_wait3A_1382 = arith.constant 0 : i32
    %dma_wait3A_1383 = tpu.memref_slice %arg6[%dma_wait3A_1381, %dma_wait3A_1382] : memref<631x128xf32, #tpu.memory_space<vmem>> -> memref<600x128xf32, #tpu.memory_space<vmem>>
    %dma_wait3A_1384 = arith.constant 0 : i32
    %dma_wait3A_1385 = arith.constant 0 : i32
    %dma_wait3A_1386 = tpu.memref_slice %arg3[%add3A_432, %dma_wait3A_1384, %dma_wait3A_1385] : memref<1024x1024x128xf32, #tpu.memory_space<hbm>> -> memref<1x600x128xf32, #tpu.memory_space<hbm>>
    %dma_wait3A_1387 = tpu.memref_squeeze %dma_wait3A_1386 : memref<1x600x128xf32, #tpu.memory_space<hbm>> -> memref<600x128xf32, #tpu.memory_space<hbm>>
    %dma_wait3A_1388 = arith.constant 0 : i32
    %dma_wait3A_1389 = arith.constant 0 : i32
    %dma_wait3A_1390 = tpu.memref_slice %arg3[%add3A_432, %dma_wait3A_1388, %dma_wait3A_1389] : memref<1024x1024x128xf32, #tpu.memory_space<hbm>> -> memref<1x600x128xf32, #tpu.memory_space<hbm>>
    %dma_wait3A_1391 = tpu.memref_squeeze %dma_wait3A_1390 : memref<1x600x128xf32, #tpu.memory_space<hbm>> -> memref<600x128xf32, #tpu.memory_space<hbm>>
    %dma_wait3A_1392 = arith.constant 13 : i32
    %dma_wait3A_1393 = arith.constant 0 : i32
    %dma_wait3A_1394 = tpu.memref_slice %arg6[%dma_wait3A_1392, %dma_wait3A_1393] : memref<631x128xf32, #tpu.memory_space<vmem>> -> memref<600x128xf32, #tpu.memory_space<vmem>>
    tpu.wait_dma2 semaphore(%arg9 : memref<!tpu.dma_semaphore, #tpu.memory_space<semaphore_mem>>) src(%dma_wait3A_1394 : memref<600x128xf32, #tpu.memory_space<vmem>>) dst(%dma_wait3A_1391 : memref<600x128xf32, #tpu.memory_space<hbm>>)
    %dma_wait3A_1395 = arith.constant 12 : i32
    %dma_wait3A_1396 = arith.constant 0 : i32
    %dma_wait3A_1397 = tpu.memref_slice %arg6[%dma_wait3A_1395, %dma_wait3A_1396] : memref<631x128xf32, #tpu.memory_space<vmem>> -> memref<600x128xf32, #tpu.memory_space<vmem>>
    %dma_wait3A_1398 = arith.constant 0 : i32
    %dma_wait3A_1399 = arith.constant 0 : i32
    %dma_wait3A_1400 = tpu.memref_slice %arg3[%add3A_448, %dma_wait3A_1398, %dma_wait3A_1399] : memref<1024x1024x128xf32, #tpu.memory_space<hbm>> -> memref<1x600x128xf32, #tpu.memory_space<hbm>>
    %dma_wait3A_1401 = tpu.memref_squeeze %dma_wait3A_1400 : memref<1x600x128xf32, #tpu.memory_space<hbm>> -> memref<600x128xf32, #tpu.memory_space<hbm>>
    %dma_wait3A_1402 = arith.constant 0 : i32
    %dma_wait3A_1403 = arith.constant 0 : i32
    %dma_wait3A_1404 = tpu.memref_slice %arg3[%add3A_448, %dma_wait3A_1402, %dma_wait3A_1403] : memref<1024x1024x128xf32, #tpu.memory_space<hbm>> -> memref<1x600x128xf32, #tpu.memory_space<hbm>>
    %dma_wait3A_1405 = tpu.memref_squeeze %dma_wait3A_1404 : memref<1x600x128xf32, #tpu.memory_space<hbm>> -> memref<600x128xf32, #tpu.memory_space<hbm>>
    %dma_wait3A_1406 = arith.constant 12 : i32
    %dma_wait3A_1407 = arith.constant 0 : i32
    %dma_wait3A_1408 = tpu.memref_slice %arg6[%dma_wait3A_1406, %dma_wait3A_1407] : memref<631x128xf32, #tpu.memory_space<vmem>> -> memref<600x128xf32, #tpu.memory_space<vmem>>
    tpu.wait_dma2 semaphore(%arg9 : memref<!tpu.dma_semaphore, #tpu.memory_space<semaphore_mem>>) src(%dma_wait3A_1408 : memref<600x128xf32, #tpu.memory_space<vmem>>) dst(%dma_wait3A_1405 : memref<600x128xf32, #tpu.memory_space<hbm>>)
    %dma_wait3A_1409 = arith.constant 11 : i32
    %dma_wait3A_1410 = arith.constant 0 : i32
    %dma_wait3A_1411 = tpu.memref_slice %arg6[%dma_wait3A_1409, %dma_wait3A_1410] : memref<631x128xf32, #tpu.memory_space<vmem>> -> memref<600x128xf32, #tpu.memory_space<vmem>>
    %dma_wait3A_1412 = arith.constant 0 : i32
    %dma_wait3A_1413 = arith.constant 0 : i32
    %dma_wait3A_1414 = tpu.memref_slice %arg3[%add3A_464, %dma_wait3A_1412, %dma_wait3A_1413] : memref<1024x1024x128xf32, #tpu.memory_space<hbm>> -> memref<1x600x128xf32, #tpu.memory_space<hbm>>
    %dma_wait3A_1415 = tpu.memref_squeeze %dma_wait3A_1414 : memref<1x600x128xf32, #tpu.memory_space<hbm>> -> memref<600x128xf32, #tpu.memory_space<hbm>>
    %dma_wait3A_1416 = arith.constant 0 : i32
    %dma_wait3A_1417 = arith.constant 0 : i32
    %dma_wait3A_1418 = tpu.memref_slice %arg3[%add3A_464, %dma_wait3A_1416, %dma_wait3A_1417] : memref<1024x1024x128xf32, #tpu.memory_space<hbm>> -> memref<1x600x128xf32, #tpu.memory_space<hbm>>
    %dma_wait3A_1419 = tpu.memref_squeeze %dma_wait3A_1418 : memref<1x600x128xf32, #tpu.memory_space<hbm>> -> memref<600x128xf32, #tpu.memory_space<hbm>>
    %dma_wait3A_1420 = arith.constant 11 : i32
    %dma_wait3A_1421 = arith.constant 0 : i32
    %dma_wait3A_1422 = tpu.memref_slice %arg6[%dma_wait3A_1420, %dma_wait3A_1421] : memref<631x128xf32, #tpu.memory_space<vmem>> -> memref<600x128xf32, #tpu.memory_space<vmem>>
    tpu.wait_dma2 semaphore(%arg9 : memref<!tpu.dma_semaphore, #tpu.memory_space<semaphore_mem>>) src(%dma_wait3A_1422 : memref<600x128xf32, #tpu.memory_space<vmem>>) dst(%dma_wait3A_1419 : memref<600x128xf32, #tpu.memory_space<hbm>>)
    %dma_wait3A_1423 = arith.constant 10 : i32
    %dma_wait3A_1424 = arith.constant 0 : i32
    %dma_wait3A_1425 = tpu.memref_slice %arg6[%dma_wait3A_1423, %dma_wait3A_1424] : memref<631x128xf32, #tpu.memory_space<vmem>> -> memref<600x128xf32, #tpu.memory_space<vmem>>
    %dma_wait3A_1426 = arith.constant 0 : i32
    %dma_wait3A_1427 = arith.constant 0 : i32
    %dma_wait3A_1428 = tpu.memref_slice %arg3[%add3A_480, %dma_wait3A_1426, %dma_wait3A_1427] : memref<1024x1024x128xf32, #tpu.memory_space<hbm>> -> memref<1x600x128xf32, #tpu.memory_space<hbm>>
    %dma_wait3A_1429 = tpu.memref_squeeze %dma_wait3A_1428 : memref<1x600x128xf32, #tpu.memory_space<hbm>> -> memref<600x128xf32, #tpu.memory_space<hbm>>
    %dma_wait3A_1430 = arith.constant 0 : i32
    %dma_wait3A_1431 = arith.constant 0 : i32
    %dma_wait3A_1432 = tpu.memref_slice %arg3[%add3A_480, %dma_wait3A_1430, %dma_wait3A_1431] : memref<1024x1024x128xf32, #tpu.memory_space<hbm>> -> memref<1x600x128xf32, #tpu.memory_space<hbm>>
    %dma_wait3A_1433 = tpu.memref_squeeze %dma_wait3A_1432 : memref<1x600x128xf32, #tpu.memory_space<hbm>> -> memref<600x128xf32, #tpu.memory_space<hbm>>
    %dma_wait3A_1434 = arith.constant 10 : i32
    %dma_wait3A_1435 = arith.constant 0 : i32
    %dma_wait3A_1436 = tpu.memref_slice %arg6[%dma_wait3A_1434, %dma_wait3A_1435] : memref<631x128xf32, #tpu.memory_space<vmem>> -> memref<600x128xf32, #tpu.memory_space<vmem>>
    tpu.wait_dma2 semaphore(%arg9 : memref<!tpu.dma_semaphore, #tpu.memory_space<semaphore_mem>>) src(%dma_wait3A_1436 : memref<600x128xf32, #tpu.memory_space<vmem>>) dst(%dma_wait3A_1433 : memref<600x128xf32, #tpu.memory_space<hbm>>)
    %dma_wait3A_1437 = arith.constant 9 : i32
    %dma_wait3A_1438 = arith.constant 0 : i32
    %dma_wait3A_1439 = tpu.memref_slice %arg6[%dma_wait3A_1437, %dma_wait3A_1438] : memref<631x128xf32, #tpu.memory_space<vmem>> -> memref<600x128xf32, #tpu.memory_space<vmem>>
    %dma_wait3A_1440 = arith.constant 0 : i32
    %dma_wait3A_1441 = arith.constant 0 : i32
    %dma_wait3A_1442 = tpu.memref_slice %arg3[%add3A_496, %dma_wait3A_1440, %dma_wait3A_1441] : memref<1024x1024x128xf32, #tpu.memory_space<hbm>> -> memref<1x600x128xf32, #tpu.memory_space<hbm>>
    %dma_wait3A_1443 = tpu.memref_squeeze %dma_wait3A_1442 : memref<1x600x128xf32, #tpu.memory_space<hbm>> -> memref<600x128xf32, #tpu.memory_space<hbm>>
    %dma_wait3A_1444 = arith.constant 0 : i32
    %dma_wait3A_1445 = arith.constant 0 : i32
    %dma_wait3A_1446 = tpu.memref_slice %arg3[%add3A_496, %dma_wait3A_1444, %dma_wait3A_1445] : memref<1024x1024x128xf32, #tpu.memory_space<hbm>> -> memref<1x600x128xf32, #tpu.memory_space<hbm>>
    %dma_wait3A_1447 = tpu.memref_squeeze %dma_wait3A_1446 : memref<1x600x128xf32, #tpu.memory_space<hbm>> -> memref<600x128xf32, #tpu.memory_space<hbm>>
    %dma_wait3A_1448 = arith.constant 9 : i32
    %dma_wait3A_1449 = arith.constant 0 : i32
    %dma_wait3A_1450 = tpu.memref_slice %arg6[%dma_wait3A_1448, %dma_wait3A_1449] : memref<631x128xf32, #tpu.memory_space<vmem>> -> memref<600x128xf32, #tpu.memory_space<vmem>>
    tpu.wait_dma2 semaphore(%arg9 : memref<!tpu.dma_semaphore, #tpu.memory_space<semaphore_mem>>) src(%dma_wait3A_1450 : memref<600x128xf32, #tpu.memory_space<vmem>>) dst(%dma_wait3A_1447 : memref<600x128xf32, #tpu.memory_space<hbm>>)
    %dma_wait3A_1451 = arith.constant 8 : i32
    %dma_wait3A_1452 = arith.constant 0 : i32
    %dma_wait3A_1453 = tpu.memref_slice %arg6[%dma_wait3A_1451, %dma_wait3A_1452] : memref<631x128xf32, #tpu.memory_space<vmem>> -> memref<600x128xf32, #tpu.memory_space<vmem>>
    %dma_wait3A_1454 = arith.constant 0 : i32
    %dma_wait3A_1455 = arith.constant 0 : i32
    %dma_wait3A_1456 = tpu.memref_slice %arg3[%add3A_512, %dma_wait3A_1454, %dma_wait3A_1455] : memref<1024x1024x128xf32, #tpu.memory_space<hbm>> -> memref<1x600x128xf32, #tpu.memory_space<hbm>>
    %dma_wait3A_1457 = tpu.memref_squeeze %dma_wait3A_1456 : memref<1x600x128xf32, #tpu.memory_space<hbm>> -> memref<600x128xf32, #tpu.memory_space<hbm>>
    %dma_wait3A_1458 = arith.constant 0 : i32
    %dma_wait3A_1459 = arith.constant 0 : i32
    %dma_wait3A_1460 = tpu.memref_slice %arg3[%add3A_512, %dma_wait3A_1458, %dma_wait3A_1459] : memref<1024x1024x128xf32, #tpu.memory_space<hbm>> -> memref<1x600x128xf32, #tpu.memory_space<hbm>>
    %dma_wait3A_1461 = tpu.memref_squeeze %dma_wait3A_1460 : memref<1x600x128xf32, #tpu.memory_space<hbm>> -> memref<600x128xf32, #tpu.memory_space<hbm>>
    %dma_wait3A_1462 = arith.constant 8 : i32
    %dma_wait3A_1463 = arith.constant 0 : i32
    %dma_wait3A_1464 = tpu.memref_slice %arg6[%dma_wait3A_1462, %dma_wait3A_1463] : memref<631x128xf32, #tpu.memory_space<vmem>> -> memref<600x128xf32, #tpu.memory_space<vmem>>
    tpu.wait_dma2 semaphore(%arg9 : memref<!tpu.dma_semaphore, #tpu.memory_space<semaphore_mem>>) src(%dma_wait3A_1464 : memref<600x128xf32, #tpu.memory_space<vmem>>) dst(%dma_wait3A_1461 : memref<600x128xf32, #tpu.memory_space<hbm>>)
    %dma_wait3A_1465 = arith.constant 7 : i32
    %dma_wait3A_1466 = arith.constant 0 : i32
    %dma_wait3A_1467 = tpu.memref_slice %arg6[%dma_wait3A_1465, %dma_wait3A_1466] : memref<631x128xf32, #tpu.memory_space<vmem>> -> memref<600x128xf32, #tpu.memory_space<vmem>>
    %dma_wait3A_1468 = arith.constant 0 : i32
    %dma_wait3A_1469 = arith.constant 0 : i32
    %dma_wait3A_1470 = tpu.memref_slice %arg3[%add3A_528, %dma_wait3A_1468, %dma_wait3A_1469] : memref<1024x1024x128xf32, #tpu.memory_space<hbm>> -> memref<1x600x128xf32, #tpu.memory_space<hbm>>
    %dma_wait3A_1471 = tpu.memref_squeeze %dma_wait3A_1470 : memref<1x600x128xf32, #tpu.memory_space<hbm>> -> memref<600x128xf32, #tpu.memory_space<hbm>>
    %dma_wait3A_1472 = arith.constant 0 : i32
    %dma_wait3A_1473 = arith.constant 0 : i32
    %dma_wait3A_1474 = tpu.memref_slice %arg3[%add3A_528, %dma_wait3A_1472, %dma_wait3A_1473] : memref<1024x1024x128xf32, #tpu.memory_space<hbm>> -> memref<1x600x128xf32, #tpu.memory_space<hbm>>
    %dma_wait3A_1475 = tpu.memref_squeeze %dma_wait3A_1474 : memref<1x600x128xf32, #tpu.memory_space<hbm>> -> memref<600x128xf32, #tpu.memory_space<hbm>>
    %dma_wait3A_1476 = arith.constant 7 : i32
    %dma_wait3A_1477 = arith.constant 0 : i32
    %dma_wait3A_1478 = tpu.memref_slice %arg6[%dma_wait3A_1476, %dma_wait3A_1477] : memref<631x128xf32, #tpu.memory_space<vmem>> -> memref<600x128xf32, #tpu.memory_space<vmem>>
    tpu.wait_dma2 semaphore(%arg9 : memref<!tpu.dma_semaphore, #tpu.memory_space<semaphore_mem>>) src(%dma_wait3A_1478 : memref<600x128xf32, #tpu.memory_space<vmem>>) dst(%dma_wait3A_1475 : memref<600x128xf32, #tpu.memory_space<hbm>>)
    %dma_wait3A_1479 = arith.constant 6 : i32
    %dma_wait3A_1480 = arith.constant 0 : i32
    %dma_wait3A_1481 = tpu.memref_slice %arg6[%dma_wait3A_1479, %dma_wait3A_1480] : memref<631x128xf32, #tpu.memory_space<vmem>> -> memref<600x128xf32, #tpu.memory_space<vmem>>
    %dma_wait3A_1482 = arith.constant 0 : i32
    %dma_wait3A_1483 = arith.constant 0 : i32
    %dma_wait3A_1484 = tpu.memref_slice %arg3[%add3A_544, %dma_wait3A_1482, %dma_wait3A_1483] : memref<1024x1024x128xf32, #tpu.memory_space<hbm>> -> memref<1x600x128xf32, #tpu.memory_space<hbm>>
    %dma_wait3A_1485 = tpu.memref_squeeze %dma_wait3A_1484 : memref<1x600x128xf32, #tpu.memory_space<hbm>> -> memref<600x128xf32, #tpu.memory_space<hbm>>
    %dma_wait3A_1486 = arith.constant 0 : i32
    %dma_wait3A_1487 = arith.constant 0 : i32
    %dma_wait3A_1488 = tpu.memref_slice %arg3[%add3A_544, %dma_wait3A_1486, %dma_wait3A_1487] : memref<1024x1024x128xf32, #tpu.memory_space<hbm>> -> memref<1x600x128xf32, #tpu.memory_space<hbm>>
    %dma_wait3A_1489 = tpu.memref_squeeze %dma_wait3A_1488 : memref<1x600x128xf32, #tpu.memory_space<hbm>> -> memref<600x128xf32, #tpu.memory_space<hbm>>
    %dma_wait3A_1490 = arith.constant 6 : i32
    %dma_wait3A_1491 = arith.constant 0 : i32
    %dma_wait3A_1492 = tpu.memref_slice %arg6[%dma_wait3A_1490, %dma_wait3A_1491] : memref<631x128xf32, #tpu.memory_space<vmem>> -> memref<600x128xf32, #tpu.memory_space<vmem>>
    tpu.wait_dma2 semaphore(%arg9 : memref<!tpu.dma_semaphore, #tpu.memory_space<semaphore_mem>>) src(%dma_wait3A_1492 : memref<600x128xf32, #tpu.memory_space<vmem>>) dst(%dma_wait3A_1489 : memref<600x128xf32, #tpu.memory_space<hbm>>)
    %dma_wait3A_1493 = arith.constant 5 : i32
    %dma_wait3A_1494 = arith.constant 0 : i32
    %dma_wait3A_1495 = tpu.memref_slice %arg6[%dma_wait3A_1493, %dma_wait3A_1494] : memref<631x128xf32, #tpu.memory_space<vmem>> -> memref<600x128xf32, #tpu.memory_space<vmem>>
    %dma_wait3A_1496 = arith.constant 0 : i32
    %dma_wait3A_1497 = arith.constant 0 : i32
    %dma_wait3A_1498 = tpu.memref_slice %arg3[%add3A_560, %dma_wait3A_1496, %dma_wait3A_1497] : memref<1024x1024x128xf32, #tpu.memory_space<hbm>> -> memref<1x600x128xf32, #tpu.memory_space<hbm>>
    %dma_wait3A_1499 = tpu.memref_squeeze %dma_wait3A_1498 : memref<1x600x128xf32, #tpu.memory_space<hbm>> -> memref<600x128xf32, #tpu.memory_space<hbm>>
    %dma_wait3A_1500 = arith.constant 0 : i32
    %dma_wait3A_1501 = arith.constant 0 : i32
    %dma_wait3A_1502 = tpu.memref_slice %arg3[%add3A_560, %dma_wait3A_1500, %dma_wait3A_1501] : memref<1024x1024x128xf32, #tpu.memory_space<hbm>> -> memref<1x600x128xf32, #tpu.memory_space<hbm>>
    %dma_wait3A_1503 = tpu.memref_squeeze %dma_wait3A_1502 : memref<1x600x128xf32, #tpu.memory_space<hbm>> -> memref<600x128xf32, #tpu.memory_space<hbm>>
    %dma_wait3A_1504 = arith.constant 5 : i32
    %dma_wait3A_1505 = arith.constant 0 : i32
    %dma_wait3A_1506 = tpu.memref_slice %arg6[%dma_wait3A_1504, %dma_wait3A_1505] : memref<631x128xf32, #tpu.memory_space<vmem>> -> memref<600x128xf32, #tpu.memory_space<vmem>>
    tpu.wait_dma2 semaphore(%arg9 : memref<!tpu.dma_semaphore, #tpu.memory_space<semaphore_mem>>) src(%dma_wait3A_1506 : memref<600x128xf32, #tpu.memory_space<vmem>>) dst(%dma_wait3A_1503 : memref<600x128xf32, #tpu.memory_space<hbm>>)
    %dma_wait3A_1507 = arith.constant 4 : i32
    %dma_wait3A_1508 = arith.constant 0 : i32
    %dma_wait3A_1509 = tpu.memref_slice %arg6[%dma_wait3A_1507, %dma_wait3A_1508] : memref<631x128xf32, #tpu.memory_space<vmem>> -> memref<600x128xf32, #tpu.memory_space<vmem>>
    %dma_wait3A_1510 = arith.constant 0 : i32
    %dma_wait3A_1511 = arith.constant 0 : i32
    %dma_wait3A_1512 = tpu.memref_slice %arg3[%add3A_576, %dma_wait3A_1510, %dma_wait3A_1511] : memref<1024x1024x128xf32, #tpu.memory_space<hbm>> -> memref<1x600x128xf32, #tpu.memory_space<hbm>>
    %dma_wait3A_1513 = tpu.memref_squeeze %dma_wait3A_1512 : memref<1x600x128xf32, #tpu.memory_space<hbm>> -> memref<600x128xf32, #tpu.memory_space<hbm>>
    %dma_wait3A_1514 = arith.constant 0 : i32
    %dma_wait3A_1515 = arith.constant 0 : i32
    %dma_wait3A_1516 = tpu.memref_slice %arg3[%add3A_576, %dma_wait3A_1514, %dma_wait3A_1515] : memref<1024x1024x128xf32, #tpu.memory_space<hbm>> -> memref<1x600x128xf32, #tpu.memory_space<hbm>>
    %dma_wait3A_1517 = tpu.memref_squeeze %dma_wait3A_1516 : memref<1x600x128xf32, #tpu.memory_space<hbm>> -> memref<600x128xf32, #tpu.memory_space<hbm>>
    %dma_wait3A_1518 = arith.constant 4 : i32
    %dma_wait3A_1519 = arith.constant 0 : i32
    %dma_wait3A_1520 = tpu.memref_slice %arg6[%dma_wait3A_1518, %dma_wait3A_1519] : memref<631x128xf32, #tpu.memory_space<vmem>> -> memref<600x128xf32, #tpu.memory_space<vmem>>
    tpu.wait_dma2 semaphore(%arg9 : memref<!tpu.dma_semaphore, #tpu.memory_space<semaphore_mem>>) src(%dma_wait3A_1520 : memref<600x128xf32, #tpu.memory_space<vmem>>) dst(%dma_wait3A_1517 : memref<600x128xf32, #tpu.memory_space<hbm>>)
    %dma_wait3A_1521 = arith.constant 3 : i32
    %dma_wait3A_1522 = arith.constant 0 : i32
    %dma_wait3A_1523 = tpu.memref_slice %arg6[%dma_wait3A_1521, %dma_wait3A_1522] : memref<631x128xf32, #tpu.memory_space<vmem>> -> memref<600x128xf32, #tpu.memory_space<vmem>>
    %dma_wait3A_1524 = arith.constant 0 : i32
    %dma_wait3A_1525 = arith.constant 0 : i32
    %dma_wait3A_1526 = tpu.memref_slice %arg3[%add3A_592, %dma_wait3A_1524, %dma_wait3A_1525] : memref<1024x1024x128xf32, #tpu.memory_space<hbm>> -> memref<1x600x128xf32, #tpu.memory_space<hbm>>
    %dma_wait3A_1527 = tpu.memref_squeeze %dma_wait3A_1526 : memref<1x600x128xf32, #tpu.memory_space<hbm>> -> memref<600x128xf32, #tpu.memory_space<hbm>>
    %dma_wait3A_1528 = arith.constant 0 : i32
    %dma_wait3A_1529 = arith.constant 0 : i32
    %dma_wait3A_1530 = tpu.memref_slice %arg3[%add3A_592, %dma_wait3A_1528, %dma_wait3A_1529] : memref<1024x1024x128xf32, #tpu.memory_space<hbm>> -> memref<1x600x128xf32, #tpu.memory_space<hbm>>
    %dma_wait3A_1531 = tpu.memref_squeeze %dma_wait3A_1530 : memref<1x600x128xf32, #tpu.memory_space<hbm>> -> memref<600x128xf32, #tpu.memory_space<hbm>>
    %dma_wait3A_1532 = arith.constant 3 : i32
    %dma_wait3A_1533 = arith.constant 0 : i32
    %dma_wait3A_1534 = tpu.memref_slice %arg6[%dma_wait3A_1532, %dma_wait3A_1533] : memref<631x128xf32, #tpu.memory_space<vmem>> -> memref<600x128xf32, #tpu.memory_space<vmem>>
    tpu.wait_dma2 semaphore(%arg9 : memref<!tpu.dma_semaphore, #tpu.memory_space<semaphore_mem>>) src(%dma_wait3A_1534 : memref<600x128xf32, #tpu.memory_space<vmem>>) dst(%dma_wait3A_1531 : memref<600x128xf32, #tpu.memory_space<hbm>>)
    %dma_wait3A_1535 = arith.constant 2 : i32
    %dma_wait3A_1536 = arith.constant 0 : i32
    %dma_wait3A_1537 = tpu.memref_slice %arg6[%dma_wait3A_1535, %dma_wait3A_1536] : memref<631x128xf32, #tpu.memory_space<vmem>> -> memref<600x128xf32, #tpu.memory_space<vmem>>
    %dma_wait3A_1538 = arith.constant 0 : i32
    %dma_wait3A_1539 = arith.constant 0 : i32
    %dma_wait3A_1540 = tpu.memref_slice %arg3[%add3A_608, %dma_wait3A_1538, %dma_wait3A_1539] : memref<1024x1024x128xf32, #tpu.memory_space<hbm>> -> memref<1x600x128xf32, #tpu.memory_space<hbm>>
    %dma_wait3A_1541 = tpu.memref_squeeze %dma_wait3A_1540 : memref<1x600x128xf32, #tpu.memory_space<hbm>> -> memref<600x128xf32, #tpu.memory_space<hbm>>
    %dma_wait3A_1542 = arith.constant 0 : i32
    %dma_wait3A_1543 = arith.constant 0 : i32
    %dma_wait3A_1544 = tpu.memref_slice %arg3[%add3A_608, %dma_wait3A_1542, %dma_wait3A_1543] : memref<1024x1024x128xf32, #tpu.memory_space<hbm>> -> memref<1x600x128xf32, #tpu.memory_space<hbm>>
    %dma_wait3A_1545 = tpu.memref_squeeze %dma_wait3A_1544 : memref<1x600x128xf32, #tpu.memory_space<hbm>> -> memref<600x128xf32, #tpu.memory_space<hbm>>
    %dma_wait3A_1546 = arith.constant 2 : i32
    %dma_wait3A_1547 = arith.constant 0 : i32
    %dma_wait3A_1548 = tpu.memref_slice %arg6[%dma_wait3A_1546, %dma_wait3A_1547] : memref<631x128xf32, #tpu.memory_space<vmem>> -> memref<600x128xf32, #tpu.memory_space<vmem>>
    tpu.wait_dma2 semaphore(%arg9 : memref<!tpu.dma_semaphore, #tpu.memory_space<semaphore_mem>>) src(%dma_wait3A_1548 : memref<600x128xf32, #tpu.memory_space<vmem>>) dst(%dma_wait3A_1545 : memref<600x128xf32, #tpu.memory_space<hbm>>)
    %dma_wait3A_1549 = arith.constant 1 : i32
    %dma_wait3A_1550 = arith.constant 0 : i32
    %dma_wait3A_1551 = tpu.memref_slice %arg6[%dma_wait3A_1549, %dma_wait3A_1550] : memref<631x128xf32, #tpu.memory_space<vmem>> -> memref<600x128xf32, #tpu.memory_space<vmem>>
    %dma_wait3A_1552 = arith.constant 0 : i32
    %dma_wait3A_1553 = arith.constant 0 : i32
    %dma_wait3A_1554 = tpu.memref_slice %arg3[%add3A_624, %dma_wait3A_1552, %dma_wait3A_1553] : memref<1024x1024x128xf32, #tpu.memory_space<hbm>> -> memref<1x600x128xf32, #tpu.memory_space<hbm>>
    %dma_wait3A_1555 = tpu.memref_squeeze %dma_wait3A_1554 : memref<1x600x128xf32, #tpu.memory_space<hbm>> -> memref<600x128xf32, #tpu.memory_space<hbm>>
    %dma_wait3A_1556 = arith.constant 0 : i32
    %dma_wait3A_1557 = arith.constant 0 : i32
    %dma_wait3A_1558 = tpu.memref_slice %arg3[%add3A_624, %dma_wait3A_1556, %dma_wait3A_1557] : memref<1024x1024x128xf32, #tpu.memory_space<hbm>> -> memref<1x600x128xf32, #tpu.memory_space<hbm>>
    %dma_wait3A_1559 = tpu.memref_squeeze %dma_wait3A_1558 : memref<1x600x128xf32, #tpu.memory_space<hbm>> -> memref<600x128xf32, #tpu.memory_space<hbm>>
    %dma_wait3A_1560 = arith.constant 1 : i32
    %dma_wait3A_1561 = arith.constant 0 : i32
    %dma_wait3A_1562 = tpu.memref_slice %arg6[%dma_wait3A_1560, %dma_wait3A_1561] : memref<631x128xf32, #tpu.memory_space<vmem>> -> memref<600x128xf32, #tpu.memory_space<vmem>>
    tpu.wait_dma2 semaphore(%arg9 : memref<!tpu.dma_semaphore, #tpu.memory_space<semaphore_mem>>) src(%dma_wait3A_1562 : memref<600x128xf32, #tpu.memory_space<vmem>>) dst(%dma_wait3A_1559 : memref<600x128xf32, #tpu.memory_space<hbm>>)
    %dma_wait3A_1563 = arith.constant 0 : i32
    %dma_wait3A_1564 = arith.constant 0 : i32
    %dma_wait3A_1565 = tpu.memref_slice %arg6[%dma_wait3A_1563, %dma_wait3A_1564] : memref<631x128xf32, #tpu.memory_space<vmem>> -> memref<600x128xf32, #tpu.memory_space<vmem>>
    %dma_wait3A_1566 = arith.constant 0 : i32
    %dma_wait3A_1567 = arith.constant 0 : i32
    %dma_wait3A_1568 = tpu.memref_slice %arg3[%add3A_640, %dma_wait3A_1566, %dma_wait3A_1567] : memref<1024x1024x128xf32, #tpu.memory_space<hbm>> -> memref<1x600x128xf32, #tpu.memory_space<hbm>>
    %dma_wait3A_1569 = tpu.memref_squeeze %dma_wait3A_1568 : memref<1x600x128xf32, #tpu.memory_space<hbm>> -> memref<600x128xf32, #tpu.memory_space<hbm>>
    %dma_wait3A_1570 = arith.constant 0 : i32
    %dma_wait3A_1571 = arith.constant 0 : i32
    %dma_wait3A_1572 = tpu.memref_slice %arg3[%add3A_640, %dma_wait3A_1570, %dma_wait3A_1571] : memref<1024x1024x128xf32, #tpu.memory_space<hbm>> -> memref<1x600x128xf32, #tpu.memory_space<hbm>>
    %dma_wait3A_1573 = tpu.memref_squeeze %dma_wait3A_1572 : memref<1x600x128xf32, #tpu.memory_space<hbm>> -> memref<600x128xf32, #tpu.memory_space<hbm>>
    %dma_wait3A_1574 = arith.constant 0 : i32
    %dma_wait3A_1575 = arith.constant 0 : i32
    %dma_wait3A_1576 = tpu.memref_slice %arg6[%dma_wait3A_1574, %dma_wait3A_1575] : memref<631x128xf32, #tpu.memory_space<vmem>> -> memref<600x128xf32, #tpu.memory_space<vmem>>
    tpu.wait_dma2 semaphore(%arg9 : memref<!tpu.dma_semaphore, #tpu.memory_space<semaphore_mem>>) src(%dma_wait3A_1576 : memref<600x128xf32, #tpu.memory_space<vmem>>) dst(%dma_wait3A_1573 : memref<600x128xf32, #tpu.memory_space<hbm>>)
    return
  }
}

</mosaic_0001>

<sc_bundles>
// kernel: _rel_pos_sc.3.cloned.1.call-start
scs
__scs_entry_jumppad:
0x0: {  	(pc) =	sbr.rel $0x88, $3  }
0x1: {  	(tag) =	ssettag $0x0;
	lr =	simm.s32 $0x1  }
0x2: {  	[smem:$0x3FA0] =	sst lr;
	_ =	strace $0xD0000000  }
0x3: {  	_ = 	snop  }
0x4: {  	_ = 	snop  }
0x5: {  	_ = 	snop  }
0x6: {  	_ = 	snop  }
0x7: {  	_ = 	snop  }
__scs_overlays_trampoline_lowered:
0x8: {  	[smem:$0x3FAF] =	sst s0  }
0x9: {  	[smem:$0x3FB0] =	sst s1  }
0xa: {  	[smem:$0x3FB1] =	sst s2  }
0xb: {  	[smem:$0x3FB2] =	sst s3  }
0xc: {  	[smem:$0x3FB3] =	sst s4  }
0xd: {  	[smem:$0x3FB4] =	sst s5  }
0xe: {  	[smem:$0x3FB5] =	sst s6  }
0xf: {  	[smem:$0x3FB6] =	sst s7  }
0x10: {  	[smem:$0x3FB7] =	sst s8  }
0x11: {  	[smem:$0x3FB8] =	sst s9;
	s0 =	simm.s32 @!p0 $0x0  }
0x12: {  	s1 =	sld [smem:$0x3F9E];
	s0 =	simm.s32 @p0 $0x1  }
0x13: {  	[smem:$0x3FB9] =	sst s0;
	s0 =	simm.s32 @!p1 $0x0  }
0x14: {  	s2 =	sld [smem:$0x3F9D];
	s0 =	simm.s32 @p1 $0x1  }
0x15: {  	[smem:$0x3FBA] =	sst s0;
	s0 =	simm.s32 @!p2 $0x0  }
0x16: {  	s3 =	sld [smem:$0x3FDB];
	s0 =	simm.s32 @p2 $0x1  }
0x17: {  	s4 =	simm.s32 $0x1BF5;
	[smem:$0x3FBC] =	sst s0  }
0x18: {  	s0 =	sld [smem:$0x3F9F];
	_ =	swait.ge [sflag:s4], $0x0  }
0x19: {  	s7 =	sld [smem:$0x3FA0]  }
0x1a: {  	s8 =	sadd.s32 $0xFFFFE003, lr  }
0x1b: {  	s9 =	sadd.s32 $0xFFFFFEF7, lr;
	s5 =	simm.s32 $0xFFFFFFFF;
	p2 =	slt.u32 s8, $0xFFFFF086  }
0x1c: {  	p1 =	slt.u32 s9, $0xF7A;
	s5 =	simm.s32 @!p2 $0x0  }
0x1d: {  	s5 =	simm.s32 @p1 $0x1;
	p0 =	seq.s32 s7, s2  }
0x1e: {  	s7 =	smul.u32 @!p0 $0xF7A, s2;
	p2 =	seq.s32 @!p0 s5, $0x0  }
0x1f: {  	s9 =	smul.u32 $0xF7A, s1;
	s8 =	simm.s32 @!p0 $0x1BF5;
	p2 =	por !p2, p0  }
0x20: {  	[sflag:s8] =	ssyncset.s32 @!p0 $0xFFFFF086;
	s6 =	sadd.s32 @!p0 s3, s7;
	s7 =	simm.s32 @!p0 $0x108  }
0x21: {  	s3 =	sadd.s32 s3, s9;
	s6 =	sadd.s32 @!p0 $0x88, s6;
	s7 =	simm.s32 @p2 $0x1082  }
0x22: {  	[simem:s7], [sflag:s8] =	dma.local @!p0 [hbm:s6], $0xF7A  }
0x23: {  	s9 =	sor.u32 $0xD0000000, s2;
	s6 =	simm.s32 $0x108;
	_ =	swait.ge @!p0 [sflag:s8], $0x0  }
0x24: {  	s3 =	sadd.s32 $0x88, s3;
	s6 =	simm.s32 @!p1 $0x1082;
	[sflag:s4] =	ssyncset.s32 $0xFFFFF086  }
0x25: {  	[simem:s6], [sflag:s4] =	dma.local [hbm:s3], $0xF7A  }
0x26: {  	[smem:$0x3FA0] =	sst s1;
	(tag) =	ssettag s2;
	_ =	strace s9  }
0x27: {  	s1 =	sld [smem:$0x3FB0]  }
0x28: {  	s2 =	sld [smem:$0x3FB1]  }
0x29: {  	s4 =	sld [smem:$0x3FB3]  }
0x2a: {  	p0 =	seq.s32 s5, $0x0;
	s5 =	sld [smem:$0x3FB4]  }
0x2b: {  	s6 =	sld [smem:$0x3FB5]  }
0x2c: {  	s7 =	sld [smem:$0x3FB6]  }
0x2d: {  	s3 =	simm.s32 $0x108;
	s8 =	sld [smem:$0x3FB7]  }
0x2e: {  	s3 =	simm.s32 @!p0 $0x1082;
	s9 =	sld [smem:$0x3FB8]  }
0x2f: {  	lr =	sadd.s32 s0, s3;
	s0 =	sld [smem:$0x3FAF]  }
0x30: {  	s3 =	sld [smem:$0x3FB2]  }
0x31: {  	[smem:$0x3FBB] =	sst s10  }
0x32: {  	s10 =	sld [smem:$0x3FB9];
	_ =	sdelay $0x3  }
0x33: {  	p0 =	seq.s32 s10, $0x1;
	s10 =	sld [smem:$0x3FBB];
	_ =	sdelay $0x3  }
0x34: {  	[smem:$0x3FBB] =	sst s10  }
0x35: {  	s10 =	sld [smem:$0x3FBA];
	_ =	sdelay $0x3  }
0x36: {  	p1 =	seq.s32 s10, $0x1;
	s10 =	sld [smem:$0x3FBB];
	_ =	sdelay $0x3  }
0x37: {  	[smem:$0x3FBB] =	sst s10  }
0x38: {  	s10 =	sld [smem:$0x3FBC]  }
0x39: {  	_ = 	snop;
	(pc) =	sbr.ind lr, $3  }
0x3a: {  	_ = 	snop  }
0x3b: {  	_ = 	snop  }
0x3c: {  	p2 =	seq.s32 s10, $0x1;
	s10 =	sld [smem:$0x3FBB]  }
0x3d: {  	_ =	shalt  }
0x3e: {  	_ =	shalt  }
0x3f: {  	_ =	shalt  }
0x40: {  	_ =	shalt  }
0x41: {  	_ =	shalt  }
0x42: {  	_ =	shalt  }
0x43: {  	_ =	shalt  }
0x44: {  	_ =	shalt  }
0x45: {  	_ =	shalt  }
0x46: {  	_ =	shalt  }
0x47: {  	_ =	shalt  }
0x48: {  	_ =	shalt  }
0x49: {  	_ =	shalt  }
0x4a: {  	_ =	shalt  }
0x4b: {  	_ =	shalt  }
0x4c: {  	_ =	shalt  }
0x4d: {  	_ =	shalt  }
0x4e: {  	_ =	shalt  }
0x4f: {  	_ =	shalt  }
0x50: {  	_ =	shalt  }
0x51: {  	_ =	shalt  }
0x52: {  	_ =	shalt  }
0x53: {  	_ =	shalt  }
0x54: {  	_ =	shalt  }
0x55: {  	_ =	shalt  }
0x56: {  	_ =	shalt  }
0x57: {  	_ =	shalt  }
0x58: {  	_ =	shalt  }
0x59: {  	_ =	shalt  }
0x5a: {  	_ =	shalt  }
0x5b: {  	_ =	shalt  }
0x5c: {  	_ =	shalt  }
0x5d: {  	_ =	shalt  }
0x5e: {  	_ =	shalt  }
0x5f: {  	_ =	shalt  }
0x60: {  	_ =	shalt  }
0x61: {  	_ =	shalt  }
0x62: {  	_ =	shalt  }
0x63: {  	_ =	shalt  }
0x64: {  	_ =	shalt  }
0x65: {  	_ =	shalt  }
0x66: {  	_ =	shalt  }
0x67: {  	_ =	shalt  }
0x68: {  	_ =	shalt  }
0x69: {  	_ =	shalt  }
0x6a: {  	_ =	shalt  }
0x6b: {  	_ =	shalt  }
0x6c: {  	_ =	shalt  }
0x6d: {  	_ =	shalt  }
0x6e: {  	_ =	shalt  }
0x6f: {  	_ =	shalt  }
0x70: {  	_ =	shalt  }
0x71: {  	_ =	shalt  }
0x72: {  	_ =	shalt  }
0x73: {  	_ =	shalt  }
0x74: {  	_ =	shalt  }
0x75: {  	_ =	shalt  }
0x76: {  	_ =	shalt  }
0x77: {  	_ =	shalt  }
0x78: {  	_ =	shalt  }
0x79: {  	_ =	shalt  }
0x7a: {  	_ =	shalt  }
0x7b: {  	_ =	shalt  }
0x7c: {  	_ =	shalt  }
0x7d: {  	_ =	shalt  }
0x7e: {  	_ =	shalt  }
0x7f: {  	_ =	shalt  }
0x80: {  	_ =	shalt  }
0x81: {  	_ =	shalt  }
0x82: {  	_ =	shalt  }
0x83: {  	_ =	shalt  }
0x84: {  	_ =	shalt  }
0x85: {  	_ =	shalt  }
0x86: {  	_ =	shalt  }
0x87: {  	_ =	shalt  }
.Lfunc_end0:
.L_simem_size_0:
called_computation_lowered:
.L_overlay_start_0:
0x88: {  	s2 =	sld [smem:$0x3FD9]  }
0x89: {  	s3 =	sld [smem:$0x3FFE];
	_ =	sdelay $0x1  }
0x8a: {  	s1 =	srdreg.scid  }
0x8b: {  	s0 =	sand.u32 $0x1, s1  }
0x8c: {  	s18 =	sshll.u32 s0, $0xA;
	s2 =	sadd.s32 s3, s2  }
0x8d: {  	s2 =	sadd.s32 s2, s18  }
0x8e: {  	[smem:$0x3FC7] =	sst s2  }
0x8f: {  	_ = 	snop  }
0x90: {  	s2 =	sld [smem:$0x3FC9]  }
0x91: {  	s19 =	sld [smem:$0x3FD0];
	(tm) =	ssettm $0x1  }
0x92: {  	s4 =	sld [smem:$0x3FFB];
	_ =	sdelay $0x3  }
0x93: {  	_ =	strace s4  }
0x94: {  	s4 =	sld [smem:$0x3FFC];
	_ =	sdelay $0x3  }
0x95: {  	_ =	strace s4  }
0x96: {  	s4 =	sld [smem:$0x3FFD];
	_ =	sdelay $0x3  }
0x97: {  	_ =	strace s4  }
0x98: {  	_ =	strace $0x8FFFFFFF  }
0x99: {  	s20 =	sld [smem:$0x3FDB];
	_ =	sdelay $0x1  }
0x9a: {  	s5 =	simm.s32 $_scs_section_size  }
0x9b: {  	s6 =	simm.s32 $_size__tile_overlayer_lowered;
	s7 =	simm.s32 $_tile_overlayer_lowered  }
0x9c: {  	s23 =	simm.s32 $0x1BFF;
	s22 =	sshll.u32 s7, $0x1;
	s4 =	sadd.s32 s5, s20  }
0x9d: {  	s8 =	simm.s32 $0x0;
	s21 =	sshll.u32 s6, $0x1;
	s6 =	sadd.s32 s22, s4  }
0x9e: {  	[timem:s8], [sflag:s23] =	dma.local [hbm:s6], s21  }
0x9f: {  	_ =	swait.ge [sflag:s23], s21  }
0xa0: {  	s5 =	ssub.s32 $0x0, s21;
	[sflag:s23] =	ssyncset.done $0x0  }
0xa1: {  	[sflag:s23] =	ssyncadd.s32 s5;
	_ =	sdelay $0x1  }
0xa2: {  	s24 =	simm.s32 $0x1B8B  }
0xa3: {  	_ =	swait.ge [sflag:s24], $0x1  }
0xa4: {  	[sflag:s24] =	ssyncset.done $0x0  }
0xa5: {  	s25 =	simm.s32 $0x1B8E;
	[sflag:s24] =	ssyncadd.s32 $0xFFFFFFFF  }
0xa6: {  	s26 =	simm.s32 $execute0_lowered;
	[smem:$0x3FD2] =	sst s25  }
0xa7: {  	s5 =	sshll.u32 s26, $0x1;
	_ =	strace $0x80000046;
	[dreg:$0x1] =	wrdreg $0xFFFFFFFF  }
0xa8: {  	s28 =	simm.s32 $_size_execute0_lowered;
	s4 =	sadd.s32 s4, s5;
	[dreg:$0x0] =	wrdreg $0x0  }
0xa9: {  	s5 =	sshll.u32 s28, $0x1;
	[dreg:$0x2] =	wrdreg s4  }
0xaa: {  	[dreg:$0x3] =	wrdreg s5  }
0xab: {  	[dreg:$0x4] =	wrdreg $0xC0  }
0xac: {  	_ =	task [dreg:s8], $0x5FFFF  }
0xad: {  	[dreg:$0x1] =	wrdreg $0xFFFFFFFF  }
0xae: {  	[dreg:$0x0] =	wrdreg $0x60  }
0xaf: {  	[dreg:$0x2] =	wrdreg s2  }
0xb0: {  	[dreg:$0x3] =	wrdreg s19  }
0xb1: {  	[dreg:$0x4] =	wrdreg $0x1C0000  }
0xb2: {  	[dreg:$0x5] =	wrdreg $0x9  }
0xb3: {  	_ =	task.clear_ibuf [dreg:s8], $0x6FFFF;
	_ =	strace $0x90000046  }
0xb4: {  	s29 =	simm.s32 $0x9;
	_ =	strace $0x80000048  }
0xb5: {  	_ =	swait.ge [sflag:s29], $0x1  }
0xb6: {  	[sflag:s29] =	ssyncadd.s32 $0xFFFFFFFF  }
0xb7: {  	_ =	strace $0x90000048  }
0xb8: {  	_ =	sfence  }
0xb9: {  	s30 =	sld [smem:$0x0];
	_ =	sdelay $0x2  }
0xba: {  	s31 =	sshll.u32 s1, $0xD;
	s1 =	sshrl.u32 s1, $0x2  }
0xbb: {  	s3 =	sand.u32 $0x4000, s31;
	s1 =	sadd.s32 s1, s30  }
0xbc: {  	s0 =	sor.u32 s3, s0;
	s1 =	sshll.u32 s1, $0x11  }
0xbd: {  	s0 =	sor.u32 s1, s0  }
0xbe: {  	s0 =	sadd.s32 $0x8F2B, s0  }
0xbf: {  	[sflag:s0] =	ssyncadd.remote.s32 $0x1  }
0xc0: {  	_ =	sfence.sel $0xFFFF  }
0xc1: {  	[dreg:$0x0] =	wrdreg $0xFFFFFFFF;
	(pc) =	sbr.abs _section_cstart, $3  }
0xc2: {  	[dreg:$0x1] =	wrdreg $0xFFFFFFFF  }
0xc3: {  	_ =	task.clear_ibuf [dreg:s8], $0x2FFFF;
	_ =	strace $0x9FFFFFFF  }
0xc4: {  	(tm) =	ssettm $0x7FFFFFFF  }
0xc5: {  	_ =	shalt  }
tec
execute0_lowered:
.L_overlay_start_1:
0x0: {  	(tag) =	ssettag $0x1  }
0x1: {  	s0 =	rddreg [dreg:$0x0]  }
0x2: {  	s11 =	stileid.u32;
	s1 =	rddreg [dreg:$0x1]  }
0x3: {  	s5 =	rddreg [dreg:$0x2];
	s4 =	sshll.u32 s11, $0x7  }
0x4: {  	s6 =	srdreg.scid;
	s2 =	simm.s32 $0x0;
	s3 =	ssub.s32 $0x380, s4  }
0x5: {  	s6 =	sand.u32 $0x1, s6;
	[smem:$0x7FF] =	sst s2;
	p0 =	sgt.s32 s3, $0xFFFFFF80  }
0x6: {  	s12 =	sshll.u32 s11, $0x6;
	s24 =	sshll.u32 s11, $0xE;
	s3 =	simm.s32 @!p0 $0xFFFFFF80  }
0x7: {  	s7 =	ssub.s32 $0x2, s6;
	_ =	strace $0x80000047;
	s8 =	sshra.s32 s3, $0x1F  }
0x8: {  	s6 =	sshll.u32 s6, $0x5;
	s9 =	sshrl.u32 s7, $0x1;
	s3 =	sand.u32 s3, s8  }
0x9: {  	[dreg:$0x4] =	wrdreg s12;
	s10 =	ssub.s32 s7, s9;
	s8 =	sshll.u32 s3, $0x4  }
0xa: {  	s6 =	sor.u32 s6, s12;
	s10 =	smax.u32 s10, $0x1;
	s0 =	sadd.s32 s8, s0  }
0xb: {  	s25 =	sshll.u32 s6, $0x7;
	[dreg:$0x8] =	wrdreg s10;
	s0 =	sadd.s32 $0x800, s0  }
0xc: {  	[dreg:$0x5] =	wrdreg s0;
	s0 =	sadd.s32 s24, s5;
	s5 =	ssub.s32 s5, s25  }
0xd: {  	s26 =	sshll.u32 s6, $0xE;
	[dreg:$0x6] =	wrdreg s0;
	s31 =	sadd.s32 $0x32B80, s5  }
0xe: {  	s7 =	sadd.s32 s1, s26;
	s1 =	sadd.s32 $0x32B00, s5;
	[smem:$0x7C2] =	sst s31  }
0xf: {  	s6 =	sadd.s32 $0x32A80, s5;
	[smem:$0x7C3] =	sst s1  }
0x10: {  	s8 =	sadd.s32 $0x32A00, s5;
	[smem:$0x7C4] =	sst s6  }
0x11: {  	s9 =	sadd.s32 $0x32980, s5;
	[smem:$0x7C5] =	sst s8  }
0x12: {  	s11 =	sadd.s32 $0x32900, s5;
	[smem:$0x7C6] =	sst s9  }
0x13: {  	s12 =	sadd.s32 $0x1F000, s5;
	[smem:$0x7C7] =	sst s11  }
0x14: {  	s10 =	ssub.s32 $0x3FF, s4;
	s13 =	sadd.s32 $0x32880, s5;
	[dreg:$0x7] =	wrdreg s12  }
0x15: {  	s14 =	sadd.s32 $0x32800, s5;
	s13 =	sshrl.u32 s13, $0x3;
	s4 =	sld [smem:$0x7C2]  }
0x16: {  	s15 =	sadd.s32 $0x32780, s5;
	s14 =	sshrl.u32 s14, $0x3;
	[dreg:$0xf] =	wrdreg s13  }
0x17: {  	s16 =	sadd.s32 $0x32700, s5;
	s15 =	sshrl.u32 s15, $0x3;
	[dreg:$0x10] =	wrdreg s14  }
0x18: {  	s17 =	sadd.s32 $0x32680, s5;
	s16 =	sshrl.u32 s16, $0x3;
	[dreg:$0x11] =	wrdreg s15  }
0x19: {  	s18 =	sadd.s32 $0x32600, s5;
	s17 =	sshrl.u32 s17, $0x3;
	[dreg:$0x12] =	wrdreg s16  }
0x1a: {  	s19 =	sadd.s32 $0x32580, s5;
	s18 =	sshrl.u32 s18, $0x3;
	[dreg:$0x13] =	wrdreg s17  }
0x1b: {  	s20 =	sadd.s32 $0x32500, s5;
	s19 =	sshrl.u32 s19, $0x3;
	[dreg:$0x14] =	wrdreg s18  }
0x1c: {  	s21 =	sadd.s32 $0x32480, s5;
	s20 =	sshrl.u32 s20, $0x3;
	[dreg:$0x15] =	wrdreg s19  }
0x1d: {  	s0 =	sadd.s32 $0x31F00, s5;
	s21 =	sshrl.u32 s21, $0x3;
	[dreg:$0x16] =	wrdreg s20  }
0x1e: {  	s22 =	sadd.s32 $0x32400, s5;
	s0 =	sshrl.u32 s0, $0x3;
	[dreg:$0x17] =	wrdreg s21  }
0x1f: {  	s23 =	sadd.s32 $0x32380, s5;
	s13 =	sshrl.u32 s22, $0x3;
	[smem:$0x7CA] =	sst s0  }
0x20: {  	s24 =	sadd.s32 $0x32300, s5;
	s14 =	sshrl.u32 s23, $0x3;
	[dreg:$0x18] =	wrdreg s13  }
0x21: {  	s25 =	sadd.s32 $0x32280, s5;
	s15 =	sshrl.u32 s24, $0x3;
	[dreg:$0x19] =	wrdreg s14  }
0x22: {  	s26 =	sadd.s32 $0x32200, s5;
	s16 =	sshrl.u32 s25, $0x3;
	[dreg:$0x1a] =	wrdreg s15  }
0x23: {  	s28 =	sadd.s32 $0x32180, s5;
	s17 =	sshrl.u32 s26, $0x3;
	[dreg:$0x1b] =	wrdreg s16  }
0x24: {  	s29 =	sadd.s32 $0x32100, s5;
	s18 =	sshrl.u32 s28, $0x3;
	[dreg:$0x1c] =	wrdreg s17  }
0x25: {  	s30 =	sadd.s32 $0x32080, s5;
	s19 =	sshrl.u32 s29, $0x3;
	[dreg:$0x1d] =	wrdreg s18  }
0x26: {  	s31 =	sadd.s32 $0x32000, s5;
	s20 =	sshrl.u32 s30, $0x3;
	[dreg:$0x1e] =	wrdreg s19  }
0x27: {  	s9 =	sadd.s32 $0x31F80, s5;
	s21 =	sshrl.u32 s31, $0x3;
	[dreg:$0x1f] =	wrdreg s20  }
0x28: {  	s1 =	sadd.s32 $0x31E80, s5;
	s22 =	sshrl.u32 s9, $0x3;
	[smem:$0x7C8] =	sst s21  }
0x29: {  	s6 =	sadd.s32 $0x31E00, s5;
	s23 =	sshrl.u32 s1, $0x3;
	[smem:$0x7C9] =	sst s22  }
0x2a: {  	s8 =	sadd.s32 $0x31D80, s5;
	s24 =	sshrl.u32 s6, $0x3;
	[smem:$0x7CB] =	sst s23  }
0x2b: {  	s11 =	sadd.s32 $0x31D00, s5;
	s25 =	sshrl.u32 s8, $0x3;
	[smem:$0x7CC] =	sst s24  }
0x2c: {  	s12 =	sadd.s32 $0x31C80, s5;
	s26 =	sshrl.u32 s11, $0x3;
	[smem:$0x7CD] =	sst s25  }
0x2d: {  	s5 =	sadd.s32 $0x31C00, s5;
	s31 =	sshrl.u32 s12, $0x3;
	[smem:$0x7CE] =	sst s26  }
0x2e: {  	s1 =	sshrl.u32 s5, $0x3;
	[smem:$0x7CF] =	sst s31  }
0x2f: {  	s5 =	sadd.s32 $0x6580, s7;
	[smem:$0x7D0] =	sst s1  }
0x30: {  	s6 =	sadd.s32 $0xA580, s7;
	[smem:$0x7D2] =	sst s5  }
0x31: {  	s8 =	sadd.s32 $0xE580, s7;
	[smem:$0x7D3] =	sst s6  }
0x32: {  	s9 =	sadd.s32 $0x12580, s7;
	[smem:$0x7D4] =	sst s8  }
0x33: {  	s11 =	sadd.s32 $0x16580, s7;
	[smem:$0x7D5] =	sst s9  }
0x34: {  	s12 =	sadd.s32 $0x1A580, s7;
	[smem:$0x7D6] =	sst s11  }
0x35: {  	[smem:$0x7D7] =	sst s12;
	s13 =	sadd.s32 $0x1E580, s7  }
0x36: {  	s14 =	sadd.s32 $0x4000, s7;
	[smem:$0x7D8] =	sst s13  }
0x37: {  	s15 =	sadd.s32 $0x8000, s7;
	[smem:$0x7D9] =	sst s14  }
0x38: {  	s16 =	sadd.s32 $0xC000, s7;
	[smem:$0x7DA] =	sst s15  }
0x39: {  	s17 =	sadd.s32 $0x10000, s7;
	[smem:$0x7DB] =	sst s16  }
0x3a: {  	s18 =	sadd.s32 $0x14000, s7;
	[smem:$0x7DC] =	sst s17  }
0x3b: {  	s19 =	sadd.s32 $0x18000, s7;
	[smem:$0x7DD] =	sst s18  }
0x3c: {  	s20 =	sadd.s32 $0x1C000, s7;
	[smem:$0x7DE] =	sst s19  }
0x3d: {  	s21 =	sadd.s32 $0x20000, s7;
	[smem:$0x7DF] =	sst s20  }
0x3e: {  	s22 =	sadd.s32 $0x24000, s7;
	[smem:$0x7E0] =	sst s21  }
0x3f: {  	s23 =	sadd.s32 $0x28000, s7;
	[smem:$0x7E1] =	sst s22  }
0x40: {  	s24 =	sadd.s32 $0x2C000, s7;
	[smem:$0x7E2] =	sst s23  }
0x41: {  	s25 =	sadd.s32 $0x30000, s7;
	[smem:$0x7E3] =	sst s24  }
0x42: {  	s26 =	sadd.s32 $0x34000, s7;
	[smem:$0x7E4] =	sst s25  }
0x43: {  	s31 =	sadd.s32 $0x38000, s7;
	[smem:$0x7E5] =	sst s26  }
0x44: {  	s1 =	sadd.s32 $0x3C000, s7;
	[smem:$0x7E6] =	sst s31  }
0x45: {  	s5 =	sadd.s32 $0x44000, s7;
	[smem:$0x7E7] =	sst s1  }
0x46: {  	s6 =	sadd.s32 $0x48000, s7;
	[smem:$0x7E9] =	sst s5  }
0x47: {  	s8 =	sadd.s32 $0x4C000, s7;
	[smem:$0x7EA] =	sst s6  }
0x48: {  	s9 =	sadd.s32 $0x50000, s7;
	[smem:$0x7EB] =	sst s8  }
0x49: {  	s11 =	sadd.s32 $0x54000, s7;
	[smem:$0x7EC] =	sst s9  }
0x4a: {  	s12 =	sadd.s32 $0x58000, s7;
	[smem:$0x7ED] =	sst s11  }
0x4b: {  	[smem:$0x7EE] =	sst s12;
	s13 =	sadd.s32 $0x5C000, s7  }
0x4c: {  	s14 =	sadd.s32 $0x60000, s7;
	[smem:$0x7EF] =	sst s13  }
0x4d: {  	s15 =	sadd.s32 $0x64000, s7;
	[smem:$0x7F0] =	sst s14  }
0x4e: {  	s4 =	sshrl.u32 s4, $0x3;
	[smem:$0x7F1] =	sst s15  }
0x4f: {  	[dreg:$0x9] =	wrdreg s4  }
0x50: {  	s16 =	sadd.s32 $0x68000, s7;
	s4 =	sld [smem:$0x7C3]  }
0x51: {  	s17 =	sadd.s32 $0x6C000, s7;
	[smem:$0x7F2] =	sst s16  }
0x52: {  	s18 =	sadd.s32 $0x70000, s7;
	[smem:$0x7F3] =	sst s17  }
0x53: {  	[smem:$0x7F4] =	sst s18;
	s4 =	sshrl.u32 s4, $0x3  }
0x54: {  	[dreg:$0xa] =	wrdreg s4  }
0x55: {  	s19 =	sadd.s32 $0x74000, s7;
	s4 =	sld [smem:$0x7C4]  }
0x56: {  	s20 =	sadd.s32 $0x78000, s7;
	[smem:$0x7F5] =	sst s19  }
0x57: {  	s21 =	sadd.s32 $0x7C000, s7;
	[smem:$0x7F6] =	sst s20  }
0x58: {  	[smem:$0x7F7] =	sst s21;
	s4 =	sshrl.u32 s4, $0x3  }
0x59: {  	[dreg:$0xb] =	wrdreg s4  }
0x5a: {  	s22 =	sadd.s32 $0x22580, s7;
	s4 =	sld [smem:$0x7C5]  }
0x5b: {  	s23 =	sadd.s32 $0x26580, s7;
	[smem:$0x7F8] =	sst s22  }
0x5c: {  	s24 =	sadd.s32 $0x2A580, s7;
	[smem:$0x7F9] =	sst s23  }
0x5d: {  	s28 =	simm.s32 $0x8400;
	[smem:$0x7FA] =	sst s24;
	s4 =	sshrl.u32 s4, $0x3  }
0x5e: {  	s29 =	simm.s32 $0x2;
	s30 =	simm.s32 $0x0;
	[dreg:$0xc] =	wrdreg s4  }
0x5f: {  	s25 =	sadd.s32 $0x2E580, s7;
	s26 =	sadd.s32 $0x32580, s7;
	s4 =	sld [smem:$0x7C6]  }
0x60: {  	s31 =	sadd.s32 $0x36580, s7;
	s6 =	sadd.s32 $0x3A580, s7;
	[smem:$0x7FB] =	sst s25  }
0x61: {  	s8 =	sadd.s32 $0x42580, s7;
	s9 =	sadd.s32 $0x46580, s7;
	[smem:$0x7FC] =	sst s26  }
0x62: {  	s11 =	sadd.s32 $0x4A580, s7;
	[smem:$0x7FD] =	sst s31;
	s4 =	sshrl.u32 s4, $0x3  }
0x63: {  	s12 =	sadd.s32 $0x4E580, s7;
	s13 =	sadd.s32 $0x52580, s7;
	[dreg:$0xd] =	wrdreg s4  }
0x64: {  	s14 =	sadd.s32 $0x56580, s7;
	s15 =	sadd.s32 $0x5A580, s7;
	s4 =	sld [smem:$0x7C7]  }
0x65: {  	s16 =	sadd.s32 $0x5E580, s7;
	s17 =	sadd.s32 $0x62580, s7;
	s18 =	sadd.s32 $0x66580, s7  }
0x66: {  	s19 =	sadd.s32 $0x6A580, s7;
	s20 =	sadd.s32 $0x6E580, s7;
	s21 =	sadd.s32 $0x72580, s7  }
0x67: {  	s22 =	sadd.s32 $0x76580, s7;
	s23 =	sadd.s32 $0x7A580, s7;
	s4 =	sshrl.u32 s4, $0x3  }
0x68: {  	s24 =	sadd.s32 $0x7E580, s7;
	[dreg:$0xe] =	wrdreg s4;
	s4 =	sadd.s32 $0x2580, s7  }
0x69: {  	s25 =	simm.s32 $0x3;
	[smem:$0x7D1] =	sst s4;
	s4 =	sadd.s32 $0x40000, s7  }
0x6a: {  	s26 =	simm.s32 $0x1;
	[smem:$0x7E8] =	sst s4;
	s4 =	sadd.s32 $0x3E580, s7  }
.LBB2_1:
0x6b: {  	s0 =	rddreg [dreg:$0x5]  }
0x6c: {  	[tilespmem:s2], [sflag:$0x3] =	stream.linear.gather [hbm4b:s0+s2], $0x4400, $0x38;
	v63 =	vld [tilespmem:$0x0]  }
0x6d: {  	s0 =	sadd.s32 $0x0, s10  }
0x6e: {  	p0 =	sgt.s32 s0, $0xFFFFFF80  }
0x6f: {  	s0 =	simm.s32 @!p0 $0xFFFFFF80  }
0x70: {  	p0 =	slt.s32 s0, $0x80  }
0x71: {  	s0 =	simm.s32 @!p0 $0x80  }
0x72: {  	_ =	swait.ge [sflag:s25], $0x4400;
	s0 =	ssub.s32 s0, s3  }
0x73: {  	[sflag:s25] =	ssyncset.done $0x0;
	s0 =	sshll.u32 s0, $0x9  }
0x74: {  	[sflag:s25] =	ssyncadd.s32 $0xFFFFBC00;
	s1 =	sshra.s32 s0, $0x2  }
0x75: {  	v0 =	vld [tilespmem:s1+$0x0];
	_ =	sdelay $0x3  }
0x76: {  	s31 =	simm.s32 $0x4440  }
0x77: {  	[tilespmem:s31+$0xFFFFFFC0] =	vst v0  }
0x78: {  	v0 =	vld [tilespmem:s1+$0x10];
	_ =	sdelay $0x4  }
0x79: {  	[tilespmem:s31+$0xFFFFFFD0] =	vst v0  }
0x7a: {  	v0 =	vld [tilespmem:s1+$0x20];
	_ =	sdelay $0x4  }
0x7b: {  	[tilespmem:s31+$0xFFFFFFE0] =	vst v0  }
0x7c: {  	v0 =	vld [tilespmem:s1+$0x30];
	_ =	sdelay $0x4  }
0x7d: {  	[tilespmem:s31+$0xFFFFFFF0] =	vst v0  }
0x7e: {  	v0 =	vld [tilespmem:s1+$0x40];
	_ =	sdelay $0x4  }
0x7f: {  	[tilespmem:s31+$0x0] =	vst v0  }
0x80: {  	v0 =	vld [tilespmem:s1+$0x50];
	_ =	sdelay $0x4  }
0x81: {  	[tilespmem:s31+$0x10] =	vst v0  }
0x82: {  	v0 =	vld [tilespmem:s1+$0x60];
	_ =	sdelay $0x3  }
0x83: {  	s5 =	sadd.s32 $0xFFFFFFFF, s10;
	s0 =	simm.s32 $0xFFFFFFFE  }
.LBB2_2:
0x84: {  	p0 =	sne.s32 s0, $0xFFFFFF81;
	p1 =	sgt.s32 s5, $0xFFFFFF80;
	[tilespmem:s31+$0x20] =	vst v0  }
0x85: {  	s5 =	simm.s32 @!p1 $0xFFFFFF80;
	v0 =	vld [tilespmem:s1+$0x70]  }
0x86: {  	p1 =	slt.s32 s5, $0x80  }
0x87: {  	s5 =	simm.s32 @!p1 $0x80  }
0x88: {  	s1 =	ssub.s32 s5, s3  }
0x89: {  	s1 =	sshll.u32 s1, $0x9  }
0x8a: {  	s1 =	sshra.s32 s1, $0x2;
	[tilespmem:s31+$0x30] =	vst v0  }
0x8b: {  	v0 =	vld [tilespmem:s1+$0x0];
	_ =	sdelay $0x3  }
0x8c: {  	s31 =	sadd.s32 $0x80, s31  }
0x8d: {  	[tilespmem:s31+$0xFFFFFFC0] =	vst v0  }
0x8e: {  	v0 =	vld [tilespmem:s1+$0x10];
	_ =	sdelay $0x4  }
0x8f: {  	[tilespmem:s31+$0xFFFFFFD0] =	vst v0  }
0x90: {  	v0 =	vld [tilespmem:s1+$0x20];
	_ =	sdelay $0x4  }
0x91: {  	[tilespmem:s31+$0xFFFFFFE0] =	vst v0  }
0x92: {  	v0 =	vld [tilespmem:s1+$0x30];
	_ =	sdelay $0x4  }
0x93: {  	[tilespmem:s31+$0xFFFFFFF0] =	vst v0  }
0x94: {  	v0 =	vld [tilespmem:s1+$0x40];
	_ =	sdelay $0x4  }
0x95: {  	[tilespmem:s31+$0x0] =	vst v0  }
0x96: {  	v0 =	vld [tilespmem:s1+$0x50];
	_ =	sdelay $0x4  }
0x97: {  	[tilespmem:s31+$0x10] =	vst v0  }
.Ltmp0:
0x98: {  	v0 =	vld [tilespmem:s1+$0x60];
	(pc) =	sbr.rel @p0 .LBB2_2-.Ltmp0, $2  }
0x99: {  	_ =	sdelay $0x2  }
0x9a: {  	s5 =	sadd.s32 s0, s10;
	s0 =	sadd.s32 $0xFFFFFFFF, s0  }
0x9b: {  	p0 =	sgt.s32 s5, $0xFFFFFF80;
	[tilespmem:s31+$0x20] =	vst v0  }
0x9c: {  	v0 =	vld [tilespmem:s1+$0x70];
	s5 =	simm.s32 @!p0 $0xFFFFFF80  }
0x9d: {  	p0 =	slt.s32 s5, $0x80  }
0x9e: {  	s5 =	simm.s32 @!p0 $0x80  }
0x9f: {  	s0 =	ssub.s32 s5, s3  }
0xa0: {  	s0 =	sshll.u32 s0, $0x9  }
0xa1: {  	s0 =	sshra.s32 s0, $0x2;
	[tilespmem:s31+$0x30] =	vst v0  }
0xa2: {  	v0 =	vld [tilespmem:s0+$0x0];
	_ =	sdelay $0x3  }
0xa3: {  	s31 =	sadd.s32 $0x80, s31  }
0xa4: {  	[tilespmem:s31+$0xFFFFFFC0] =	vst v0  }
0xa5: {  	v0 =	vld [tilespmem:s0+$0x10];
	_ =	sdelay $0x4  }
0xa6: {  	[tilespmem:s31+$0xFFFFFFD0] =	vst v0  }
0xa7: {  	v0 =	vld [tilespmem:s0+$0x20];
	_ =	sdelay $0x4  }
0xa8: {  	[tilespmem:s31+$0xFFFFFFE0] =	vst v0  }
0xa9: {  	v0 =	vld [tilespmem:s0+$0x30];
	_ =	sdelay $0x4  }
0xaa: {  	[tilespmem:s31+$0xFFFFFFF0] =	vst v0  }
0xab: {  	v0 =	vld [tilespmem:s0+$0x40];
	_ =	sdelay $0x4  }
0xac: {  	[tilespmem:s31+$0x0] =	vst v0  }
0xad: {  	v0 =	vld [tilespmem:s0+$0x50];
	_ =	sdelay $0x4  }
0xae: {  	[tilespmem:s31+$0x10] =	vst v0  }
0xaf: {  	v0 =	vld [tilespmem:s0+$0x60];
	_ =	sdelay $0x4  }
0xb0: {  	[tilespmem:s31+$0x20] =	vst v0  }
0xb1: {  	v0 =	vld [tilespmem:s0+$0x70];
	_ =	sdelay $0x4  }
0xb2: {  	s1 =	rddreg [dreg:$0x6];
	s5 =	simm.s32 $0x4400;
	[tilespmem:s31+$0x30] =	vst v0  }
0xb3: {  	[spmem:s1] =	stream.linear.scatter [tilespmem:s5], [sflag:$0x3], $0x4000, $0x38;
	v63 =	vld [tilespmem:$0x0]  }
0xb4: {  	_ =	swait.ge [sflag:s25], $0x4000  }
0xb5: {  	[sflag:s25] =	ssyncset.done $0x0  }
0xb6: {  	[sflag:s25] =	ssyncadd.s32 $0xFFFFC000  }
0xb7: {  	[bflag:$0x0] =	sbarrier.arrive $0xFFFF  }
0xb8: {  	s5 =	sld [smem:$0x7D1]  }
0xb9: {  	s31 =	rddreg [dreg:$0x4]  }
0xba: {  	s1 =	rddreg [dreg:$0x9];
	s31 =	sor.u32 $0x1C01, s31  }
0xbb: {  	[hbm:s5], [sflag:s31] =	dma.local [spmem:s1], $0x1A80  }
0xbc: {  	s1 =	sld [smem:$0x7D2];
	_ =	sdelay $0x1  }
0xbd: {  	s0 =	rddreg [dreg:$0xa]  }
0xbe: {  	[hbm:s1], [sflag:s31] =	dma.local [spmem:s0], $0x1A80  }
0xbf: {  	s1 =	sld [smem:$0x7D3];
	_ =	sdelay $0x1  }
0xc0: {  	s0 =	rddreg [dreg:$0xb]  }
0xc1: {  	[hbm:s1], [sflag:s31] =	dma.local [spmem:s0], $0x1A80  }
0xc2: {  	s1 =	sld [smem:$0x7D4];
	_ =	sdelay $0x1  }
0xc3: {  	s0 =	rddreg [dreg:$0xc]  }
0xc4: {  	[hbm:s1], [sflag:s31] =	dma.local [spmem:s0], $0x1A80  }
0xc5: {  	s1 =	sld [smem:$0x7D5];
	_ =	sdelay $0x1  }
0xc6: {  	s0 =	rddreg [dreg:$0xd]  }
0xc7: {  	[hbm:s1], [sflag:s31] =	dma.local [spmem:s0], $0x1A80  }
0xc8: {  	s1 =	sld [smem:$0x7D6];
	_ =	sdelay $0x1  }
0xc9: {  	s0 =	rddreg [dreg:$0xe]  }
0xca: {  	[hbm:s1], [sflag:s31] =	dma.local [spmem:s0], $0x1A80  }
0xcb: {  	s1 =	sld [smem:$0x7D7];
	_ =	sdelay $0x1  }
0xcc: {  	s0 =	rddreg [dreg:$0xf]  }
0xcd: {  	[hbm:s1], [sflag:s31] =	dma.local [spmem:s0], $0x1A80  }
0xce: {  	s1 =	sld [smem:$0x7D8];
	_ =	sdelay $0x1  }
0xcf: {  	s0 =	rddreg [dreg:$0x10]  }
0xd0: {  	[hbm:s1], [sflag:s31] =	dma.local [spmem:s0], $0x1A80  }
0xd1: {  	_ =	swait.ge [sflag:s26], $0x1A80  }
0xd2: {  	[sflag:s26] =	ssyncset.done $0x0  }
0xd3: {  	s1 =	rddreg [dreg:$0x7];
	[sflag:s26] =	ssyncadd.s32 $0xFFFFE580  }
0xd4: {  	[tilespmem:s28], [sflag:$0x3] =	stream.linear.gather [spmem:s1], $0x13B80, $0x38;
	v63 =	vld [tilespmem:$0x0]  }
0xd5: {  	_ =	swait.ge [sflag:s25], $0x13B80  }
0xd6: {  	[sflag:s25] =	ssyncset.done $0x0  }
0xd7: {  	s5 =	simm.s32 $0x9380;
	s1 =	sld [smem:$0x7D9];
	[sflag:s25] =	ssyncadd.s32 $0xFFFEC480  }
0xd8: {  	[hbm4b:s7+s2] =	stream.linear.scatter [tilespmem:s5], [sflag:$0x2], $0x12C00, $0x38;
	v63 =	vld [tilespmem:$0x0]  }
0xd9: {  	s5 =	simm.s32 $0x9300  }
0xda: {  	[hbm4b:s1+s2] =	stream.linear.scatter [tilespmem:s5], [sflag:$0x2], $0x12C00, $0x38;
	v63 =	vld [tilespmem:$0x0]  }
0xdb: {  	s1 =	sld [smem:$0x7DA];
	_ =	sdelay $0x1  }
0xdc: {  	s5 =	simm.s32 $0x9280  }
0xdd: {  	[hbm4b:s1+s2] =	stream.linear.scatter [tilespmem:s5], [sflag:$0x2], $0x12C00, $0x38;
	v63 =	vld [tilespmem:$0x0]  }
0xde: {  	s1 =	sld [smem:$0x7DB];
	_ =	sdelay $0x1  }
0xdf: {  	s5 =	simm.s32 $0x9200  }
0xe0: {  	[hbm4b:s1+s2] =	stream.linear.scatter [tilespmem:s5], [sflag:$0x2], $0x12C00, $0x38;
	v63 =	vld [tilespmem:$0x0]  }
0xe1: {  	s1 =	sld [smem:$0x7DC];
	_ =	sdelay $0x1  }
0xe2: {  	s5 =	simm.s32 $0x9180  }
0xe3: {  	[hbm4b:s1+s2] =	stream.linear.scatter [tilespmem:s5], [sflag:$0x2], $0x12C00, $0x38;
	v63 =	vld [tilespmem:$0x0]  }
0xe4: {  	s1 =	sld [smem:$0x7DD];
	_ =	sdelay $0x1  }
0xe5: {  	s5 =	simm.s32 $0x9100  }
0xe6: {  	[hbm4b:s1+s2] =	stream.linear.scatter [tilespmem:s5], [sflag:$0x2], $0x12C00, $0x38;
	v63 =	vld [tilespmem:$0x0]  }
0xe7: {  	s1 =	sld [smem:$0x7DE];
	_ =	sdelay $0x1  }
0xe8: {  	s5 =	simm.s32 $0x9080  }
0xe9: {  	[hbm4b:s1+s2] =	stream.linear.scatter [tilespmem:s5], [sflag:$0x2], $0x12C00, $0x38;
	v63 =	vld [tilespmem:$0x0]  }
0xea: {  	s1 =	sld [smem:$0x7DF];
	_ =	sdelay $0x1  }
0xeb: {  	s5 =	simm.s32 $0x9000  }
0xec: {  	[hbm4b:s1+s2] =	stream.linear.scatter [tilespmem:s5], [sflag:$0x2], $0x12C00, $0x38;
	v63 =	vld [tilespmem:$0x0]  }
0xed: {  	s1 =	sld [smem:$0x7E0];
	_ =	sdelay $0x1  }
0xee: {  	s5 =	simm.s32 $0x8F80  }
0xef: {  	[hbm4b:s1+s2] =	stream.linear.scatter [tilespmem:s5], [sflag:$0x2], $0x12C00, $0x38;
	v63 =	vld [tilespmem:$0x0]  }
0xf0: {  	s1 =	sld [smem:$0x7E1];
	_ =	sdelay $0x1  }
0xf1: {  	s5 =	simm.s32 $0x8F00  }
0xf2: {  	[hbm4b:s1+s2] =	stream.linear.scatter [tilespmem:s5], [sflag:$0x2], $0x12C00, $0x38;
	v63 =	vld [tilespmem:$0x0]  }
0xf3: {  	s1 =	sld [smem:$0x7E2];
	_ =	sdelay $0x1  }
0xf4: {  	s5 =	simm.s32 $0x8E80  }
0xf5: {  	[hbm4b:s1+s2] =	stream.linear.scatter [tilespmem:s5], [sflag:$0x2], $0x12C00, $0x38;
	v63 =	vld [tilespmem:$0x0]  }
0xf6: {  	s1 =	sld [smem:$0x7E3];
	_ =	sdelay $0x1  }
0xf7: {  	s5 =	simm.s32 $0x8E00  }
0xf8: {  	[hbm4b:s1+s2] =	stream.linear.scatter [tilespmem:s5], [sflag:$0x2], $0x12C00, $0x38;
	v63 =	vld [tilespmem:$0x0]  }
0xf9: {  	s1 =	sld [smem:$0x7E4];
	_ =	sdelay $0x1  }
0xfa: {  	s5 =	simm.s32 $0x8D80  }
0xfb: {  	[hbm4b:s1+s2] =	stream.linear.scatter [tilespmem:s5], [sflag:$0x2], $0x12C00, $0x38;
	v63 =	vld [tilespmem:$0x0]  }
0xfc: {  	s1 =	sld [smem:$0x7E5];
	_ =	sdelay $0x1  }
0xfd: {  	s5 =	simm.s32 $0x8D00  }
0xfe: {  	[hbm4b:s1+s2] =	stream.linear.scatter [tilespmem:s5], [sflag:$0x2], $0x12C00, $0x38;
	v63 =	vld [tilespmem:$0x0]  }
0xff: {  	s1 =	sld [smem:$0x7E6];
	_ =	sdelay $0x1  }
0x100: {  	s5 =	simm.s32 $0x8C80  }
0x101: {  	[hbm4b:s1+s2] =	stream.linear.scatter [tilespmem:s5], [sflag:$0x2], $0x12C00, $0x38;
	v63 =	vld [tilespmem:$0x0]  }
0x102: {  	s1 =	sld [smem:$0x7E7];
	_ =	sdelay $0x1  }
0x103: {  	s5 =	simm.s32 $0x8C00  }
0x104: {  	[hbm4b:s1+s2] =	stream.linear.scatter [tilespmem:s5], [sflag:$0x2], $0x12C00, $0x38;
	v63 =	vld [tilespmem:$0x0]  }
0x105: {  	s1 =	sld [smem:$0x7E8];
	_ =	sdelay $0x1  }
0x106: {  	s5 =	simm.s32 $0x8B80  }
0x107: {  	[hbm4b:s1+s2] =	stream.linear.scatter [tilespmem:s5], [sflag:$0x2], $0x12C00, $0x38;
	v63 =	vld [tilespmem:$0x0]  }
0x108: {  	s1 =	sld [smem:$0x7E9];
	_ =	sdelay $0x1  }
0x109: {  	s5 =	simm.s32 $0x8B00  }
0x10a: {  	[hbm4b:s1+s2] =	stream.linear.scatter [tilespmem:s5], [sflag:$0x2], $0x12C00, $0x38;
	v63 =	vld [tilespmem:$0x0]  }
0x10b: {  	s1 =	sld [smem:$0x7EA];
	_ =	sdelay $0x1  }
0x10c: {  	s5 =	simm.s32 $0x8A80  }
0x10d: {  	[hbm4b:s1+s2] =	stream.linear.scatter [tilespmem:s5], [sflag:$0x2], $0x12C00, $0x38;
	v63 =	vld [tilespmem:$0x0]  }
0x10e: {  	s1 =	sld [smem:$0x7EB];
	_ =	sdelay $0x1  }
0x10f: {  	s5 =	simm.s32 $0x8A00  }
0x110: {  	[hbm4b:s1+s2] =	stream.linear.scatter [tilespmem:s5], [sflag:$0x2], $0x12C00, $0x38;
	v63 =	vld [tilespmem:$0x0]  }
0x111: {  	s1 =	sld [smem:$0x7EC];
	_ =	sdelay $0x1  }
0x112: {  	s5 =	simm.s32 $0x8980  }
0x113: {  	[hbm4b:s1+s2] =	stream.linear.scatter [tilespmem:s5], [sflag:$0x2], $0x12C00, $0x38;
	v63 =	vld [tilespmem:$0x0]  }
0x114: {  	s1 =	sld [smem:$0x7ED];
	_ =	sdelay $0x1  }
0x115: {  	s5 =	simm.s32 $0x8900  }
0x116: {  	[hbm4b:s1+s2] =	stream.linear.scatter [tilespmem:s5], [sflag:$0x2], $0x12C00, $0x38;
	v63 =	vld [tilespmem:$0x0]  }
0x117: {  	s1 =	sld [smem:$0x7EE];
	_ =	sdelay $0x1  }
0x118: {  	s5 =	simm.s32 $0x8880  }
0x119: {  	[hbm4b:s1+s2] =	stream.linear.scatter [tilespmem:s5], [sflag:$0x2], $0x12C00, $0x38;
	v63 =	vld [tilespmem:$0x0]  }
0x11a: {  	s1 =	sld [smem:$0x7EF];
	_ =	sdelay $0x1  }
0x11b: {  	s5 =	simm.s32 $0x8800  }
0x11c: {  	[hbm4b:s1+s2] =	stream.linear.scatter [tilespmem:s5], [sflag:$0x2], $0x12C00, $0x38;
	v63 =	vld [tilespmem:$0x0]  }
0x11d: {  	s1 =	sld [smem:$0x7F0];
	_ =	sdelay $0x1  }
0x11e: {  	s5 =	simm.s32 $0x8780  }
0x11f: {  	[hbm4b:s1+s2] =	stream.linear.scatter [tilespmem:s5], [sflag:$0x2], $0x12C00, $0x38;
	v63 =	vld [tilespmem:$0x0]  }
0x120: {  	s1 =	sld [smem:$0x7F1];
	_ =	sdelay $0x1  }
0x121: {  	s5 =	simm.s32 $0x8700  }
0x122: {  	[hbm4b:s1+s2] =	stream.linear.scatter [tilespmem:s5], [sflag:$0x2], $0x12C00, $0x38;
	v63 =	vld [tilespmem:$0x0]  }
0x123: {  	s1 =	sld [smem:$0x7F2];
	_ =	sdelay $0x1  }
0x124: {  	s5 =	simm.s32 $0x8680  }
0x125: {  	[hbm4b:s1+s2] =	stream.linear.scatter [tilespmem:s5], [sflag:$0x2], $0x12C00, $0x38;
	v63 =	vld [tilespmem:$0x0]  }
0x126: {  	s1 =	sld [smem:$0x7F3];
	_ =	sdelay $0x1  }
0x127: {  	s5 =	simm.s32 $0x8600  }
0x128: {  	[hbm4b:s1+s2] =	stream.linear.scatter [tilespmem:s5], [sflag:$0x2], $0x12C00, $0x38;
	v63 =	vld [tilespmem:$0x0]  }
0x129: {  	s1 =	sld [smem:$0x7F4];
	_ =	sdelay $0x1  }
0x12a: {  	s5 =	simm.s32 $0x8580  }
0x12b: {  	[hbm4b:s1+s2] =	stream.linear.scatter [tilespmem:s5], [sflag:$0x2], $0x12C00, $0x38;
	v63 =	vld [tilespmem:$0x0]  }
0x12c: {  	s1 =	sld [smem:$0x7F5];
	_ =	sdelay $0x1  }
0x12d: {  	s5 =	simm.s32 $0x8500  }
0x12e: {  	[hbm4b:s1+s2] =	stream.linear.scatter [tilespmem:s5], [sflag:$0x2], $0x12C00, $0x38;
	v63 =	vld [tilespmem:$0x0]  }
0x12f: {  	s1 =	sld [smem:$0x7F6];
	_ =	sdelay $0x1  }
0x130: {  	s5 =	simm.s32 $0x8480  }
0x131: {  	[hbm4b:s1+s2] =	stream.linear.scatter [tilespmem:s5], [sflag:$0x2], $0x12C00, $0x38;
	v63 =	vld [tilespmem:$0x0]  }
0x132: {  	s5 =	sld [smem:$0x7F7];
	_ =	sdelay $0x2  }
0x133: {  	[hbm4b:s5+s2] =	stream.linear.scatter [tilespmem:s28], [sflag:$0x2], $0x12C00, $0x38;
	v63 =	vld [tilespmem:$0x0]  }
0x134: {  	s5 =	sld [smem:$0x7F8];
	_ =	sdelay $0x1  }
0x135: {  	s1 =	rddreg [dreg:$0x11]  }
0x136: {  	[hbm:s5], [sflag:s31] =	dma.local [spmem:s1], $0x1A80  }
0x137: {  	_ =	swait.ge [sflag:s26], $0x1A80  }
0x138: {  	s5 =	sld [smem:$0x7F9]  }
0x139: {  	[sflag:s26] =	ssyncset.done $0x0  }
0x13a: {  	s1 =	rddreg [dreg:$0x12];
	[sflag:s26] =	ssyncadd.s32 $0xFFFFE580  }
0x13b: {  	[hbm:s5], [sflag:s31] =	dma.local [spmem:s1], $0x1A80  }
0x13c: {  	_ =	swait.ge [sflag:s26], $0x1A80  }
0x13d: {  	s5 =	sld [smem:$0x7FA]  }
0x13e: {  	[sflag:s26] =	ssyncset.done $0x0  }
0x13f: {  	s1 =	rddreg [dreg:$0x13];
	[sflag:s26] =	ssyncadd.s32 $0xFFFFE580  }
0x140: {  	[hbm:s5], [sflag:s31] =	dma.local [spmem:s1], $0x1A80  }
0x141: {  	_ =	swait.ge [sflag:s26], $0x1A80  }
0x142: {  	s5 =	sld [smem:$0x7FB]  }
0x143: {  	[sflag:s26] =	ssyncset.done $0x0  }
0x144: {  	s1 =	rddreg [dreg:$0x14];
	[sflag:s26] =	ssyncadd.s32 $0xFFFFE580  }
0x145: {  	[hbm:s5], [sflag:s31] =	dma.local [spmem:s1], $0x1A80  }
0x146: {  	_ =	swait.ge [sflag:s26], $0x1A80  }
0x147: {  	s5 =	sld [smem:$0x7FC]  }
0x148: {  	[sflag:s26] =	ssyncset.done $0x0  }
0x149: {  	s1 =	rddreg [dreg:$0x15];
	[sflag:s26] =	ssyncadd.s32 $0xFFFFE580  }
0x14a: {  	[hbm:s5], [sflag:s31] =	dma.local [spmem:s1], $0x1A80  }
0x14b: {  	_ =	swait.ge [sflag:s26], $0x1A80  }
0x14c: {  	s5 =	sld [smem:$0x7FD]  }
0x14d: {  	[sflag:s26] =	ssyncset.done $0x0  }
0x14e: {  	s1 =	rddreg [dreg:$0x16];
	[sflag:s26] =	ssyncadd.s32 $0xFFFFE580  }
0x14f: {  	[hbm:s5], [sflag:s31] =	dma.local [spmem:s1], $0x1A80  }
0x150: {  	_ =	swait.ge [sflag:s26], $0x1A80  }
0x151: {  	[sflag:s26] =	ssyncset.done $0x0  }
0x152: {  	s1 =	rddreg [dreg:$0x17];
	[sflag:s26] =	ssyncadd.s32 $0xFFFFE580  }
0x153: {  	[hbm:s6], [sflag:s31] =	dma.local [spmem:s1], $0x1A80  }
0x154: {  	_ =	swait.ge [sflag:s26], $0x1A80  }
0x155: {  	[sflag:s26] =	ssyncset.done $0x0  }
0x156: {  	s5 =	rddreg [dreg:$0x18];
	[sflag:s26] =	ssyncadd.s32 $0xFFFFE580  }
0x157: {  	[hbm:s4], [sflag:s31] =	dma.local [spmem:s5], $0x1A80  }
0x158: {  	_ =	swait.ge [sflag:s26], $0x1A80  }
0x159: {  	[sflag:s26] =	ssyncset.done $0x0  }
0x15a: {  	s1 =	rddreg [dreg:$0x19];
	[sflag:s26] =	ssyncadd.s32 $0xFFFFE580  }
0x15b: {  	[hbm:s8], [sflag:s31] =	dma.local [spmem:s1], $0x1A80  }
0x15c: {  	_ =	swait.ge [sflag:s26], $0x1A80  }
0x15d: {  	[sflag:s26] =	ssyncset.done $0x0  }
0x15e: {  	s5 =	rddreg [dreg:$0x1a];
	[sflag:s26] =	ssyncadd.s32 $0xFFFFE580  }
0x15f: {  	[hbm:s9], [sflag:s31] =	dma.local [spmem:s5], $0x1A80  }
0x160: {  	_ =	swait.ge [sflag:s26], $0x1A80  }
0x161: {  	[sflag:s26] =	ssyncset.done $0x0  }
0x162: {  	s1 =	rddreg [dreg:$0x1b];
	[sflag:s26] =	ssyncadd.s32 $0xFFFFE580  }
0x163: {  	[hbm:s11], [sflag:s31] =	dma.local [spmem:s1], $0x1A80  }
0x164: {  	_ =	swait.ge [sflag:s26], $0x1A80  }
0x165: {  	[sflag:s26] =	ssyncset.done $0x0  }
0x166: {  	s5 =	rddreg [dreg:$0x1c];
	[sflag:s26] =	ssyncadd.s32 $0xFFFFE580  }
0x167: {  	[hbm:s12], [sflag:s31] =	dma.local [spmem:s5], $0x1A80  }
0x168: {  	_ =	swait.ge [sflag:s26], $0x1A80  }
0x169: {  	[sflag:s26] =	ssyncset.done $0x0  }
0x16a: {  	s1 =	rddreg [dreg:$0x1d];
	[sflag:s26] =	ssyncadd.s32 $0xFFFFE580  }
0x16b: {  	[hbm:s13], [sflag:s31] =	dma.local [spmem:s1], $0x1A80  }
0x16c: {  	_ =	swait.ge [sflag:s26], $0x1A80  }
0x16d: {  	[sflag:s26] =	ssyncset.done $0x0  }
0x16e: {  	s5 =	rddreg [dreg:$0x1e];
	[sflag:s26] =	ssyncadd.s32 $0xFFFFE580  }
0x16f: {  	[hbm:s14], [sflag:s31] =	dma.local [spmem:s5], $0x1A80  }
0x170: {  	_ =	swait.ge [sflag:s26], $0x1A80  }
0x171: {  	[sflag:s26] =	ssyncset.done $0x0  }
0x172: {  	s1 =	rddreg [dreg:$0x1f];
	[sflag:s26] =	ssyncadd.s32 $0xFFFFE580  }
0x173: {  	[hbm:s15], [sflag:s31] =	dma.local [spmem:s1], $0x1A80  }
0x174: {  	_ =	swait.ge [sflag:s26], $0x1A80  }
0x175: {  	s5 =	sld [smem:$0x7C8]  }
0x176: {  	[sflag:s26] =	ssyncset.done $0x0  }
0x177: {  	[sflag:s26] =	ssyncadd.s32 $0xFFFFE580  }
0x178: {  	[hbm:s16], [sflag:s31] =	dma.local [spmem:s5], $0x1A80  }
0x179: {  	_ =	swait.ge [sflag:s26], $0x1A80  }
0x17a: {  	s1 =	sld [smem:$0x7C9]  }
0x17b: {  	[sflag:s26] =	ssyncset.done $0x0  }
0x17c: {  	[sflag:s26] =	ssyncadd.s32 $0xFFFFE580  }
0x17d: {  	[hbm:s17], [sflag:s31] =	dma.local [spmem:s1], $0x1A80  }
0x17e: {  	_ =	swait.ge [sflag:s26], $0x1A80  }
0x17f: {  	s5 =	sld [smem:$0x7CA]  }
0x180: {  	[sflag:s26] =	ssyncset.done $0x0  }
0x181: {  	[sflag:s26] =	ssyncadd.s32 $0xFFFFE580  }
0x182: {  	[hbm:s18], [sflag:s31] =	dma.local [spmem:s5], $0x1A80  }
0x183: {  	_ =	swait.ge [sflag:s26], $0x1A80  }
0x184: {  	s1 =	sld [smem:$0x7CB]  }
0x185: {  	[sflag:s26] =	ssyncset.done $0x0  }
0x186: {  	[sflag:s26] =	ssyncadd.s32 $0xFFFFE580  }
0x187: {  	[hbm:s19], [sflag:s31] =	dma.local [spmem:s1], $0x1A80  }
0x188: {  	_ =	swait.ge [sflag:s26], $0x1A80  }
0x189: {  	s5 =	sld [smem:$0x7CC]  }
0x18a: {  	[sflag:s26] =	ssyncset.done $0x0  }
0x18b: {  	[sflag:s26] =	ssyncadd.s32 $0xFFFFE580  }
0x18c: {  	[hbm:s20], [sflag:s31] =	dma.local [spmem:s5], $0x1A80  }
0x18d: {  	_ =	swait.ge [sflag:s26], $0x1A80  }
0x18e: {  	s1 =	sld [smem:$0x7CD]  }
0x18f: {  	[sflag:s26] =	ssyncset.done $0x0  }
0x190: {  	[sflag:s26] =	ssyncadd.s32 $0xFFFFE580  }
0x191: {  	[hbm:s21], [sflag:s31] =	dma.local [spmem:s1], $0x1A80  }
0x192: {  	_ =	swait.ge [sflag:s26], $0x1A80  }
0x193: {  	s5 =	sld [smem:$0x7CE]  }
0x194: {  	[sflag:s26] =	ssyncset.done $0x0  }
0x195: {  	[sflag:s26] =	ssyncadd.s32 $0xFFFFE580  }
0x196: {  	[hbm:s22], [sflag:s31] =	dma.local [spmem:s5], $0x1A80  }
0x197: {  	_ =	swait.ge [sflag:s26], $0x1A80  }
0x198: {  	s1 =	sld [smem:$0x7CF]  }
0x199: {  	[sflag:s26] =	ssyncset.done $0x0  }
0x19a: {  	[sflag:s26] =	ssyncadd.s32 $0xFFFFE580  }
0x19b: {  	[hbm:s23], [sflag:s31] =	dma.local [spmem:s1], $0x1A80  }
0x19c: {  	_ =	swait.ge [sflag:s26], $0x1A80  }
0x19d: {  	s5 =	sld [smem:$0x7D0]  }
0x19e: {  	[sflag:s26] =	ssyncset.done $0x0  }
0x19f: {  	[sflag:s26] =	ssyncadd.s32 $0xFFFFE580  }
0x1a0: {  	[hbm:s24], [sflag:s31] =	dma.local [spmem:s5], $0x1A80  }
0x1a1: {  	_ =	swait.ge [sflag:s26], $0x1A80  }
0x1a2: {  	[sflag:s26] =	ssyncset.done $0x0  }
0x1a3: {  	[sflag:s26] =	ssyncadd.s32 $0xFFFFE580  }
0x1a4: {  	_ =	swait.ge [sflag:s26], $0x1A80  }
0x1a5: {  	[sflag:s26] =	ssyncset.done $0x0  }
0x1a6: {  	[sflag:s26] =	ssyncadd.s32 $0xFFFFE580  }
0x1a7: {  	_ =	swait.ge [sflag:s26], $0x1A80  }
0x1a8: {  	[sflag:s26] =	ssyncset.done $0x0  }
0x1a9: {  	[sflag:s26] =	ssyncadd.s32 $0xFFFFE580  }
0x1aa: {  	_ =	swait.ge [sflag:s26], $0x1A80  }
0x1ab: {  	[sflag:s26] =	ssyncset.done $0x0  }
0x1ac: {  	[sflag:s26] =	ssyncadd.s32 $0xFFFFE580  }
0x1ad: {  	_ =	swait.ge [sflag:s26], $0x1A80  }
0x1ae: {  	[sflag:s26] =	ssyncset.done $0x0  }
0x1af: {  	[sflag:s26] =	ssyncadd.s32 $0xFFFFE580  }
0x1b0: {  	_ =	swait.ge [sflag:s26], $0x1A80  }
0x1b1: {  	[sflag:s26] =	ssyncset.done $0x0  }
0x1b2: {  	[sflag:s26] =	ssyncadd.s32 $0xFFFFE580  }
0x1b3: {  	_ =	swait.ge [sflag:s26], $0x1A80  }
0x1b4: {  	[sflag:s26] =	ssyncset.done $0x0  }
0x1b5: {  	[sflag:s26] =	ssyncadd.s32 $0xFFFFE580  }
0x1b6: {  	_ =	swait.ge [sflag:s26], $0x1A80  }
0x1b7: {  	[sflag:s26] =	ssyncset.done $0x0  }
0x1b8: {  	[sflag:s26] =	ssyncadd.s32 $0xFFFFE580  }
0x1b9: {  	_ =	swait.ge [sflag:s29], $0x12C00  }
0x1ba: {  	[sflag:s29] =	ssyncset.done $0x0  }
0x1bb: {  	[sflag:s29] =	ssyncadd.s32 $0xFFFED400  }
0x1bc: {  	_ =	swait.ge [sflag:s29], $0x12C00  }
0x1bd: {  	[sflag:s29] =	ssyncset.done $0x0  }
0x1be: {  	[sflag:s29] =	ssyncadd.s32 $0xFFFED400  }
0x1bf: {  	_ =	swait.ge [sflag:s29], $0x12C00  }
0x1c0: {  	[sflag:s29] =	ssyncset.done $0x0  }
0x1c1: {  	[sflag:s29] =	ssyncadd.s32 $0xFFFED400  }
0x1c2: {  	_ =	swait.ge [sflag:s29], $0x12C00  }
0x1c3: {  	[sflag:s29] =	ssyncset.done $0x0  }
0x1c4: {  	[sflag:s29] =	ssyncadd.s32 $0xFFFED400  }
0x1c5: {  	_ =	swait.ge [sflag:s29], $0x12C00  }
0x1c6: {  	[sflag:s29] =	ssyncset.done $0x0  }
0x1c7: {  	[sflag:s29] =	ssyncadd.s32 $0xFFFED400  }
0x1c8: {  	_ =	swait.ge [sflag:s29], $0x12C00  }
0x1c9: {  	[sflag:s29] =	ssyncset.done $0x0  }
0x1ca: {  	[sflag:s29] =	ssyncadd.s32 $0xFFFED400  }
0x1cb: {  	_ =	swait.ge [sflag:s29], $0x12C00  }
0x1cc: {  	[sflag:s29] =	ssyncset.done $0x0  }
0x1cd: {  	[sflag:s29] =	ssyncadd.s32 $0xFFFED400  }
0x1ce: {  	_ =	swait.ge [sflag:s29], $0x12C00  }
0x1cf: {  	[sflag:s29] =	ssyncset.done $0x0  }
0x1d0: {  	[sflag:s29] =	ssyncadd.s32 $0xFFFED400  }
0x1d1: {  	_ =	swait.ge [sflag:s29], $0x12C00  }
0x1d2: {  	[sflag:s29] =	ssyncset.done $0x0  }
0x1d3: {  	[sflag:s29] =	ssyncadd.s32 $0xFFFED400  }
0x1d4: {  	_ =	swait.ge [sflag:s29], $0x12C00  }
0x1d5: {  	[sflag:s29] =	ssyncset.done $0x0  }
0x1d6: {  	[sflag:s29] =	ssyncadd.s32 $0xFFFED400  }
0x1d7: {  	_ =	swait.ge [sflag:s29], $0x12C00  }
0x1d8: {  	[sflag:s29] =	ssyncset.done $0x0  }
0x1d9: {  	[sflag:s29] =	ssyncadd.s32 $0xFFFED400  }
0x1da: {  	_ =	swait.ge [sflag:s29], $0x12C00  }
0x1db: {  	[sflag:s29] =	ssyncset.done $0x0  }
0x1dc: {  	[sflag:s29] =	ssyncadd.s32 $0xFFFED400  }
0x1dd: {  	_ =	swait.ge [sflag:s29], $0x12C00  }
0x1de: {  	[sflag:s29] =	ssyncset.done $0x0  }
0x1df: {  	[sflag:s29] =	ssyncadd.s32 $0xFFFED400  }
0x1e0: {  	_ =	swait.ge [sflag:s29], $0x12C00  }
0x1e1: {  	[sflag:s29] =	ssyncset.done $0x0  }
0x1e2: {  	[sflag:s29] =	ssyncadd.s32 $0xFFFED400  }
0x1e3: {  	_ =	swait.ge [sflag:s29], $0x12C00  }
0x1e4: {  	[sflag:s29] =	ssyncset.done $0x0  }
0x1e5: {  	[sflag:s29] =	ssyncadd.s32 $0xFFFED400  }
0x1e6: {  	_ =	swait.ge [sflag:s29], $0x12C00  }
0x1e7: {  	[sflag:s29] =	ssyncset.done $0x0  }
0x1e8: {  	[sflag:s29] =	ssyncadd.s32 $0xFFFED400  }
0x1e9: {  	_ =	swait.ge [sflag:s29], $0x12C00  }
0x1ea: {  	[sflag:s29] =	ssyncset.done $0x0  }
0x1eb: {  	[sflag:s29] =	ssyncadd.s32 $0xFFFED400  }
0x1ec: {  	_ =	swait.ge [sflag:s29], $0x12C00  }
0x1ed: {  	[sflag:s29] =	ssyncset.done $0x0  }
0x1ee: {  	[sflag:s29] =	ssyncadd.s32 $0xFFFED400  }
0x1ef: {  	_ =	swait.ge [sflag:s29], $0x12C00  }
0x1f0: {  	[sflag:s29] =	ssyncset.done $0x0  }
0x1f1: {  	[sflag:s29] =	ssyncadd.s32 $0xFFFED400  }
0x1f2: {  	_ =	swait.ge [sflag:s29], $0x12C00  }
0x1f3: {  	[sflag:s29] =	ssyncset.done $0x0  }
0x1f4: {  	[sflag:s29] =	ssyncadd.s32 $0xFFFED400  }
0x1f5: {  	_ =	swait.ge [sflag:s29], $0x12C00  }
0x1f6: {  	[sflag:s29] =	ssyncset.done $0x0  }
0x1f7: {  	[sflag:s29] =	ssyncadd.s32 $0xFFFED400  }
0x1f8: {  	_ =	swait.ge [sflag:s29], $0x12C00  }
0x1f9: {  	[sflag:s29] =	ssyncset.done $0x0  }
0x1fa: {  	[sflag:s29] =	ssyncadd.s32 $0xFFFED400  }
0x1fb: {  	_ =	swait.ge [sflag:s29], $0x12C00  }
0x1fc: {  	[sflag:s29] =	ssyncset.done $0x0  }
0x1fd: {  	[sflag:s29] =	ssyncadd.s32 $0xFFFED400  }
0x1fe: {  	_ =	swait.ge [sflag:s29], $0x12C00  }
0x1ff: {  	[sflag:s29] =	ssyncset.done $0x0  }
0x200: {  	[sflag:s29] =	ssyncadd.s32 $0xFFFED400  }
0x201: {  	_ =	swait.ge [sflag:s29], $0x12C00  }
0x202: {  	[sflag:s29] =	ssyncset.done $0x0  }
0x203: {  	[sflag:s29] =	ssyncadd.s32 $0xFFFED400  }
0x204: {  	_ =	swait.ge [sflag:s29], $0x12C00  }
0x205: {  	[sflag:s29] =	ssyncset.done $0x0  }
0x206: {  	[sflag:s29] =	ssyncadd.s32 $0xFFFED400  }
0x207: {  	_ =	swait.ge [sflag:s29], $0x12C00  }
0x208: {  	[sflag:s29] =	ssyncset.done $0x0  }
0x209: {  	[sflag:s29] =	ssyncadd.s32 $0xFFFED400  }
0x20a: {  	_ =	swait.ge [sflag:s29], $0x12C00  }
0x20b: {  	[sflag:s29] =	ssyncset.done $0x0  }
0x20c: {  	[sflag:s29] =	ssyncadd.s32 $0xFFFED400  }
0x20d: {  	_ =	swait.ge [sflag:s29], $0x12C00  }
0x20e: {  	[sflag:s29] =	ssyncset.done $0x0  }
0x20f: {  	[sflag:s29] =	ssyncadd.s32 $0xFFFED400  }
0x210: {  	_ =	swait.ge [sflag:s29], $0x12C00  }
0x211: {  	[sflag:s29] =	ssyncset.done $0x0  }
0x212: {  	[sflag:s29] =	ssyncadd.s32 $0xFFFED400  }
0x213: {  	_ =	swait.ge [sflag:s29], $0x12C00  }
0x214: {  	[sflag:s29] =	ssyncset.done $0x0  }
0x215: {  	[sflag:s29] =	ssyncadd.s32 $0xFFFED400  }
0x216: {  	_ =	swait.ge [sflag:s29], $0x12C00  }
0x217: {  	s30 =	sadd.s32 $0x1, s30;
	s31 =	rddreg [dreg:$0x8]  }
0x218: {  	p0 =	sne.s32 s30, s31  }
.Ltmp1:
0x219: {  	_ = 	snop;
	(pc) =	sbr.rel @p0 .LBB2_1-.Ltmp1, $3  }
0x21a: {  	_ =	sdelay $0x1  }
0x21b: {  	[sflag:s29] =	ssyncset.done $0x0  }
0x21c: {  	[sflag:s29] =	ssyncadd.s32 $0xFFFED400  }
0x21d: {  	_ =	sfence.sel $0x180000  }
0x21e: {  	[bflag:$0x0] =	sbarrier.arrive $0xFFFF  }
0x21f: {  	_ =	strace $0x90000047  }
0x220: {  	s0 =	stileid.u32;
	[bflag:$0x2] =	sbarrier.arrive $0xFFFF  }
0x221: {  	p0 =	sne.s32 s0, $0x0;
	s0 =	rddreg [dreg:$0x3]  }
0x222: {  	s0 =	sadd.s32 @!p0 $0x100000, s0  }
0x223: {  	[sflag:s0] =	ssyncadd.tile.s32 @!p0 $0x1;
	_ =	shalt  }
.Lfunc_end2:
_tile_overlayer_lowered:
.L_overlay_start_2:
0x224: {  	(tag) =	ssettag $0x2  }
0x225: {  	s0 =	rddreg [dreg:$0x0];
	s2 =	stileid.u32  }
0x226: {  	s1 =	rddreg [dreg:$0x1];
	p0 =	sne.s32 s2, $0x0  }
0x227: {  	s3 =	rddreg [dreg:$0x2];
	[bflag:$0x3] =	sbarrier.arrive $0xFFFF;
	s2 =	simm.s32 @!p0 $0x1C03  }
0x228: {  	[timem:s3], [sflag:s2] =	dma.local @!p0 [hbm:s0], s1  }
0x229: {  	s0 =	simm.s32 @!p0 $0x3  }
0x22a: {  	_ =	swait.ge @!p0 [sflag:s0], s1  }
0x22b: {  	s1 =	ssub.s32 @!p0 $0x0, s1;
	[sflag:s0] =	ssyncset.done @!p0 $0x0  }
0x22c: {  	[sflag:s0] =	ssyncadd.s32 @!p0 s1  }
0x22d: {  	[bflag:$0x3] =	sbarrier.arrive $0xFFFF  }
0x22e: {  	_ =	shalt  }

</sc_bundles>
